<compile_context>
chip_gen: v7x
topology: tpu7x:2x2x1
jax: 0.10.2.dev20260603
libtpu: 0.0.44.dev20260713+nightly
codegen_flags: <defaults>
</compile_context>

<pallas_src>
import functools
import math

import jax
import jax.numpy as jnp
import numpy as np
from jax import lax
from jax.experimental import pallas as pl
from jax.experimental.pallas import tpu as pltpu
from jax.experimental.pallas import tpu_sc as plsc

_phi = (1.0 + np.sqrt(5.0)) / 2.0
_verts = np.array([[-1.0, _phi, 0.0], [1.0, _phi, 0.0], [-1.0, -_phi, 0.0],
                   [1.0, -_phi, 0.0], [0.0, -1.0, _phi], [0.0, 1.0, _phi],
                   [0.0, -1.0, -_phi], [0.0, 1.0, -_phi], [_phi, 0.0, -1.0],
                   [_phi, 0.0, 1.0], [-_phi, 0.0, -1.0], [-_phi, 0.0, 1.0]],
                  dtype=np.float32)
_VS = _verts / np.linalg.norm(_verts, axis=-1, keepdims=True)
_ROLL = np.array([[0, 1, 2, 3, 4, 5], [0, 2, 3, 4, 5, 1], [0, 3, 4, 5, 1, 2],
                  [0, 4, 5, 1, 2, 3], [0, 5, 1, 2, 3, 4]])
_CC = np.array([[0, 1, 2, 3, 4, 5], [0, 5, 4, 3, 2, 1], [2, 5, 4, 1, 0, 3],
                [5, 0, 1, 3, 2, 4], [3, 5, 2, 0, 4, 1], [4, 0, 5, 2, 1, 3],
                [1, 3, 4, 2, 0, 5], [1, 0, 2, 4, 3, 5], [4, 1, 2, 5, 0, 3],
                [3, 1, 4, 0, 2, 5], [5, 1, 0, 4, 2, 3], [2, 4, 5, 3, 0, 1]])
_C2V = np.array([[0, 1], [6, 7], [2, 11], [4, 9], [5, 8], [3, 10]])
_INV = np.argsort(_CC, axis=-1)

V = 10000
N = 16
P_PAD = 10240
BP = 1024
NBLK = P_PAD // BP
B_TOT = V * N
NW = 32
B_PAD = 163840
BPW = B_PAD // NW
VPAD = 10240


def _sc_gather_build():
    mesh = plsc.VectorSubcoreMesh(core_axis_name="c", subcore_axis_name="s")

    @functools.partial(
        pl.kernel,
        mesh=mesh,
        compiler_params=pltpu.CompilerParams(needs_layout_passes=False),
        out_type=jax.ShapeDtypeStruct((3 * B_PAD,), jnp.float32),
        scratch_types=[
            pltpu.VMEM((3 * VPAD,), jnp.float32),
            pltpu.VMEM((BPW,), jnp.int32),
            pltpu.VMEM((3 * BPW,), jnp.float32),
        ],
    )
    def sc_gather(table_hbm, idx_hbm, out_hbm, tab_v, idx_v, rows_v):
        wid = lax.axis_index("s") * 2 + lax.axis_index("c")
        pltpu.sync_copy(table_hbm, tab_v)
        pltpu.sync_copy(idx_hbm.at[pl.ds(wid * BPW, BPW)], idx_v)

        def body(j, carry):
            o = pl.multiple_of(j * 16, 16)
            iv = idx_v[pl.ds(o, 16)]
            for c in range(3):
                g = plsc.load_gather(tab_v, [iv + c * VPAD])
                rows_v[pl.ds(pl.multiple_of(c * BPW + o, 16), 16)] = g
            return carry

        lax.fori_loop(0, BPW // 16, body, 0)
        for c in range(3):
            pltpu.sync_copy(
                rows_v.at[pl.ds(c * BPW, BPW)],
                out_hbm.at[pl.ds(c * B_PAD + wid * BPW, BPW)],
            )

    return sc_gather


_sc_cache = []


def _get_sc_gather():
    if not _sc_cache:
        _sc_cache.append(_sc_gather_build())
    return _sc_cache[0]


def _tc_body(nbr_ref, ctr_ref, a_ref, a2_ref, j0_ref, b2_ref, out_ref,
             nf_ref, de_ref):

    def put_nf(r, kiq, act, d):
        part = act[:8] * d[:8] + act[8:] * d[8:]
        nf_ref[r, pl.ds(kiq * 8, 8), :] = part.astype(jnp.bfloat16)
    nbr = nbr_ref[...]
    ctr = ctr_ref[...]
    nd0 = nbr[0] - ctr[0][None, :]
    nd1 = nbr[1] - ctr[1][None, :]
    nd2 = nbr[2] - ctr[2][None, :]
    n2 = nd0 * nd0 + nd1 * nd1 + nd2 * nd2
    rn = lax.rsqrt(jnp.maximum(n2, 1e-24))
    dv = []
    for v in range(12):
        c0, c1, c2 = float(_VS[v, 0]), float(_VS[v, 1]), float(_VS[v, 2])
        dv.append((c0 * nd0 + c1 * nd1 + c2 * nd2) * rn)
    de6 = [jnp.maximum(dv[int(_C2V[c, 0])], dv[int(_C2V[c, 1])])
           for c in range(6)]
    s_all = ((de6[0] + de6[1]) + (de6[2] + de6[3])) + (de6[4] + de6[5])
    for c in range(6):
        de_ref[c] = de6[c]
    de_ref[6] = s_all

    def row_body(r, carry):
        j0 = j0_ref[r]
        dj = de_ref[j0]
        s = de_ref[6]
        for t, k in ((0, 0), (1, 1), (2, 12)):
            act = jnp.maximum(a2_ref[t, 0] * dj + a2_ref[t, 1] * s, 0.0)
            for i in range(6):
                put_nf(r, k * 6 + i, act, de6[i])
        for k in range(2, 12):
            act = (a_ref[r, k, 0] * de6[0] + a_ref[r, k, 1] * de6[1] +
                   a_ref[r, k, 2] * de6[2] + a_ref[r, k, 3] * de6[3] +
                   a_ref[r, k, 4] * de6[4] + a_ref[r, k, 5] * de6[5])
            act = jnp.maximum(act, 0.0)
            for i in range(6):
                put_nf(r, k * 6 + i, act, de6[i])
        return carry

    lax.fori_loop(0, 12, row_body, 0)

    dims = (((0,), (0,)), ((), ()))
    for c in range(6):
        r0, r1 = int(_C2V[c, 0]), int(_C2V[c, 1])
        foa = lax.dot_general(b2_ref[r0], nf_ref[r0], dims,
                              preferred_element_type=jnp.float32)
        fob = lax.dot_general(b2_ref[r1], nf_ref[r1], dims,
                              preferred_element_type=jnp.float32)
        out_ref[c] = jnp.maximum(foa, fob)


def _tc_build(interpret=False):
    return pl.pallas_call(
        _tc_body,
        grid=(NBLK,),
        in_specs=[
            pl.BlockSpec((3, 16, BP), lambda i: (0, 0, i)),
            pl.BlockSpec((3, BP), lambda i: (0, i)),
            pl.BlockSpec(memory_space=pltpu.SMEM),
            pl.BlockSpec(memory_space=pltpu.SMEM),
            pl.BlockSpec(memory_space=pltpu.SMEM),
            pl.BlockSpec((12, 624, 128), lambda i: (0, 0, 0)),
        ],
        out_specs=pl.BlockSpec((6, 128, BP), lambda i: (0, 0, i)),
        out_shape=jax.ShapeDtypeStruct((6, 128, P_PAD), jnp.float32),
        scratch_shapes=[
            pltpu.VMEM((12, 624, BP), jnp.bfloat16),
            pltpu.VMEM((7, 16, BP), jnp.float32),
        ],
        interpret=interpret,
    )


_tc_call = _tc_build()


def _rows13(w18):
    top = jnp.stack([w18[..., 0]] + [w18[..., 1]] * 5, axis=-1)
    bot = jnp.stack([w18[..., 2]] + [w18[..., 3]] * 5, axis=-1)
    cen = jnp.stack([w18[..., 4]] + [w18[..., 5]] * 5, axis=-1)
    sym = w18[..., 6:18].reshape(w18.shape[:-1] + (2, 6))
    sym = sym[..., jnp.asarray(_ROLL)]
    sym = sym.reshape(w18.shape[:-1] + (10, 6))
    return jnp.concatenate(
        [top[..., None, :], bot[..., None, :], sym, cen[..., None, :]],
        axis=-2)


@jax.jit
def _run(neighbor_index, vertices, W, W_dir):
    v0 = vertices[0]
    ctr = jnp.pad(v0.T, ((0, 0), (0, P_PAD - V)))
    table = ctr[:, :VPAD].reshape(-1)
    nidx = neighbor_index[0].T.astype(jnp.int32)
    nidx = jnp.pad(nidx, ((0, 0), (0, P_PAD - V))).reshape(-1)

    gathered = _get_sc_gather()(table, nidx)
    nbr = gathered.reshape(3, N, P_PAD)

    inv = jnp.asarray(_INV)
    wdc = _rows13(W_dir.sum(0))
    amat = wdc[:, inv].transpose(1, 0, 2)
    a2 = jnp.stack([jnp.stack([wdc[k, 0] - wdc[k, 1], wdc[k, 1]])
                    for k in (0, 1, 12)])
    j0 = jnp.asarray(_CC[:, 0].astype(np.int32))
    wc = _rows13(W.sum(1))
    b2 = wc[:, :, inv].transpose(2, 1, 3, 0)
    b2 = b2.reshape(12, 78, 128)
    b2 = jnp.repeat(b2, 8, axis=1).astype(jnp.bfloat16)

    out6 = _tc_call(nbr, ctr, amat, a2, j0, b2)
    return out6[:, :, :V].transpose(1, 2, 0)[None]


def kernel(neighbor_index, vertices, W, W_dir):
    return _run(neighbor_index, vertices, W, W_dir)

# --- scband reference (transcript-rebuilt; emitter-appended) ---
"""Pipeline reference for scband-equi-conv8-21603685499537 (READ-ONLY COPY).

The authoritative reference and input builder live on the scoring server;
editing this copy changes nothing except your own understanding.
"""

import jax, jax.numpy as jnp
import numpy as np
import math

_phi = (1.0 + np.sqrt(5.0)) / 2.0
_verts = np.array([[-1.0, _phi, 0.0], [1.0, _phi, 0.0], [-1.0, -_phi, 0.0], [1.0, -_phi, 0.0], [0.0, -1.0, _phi], [0.0, 1.0, _phi], [0.0, -1.0, -_phi], [0.0, 1.0, -_phi], [_phi, 0.0, -1.0], [_phi, 0.0, 1.0], [-_phi, 0.0, -1.0], [-_phi, 0.0, 1.0]], dtype=np.float32)
VS = _verts / np.linalg.norm(_verts, axis=-1, keepdims=True)
ROLL = np.array([[0, 1, 2, 3, 4, 5], [0, 2, 3, 4, 5, 1], [0, 3, 4, 5, 1, 2], [0, 4, 5, 1, 2, 3], [0, 5, 1, 2, 3, 4]])
COLOR_COM = np.array([[0, 1, 2, 3, 4, 5], [0, 5, 4, 3, 2, 1], [2, 5, 4, 1, 0, 3], [5, 0, 1, 3, 2, 4], [3, 5, 2, 0, 4, 1], [4, 0, 5, 2, 1, 3], [1, 3, 4, 2, 0, 5], [1, 0, 2, 4, 3, 5], [4, 1, 2, 5, 0, 3], [3, 1, 4, 0, 2, 5], [5, 1, 0, 4, 2, 3], [2, 4, 5, 3, 0, 1]])
COLOR2V = np.array([[0, 1], [6, 7], [2, 11], [4, 9], [5, 8], [3, 10]])

def _forward(neighbor_index, vertices, W, W_dir):
    bs, V, n = neighbor_index.shape
    d_out, d_in = W.shape[0], W.shape[1]
    bidx = jnp.arange(bs)[:, None, None]
    neighbors = vertices[bidx, neighbor_index]
    nd = neighbors - vertices[:, :, None, :]
    norm = jnp.linalg.norm(nd, axis=-1, keepdims=True)
    ndn = nd / jnp.maximum(norm, 1e-12)
    roll = jnp.asarray(ROLL)
    cc = jnp.asarray(COLOR_COM)
    c2v = jnp.asarray(COLOR2V)
    vs = jnp.asarray(VS)
    inv = jnp.argsort(cc, axis=-1)
    W_top = jnp.concatenate([W[:, :, None, 0:1], jnp.repeat(W[:, :, None, 1:2], 5, axis=-1)], axis=-1)
    W_bot = jnp.concatenate([W[:, :, None, 2:3], jnp.repeat(W[:, :, None, 3:4], 5, axis=-1)], axis=-1)
    W_cen = jnp.concatenate([W[:, :, None, 4:5], jnp.repeat(W[:, :, None, 5:6], 5, axis=-1)], axis=-1)
    W_sym = W[:, :, 6:18].reshape(d_out, d_in, 2, 6)
    W_sym = W_sym[:, :, :, roll].reshape(d_out, d_in, 10, 6)
    Wc = jnp.concatenate([W_top, W_bot, W_sym, W_cen], axis=2)
    Wb = jnp.broadcast_to(Wc[:, :, :, None, :], (d_out, d_in, 13, 12, 6))
    W_ro = jnp.take_along_axis(Wb, jnp.broadcast_to(inv[None, None, None, :, :], Wb.shape), axis=-1)
    Wd_top = jnp.concatenate([W_dir[:, None, 0:1], jnp.repeat(W_dir[:, None, 1:2], 5, axis=-1)], axis=-1)
    Wd_bot = jnp.concatenate([W_dir[:, None, 2:3], jnp.repeat(W_dir[:, None, 3:4], 5, axis=-1)], axis=-1)
    Wd_cen = jnp.concatenate([W_dir[:, None, 4:5], jnp.repeat(W_dir[:, None, 5:6], 5, axis=-1)], axis=-1)
    Wd_sym = W_dir[:, 6:18].reshape(d_in, 2, 6)
    Wd_sym = Wd_sym[:, :, roll].reshape(d_in, 10, 6)
    Wdc = jnp.concatenate([Wd_top, Wd_bot, Wd_sym, Wd_cen], axis=1)
    Wdb = jnp.broadcast_to(Wdc[:, :, None, :], (d_in, 13, 12, 6))
    W_dir_ro = jnp.take_along_axis(Wdb, jnp.broadcast_to(inv[None, None, :, :], Wdb.shape), axis=-1)
    de = jnp.einsum('vi,bqni->bqnv', vs, ndn)
    de = de[..., c2v]
    de = jnp.max(de, axis=-1)
    act = jnp.einsum('kri,bpni->bkpnr', W_dir_ro.sum(0), de)
    act = jax.nn.relu(act)
    nf = jnp.einsum('bkpnr,bpni->bkpir', act, de)
    fo = jnp.einsum('dkri,bkpir->bdkpr', W_ro[:, :, :13, :, :].sum(1), nf)
    ka = fo.sum(axis=2)
    ka = ka[..., c2v]
    ka = jnp.max(ka, axis=-1)
    return ka

def setup_inputs(seed: int = 0):
    key = jax.random.key(seed)
    k1, k2, k3, k4 = jax.random.split(key, 4)
    dim_in, dim_out = 128, 128
    vertices = jax.random.normal(k1, (1, 10000, 3), dtype=jnp.float32)
    neighbor_index = jax.random.randint(k2, (1, 10000, 16), 0, 10000)
    stdv = 1.0 / math.sqrt(dim_out * 6)
    W = jax.random.uniform(k3, (dim_out, dim_in, 18), minval=-stdv, maxval=stdv, dtype=jnp.float32)
    W_dir = jax.random.uniform(k4, (dim_in, 18), minval=-stdv, maxval=stdv, dtype=jnp.float32)
    return {'neighbor_index': neighbor_index, 'vertices': vertices, 'W': W, 'W_dir': W_dir}

def reference(neighbor_index, vertices, W, W_dir):
    return _forward(neighbor_index, vertices, W, W_dir)

if __name__ == "__main__":
    import jax
    _d = setup_inputs()
    print(jax.jit(kernel)(*tuple(_d.values())))

</pallas_src>

<mosaic_0001>
#map = affine_map<(d0, d1) -> (0)>
module attributes {stable_mosaic.version = 14 : i64} {
  func.func @sc_gather(%arg0: i32, %arg1: i32, %arg2: memref<30720xf32, #tpu.memory_space<hbm>>, %arg3: memref<163840xi32, #tpu.memory_space<hbm>>, %arg4: memref<491520xf32, #tpu.memory_space<hbm>>, %arg5: memref<30720xf32, #tpu.memory_space<vmem>>, %arg6: memref<5120xi32, #tpu.memory_space<vmem>>, %arg7: memref<15360xf32, #tpu.memory_space<vmem>>) attributes {dimension_semantics = [#tpu.dimension_semantics<core_parallel>, #tpu.dimension_semantics<subcore_parallel>], iteration_bounds = array<i64: 2, 16>, scalar_prefetch = 0 : i64, scratch_operands = 3 : i64, tpu.core_type = #tpu.core_type<sc_vector_subcore>, window_params = [{transform_indices = #map}, {transform_indices = #map}, {transform_indices = #map}]} {
    %mul3A = arith.constant 2 : i32
    %mul3A_0 = arith.muli %arg1, %mul3A : i32
    %add3A = arith.addi %mul3A_0, %arg0 : i32
    "tpu.region"() ({
      %run_scoped3A = tpu.sem_alloc : memref<!tpu.dma_semaphore, #tpu.memory_space<semaphore_mem>>
      tpu.enqueue_dma source(%arg2 : memref<30720xf32, #tpu.memory_space<hbm>>) target(%arg5 : memref<30720xf32, #tpu.memory_space<vmem>>) target_semaphore(%run_scoped3A : memref<!tpu.dma_semaphore, #tpu.memory_space<semaphore_mem>>)
      tpu.wait_dma2 semaphore(%run_scoped3A : memref<!tpu.dma_semaphore, #tpu.memory_space<semaphore_mem>>) src(%arg2 : memref<30720xf32, #tpu.memory_space<hbm>>) dst(%arg5 : memref<30720xf32, #tpu.memory_space<vmem>>)
      tpu.yield
    }) : () -> ()
    %mul3A_1 = arith.constant 5120 : i32
    %mul3A_2 = arith.muli %add3A, %mul3A_1 : i32
    "tpu.region"() ({
      %run_scoped3A = tpu.sem_alloc : memref<!tpu.dma_semaphore, #tpu.memory_space<semaphore_mem>>
      %dma_start3A = tpu.memref_slice %arg3[%mul3A_2] : memref<163840xi32, #tpu.memory_space<hbm>> -> memref<5120xi32, #tpu.memory_space<hbm>>
      %dma_start3A_20 = tpu.memref_slice %arg3[%mul3A_2] : memref<163840xi32, #tpu.memory_space<hbm>> -> memref<5120xi32, #tpu.memory_space<hbm>>
      tpu.enqueue_dma source(%dma_start3A_20 : memref<5120xi32, #tpu.memory_space<hbm>>) target(%arg6 : memref<5120xi32, #tpu.memory_space<vmem>>) target_semaphore(%run_scoped3A : memref<!tpu.dma_semaphore, #tpu.memory_space<semaphore_mem>>)
      %dma_wait3A = tpu.memref_slice %arg3[%mul3A_2] : memref<163840xi32, #tpu.memory_space<hbm>> -> memref<5120xi32, #tpu.memory_space<hbm>>
      %dma_wait3A_21 = tpu.memref_slice %arg3[%mul3A_2] : memref<163840xi32, #tpu.memory_space<hbm>> -> memref<5120xi32, #tpu.memory_space<hbm>>
      tpu.wait_dma2 semaphore(%run_scoped3A : memref<!tpu.dma_semaphore, #tpu.memory_space<semaphore_mem>>) src(%dma_wait3A_21 : memref<5120xi32, #tpu.memory_space<hbm>>) dst(%arg6 : memref<5120xi32, #tpu.memory_space<vmem>>)
      tpu.yield
    }) : () -> ()
    %scan3A = arith.constant 0 : i32
    %scan3A_3 = arith.constant 0 : i32
    %scan3A_4 = arith.constant 320 : i32
    %scan3A_5 = arith.addi %scan3A_3, %scan3A_4 : i32
    %scan3A_6 = arith.constant 1 : i32
    scf.for %scan3A_20 = %scan3A_3 to %scan3A_5 step %scan3A_6  : i32 {
      %mul3A_21 = arith.constant 16 : i32
      %mul3A_22 = arith.muli %scan3A_20, %mul3A_21 : i32
      %multiple_of3A = tpu.assume_multiple %mul3A_22, 16 : i32
      %get3A = arith.index_cast %multiple_of3A : i32 to index
      %get3A_23 = tpu.vector_load %arg6[%get3A] {strides = array<i32>} : memref<5120xi32, #tpu.memory_space<vmem>>, vector<16xi32>,
      %add3A_24 = arith.constant 0 : i32
      %add3A_25 = vector.broadcast %add3A_24 : i32 to vector<16xi32>
      %add3A_26 = arith.addi %get3A_23, %add3A_25 : vector<16xi32>
      %gather3A = tpu.vector_load_idx %arg5[%add3A_26] : memref<30720xf32, #tpu.memory_space<vmem>>[vector<16xi32>], vector<16xf32>,
      %add3A_27 = arith.constant 0 : i32
      %add3A_28 = arith.addi %add3A_27, %multiple_of3A : i32
      %multiple_of3A_29 = tpu.assume_multiple %add3A_28, 16 : i32
      %swap3A = arith.index_cast %multiple_of3A_29 : i32 to index
      %swap3A_30 = tpu.vector_load %arg7[%swap3A] {strides = array<i32>} : memref<15360xf32, #tpu.memory_space<vmem>>, vector<16xf32>,
      tpu.vector_store %arg7[%swap3A], %gather3A {strides = array<i32>} : memref<15360xf32, #tpu.memory_space<vmem>>, vector<16xf32>,
      %add3A_31 = arith.constant 10240 : i32
      %add3A_32 = vector.broadcast %add3A_31 : i32 to vector<16xi32>
      %add3A_33 = arith.addi %get3A_23, %add3A_32 : vector<16xi32>
      %gather3A_34 = tpu.vector_load_idx %arg5[%add3A_33] : memref<30720xf32, #tpu.memory_space<vmem>>[vector<16xi32>], vector<16xf32>,
      %add3A_35 = arith.constant 5120 : i32
      %add3A_36 = arith.addi %add3A_35, %multiple_of3A : i32
      %multiple_of3A_37 = tpu.assume_multiple %add3A_36, 16 : i32
      %swap3A_38 = arith.index_cast %multiple_of3A_37 : i32 to index
      %swap3A_39 = tpu.vector_load %arg7[%swap3A_38] {strides = array<i32>} : memref<15360xf32, #tpu.memory_space<vmem>>, vector<16xf32>,
      tpu.vector_store %arg7[%swap3A_38], %gather3A_34 {strides = array<i32>} : memref<15360xf32, #tpu.memory_space<vmem>>, vector<16xf32>,
      %add3A_40 = arith.constant 20480 : i32
      %add3A_41 = vector.broadcast %add3A_40 : i32 to vector<16xi32>
      %add3A_42 = arith.addi %get3A_23, %add3A_41 : vector<16xi32>
      %gather3A_43 = tpu.vector_load_idx %arg5[%add3A_42] : memref<30720xf32, #tpu.memory_space<vmem>>[vector<16xi32>], vector<16xf32>,
      %add3A_44 = arith.constant 10240 : i32
      %add3A_45 = arith.addi %add3A_44, %multiple_of3A : i32
      %multiple_of3A_46 = tpu.assume_multiple %add3A_45, 16 : i32
      %swap3A_47 = arith.index_cast %multiple_of3A_46 : i32 to index
      %swap3A_48 = tpu.vector_load %arg7[%swap3A_47] {strides = array<i32>} : memref<15360xf32, #tpu.memory_space<vmem>>, vector<16xf32>,
      tpu.vector_store %arg7[%swap3A_47], %gather3A_43 {strides = array<i32>} : memref<15360xf32, #tpu.memory_space<vmem>>, vector<16xf32>,
    }
    %scan3A_7 = arith.constant 320 : i32
    %mul3A_8 = arith.constant 5120 : i32
    %mul3A_9 = arith.muli %add3A, %mul3A_8 : i32
    %add3A_10 = arith.constant 0 : i32
    %add3A_11 = arith.addi %add3A_10, %mul3A_9 : i32
    "tpu.region"() ({
      %run_scoped3A = tpu.sem_alloc : memref<!tpu.dma_semaphore, #tpu.memory_space<semaphore_mem>>
      %dma_start3A = arith.constant 0 : i32
      %dma_start3A_20 = tpu.memref_slice %arg7[%dma_start3A] : memref<15360xf32, #tpu.memory_space<vmem>> -> memref<5120xf32, #tpu.memory_space<vmem>>
      %dma_start3A_21 = tpu.memref_slice %arg4[%add3A_11] : memref<491520xf32, #tpu.memory_space<hbm>> -> memref<5120xf32, #tpu.memory_space<hbm>>
      %dma_start3A_22 = tpu.memref_slice %arg4[%add3A_11] : memref<491520xf32, #tpu.memory_space<hbm>> -> memref<5120xf32, #tpu.memory_space<hbm>>
      %dma_start3A_23 = arith.constant 0 : i32
      %dma_start3A_24 = tpu.memref_slice %arg7[%dma_start3A_23] : memref<15360xf32, #tpu.memory_space<vmem>> -> memref<5120xf32, #tpu.memory_space<vmem>>
      tpu.enqueue_dma source(%dma_start3A_24 : memref<5120xf32, #tpu.memory_space<vmem>>) target(%dma_start3A_22 : memref<5120xf32, #tpu.memory_space<hbm>>) target_semaphore(%run_scoped3A : memref<!tpu.dma_semaphore, #tpu.memory_space<semaphore_mem>>)
      %dma_wait3A = arith.constant 0 : i32
      %dma_wait3A_25 = tpu.memref_slice %arg7[%dma_wait3A] : memref<15360xf32, #tpu.memory_space<vmem>> -> memref<5120xf32, #tpu.memory_space<vmem>>
      %dma_wait3A_26 = tpu.memref_slice %arg4[%add3A_11] : memref<491520xf32, #tpu.memory_space<hbm>> -> memref<5120xf32, #tpu.memory_space<hbm>>
      %dma_wait3A_27 = tpu.memref_slice %arg4[%add3A_11] : memref<491520xf32, #tpu.memory_space<hbm>> -> memref<5120xf32, #tpu.memory_space<hbm>>
      %dma_wait3A_28 = arith.constant 0 : i32
      %dma_wait3A_29 = tpu.memref_slice %arg7[%dma_wait3A_28] : memref<15360xf32, #tpu.memory_space<vmem>> -> memref<5120xf32, #tpu.memory_space<vmem>>
      tpu.wait_dma2 semaphore(%run_scoped3A : memref<!tpu.dma_semaphore, #tpu.memory_space<semaphore_mem>>) src(%dma_wait3A_29 : memref<5120xf32, #tpu.memory_space<vmem>>) dst(%dma_wait3A_27 : memref<5120xf32, #tpu.memory_space<hbm>>)
      tpu.yield
    }) : () -> ()
    %mul3A_12 = arith.constant 5120 : i32
    %mul3A_13 = arith.muli %add3A, %mul3A_12 : i32
    %add3A_14 = arith.constant 163840 : i32
    %add3A_15 = arith.addi %add3A_14, %mul3A_13 : i32
    "tpu.region"() ({
      %run_scoped3A = tpu.sem_alloc : memref<!tpu.dma_semaphore, #tpu.memory_space<semaphore_mem>>
      %dma_start3A = arith.constant 5120 : i32
      %dma_start3A_20 = tpu.memref_slice %arg7[%dma_start3A] : memref<15360xf32, #tpu.memory_space<vmem>> -> memref<5120xf32, #tpu.memory_space<vmem>>
      %dma_start3A_21 = tpu.memref_slice %arg4[%add3A_15] : memref<491520xf32, #tpu.memory_space<hbm>> -> memref<5120xf32, #tpu.memory_space<hbm>>
      %dma_start3A_22 = tpu.memref_slice %arg4[%add3A_15] : memref<491520xf32, #tpu.memory_space<hbm>> -> memref<5120xf32, #tpu.memory_space<hbm>>
      %dma_start3A_23 = arith.constant 5120 : i32
      %dma_start3A_24 = tpu.memref_slice %arg7[%dma_start3A_23] : memref<15360xf32, #tpu.memory_space<vmem>> -> memref<5120xf32, #tpu.memory_space<vmem>>
      tpu.enqueue_dma source(%dma_start3A_24 : memref<5120xf32, #tpu.memory_space<vmem>>) target(%dma_start3A_22 : memref<5120xf32, #tpu.memory_space<hbm>>) target_semaphore(%run_scoped3A : memref<!tpu.dma_semaphore, #tpu.memory_space<semaphore_mem>>)
      %dma_wait3A = arith.constant 5120 : i32
      %dma_wait3A_25 = tpu.memref_slice %arg7[%dma_wait3A] : memref<15360xf32, #tpu.memory_space<vmem>> -> memref<5120xf32, #tpu.memory_space<vmem>>
      %dma_wait3A_26 = tpu.memref_slice %arg4[%add3A_15] : memref<491520xf32, #tpu.memory_space<hbm>> -> memref<5120xf32, #tpu.memory_space<hbm>>
      %dma_wait3A_27 = tpu.memref_slice %arg4[%add3A_15] : memref<491520xf32, #tpu.memory_space<hbm>> -> memref<5120xf32, #tpu.memory_space<hbm>>
      %dma_wait3A_28 = arith.constant 5120 : i32
      %dma_wait3A_29 = tpu.memref_slice %arg7[%dma_wait3A_28] : memref<15360xf32, #tpu.memory_space<vmem>> -> memref<5120xf32, #tpu.memory_space<vmem>>
      tpu.wait_dma2 semaphore(%run_scoped3A : memref<!tpu.dma_semaphore, #tpu.memory_space<semaphore_mem>>) src(%dma_wait3A_29 : memref<5120xf32, #tpu.memory_space<vmem>>) dst(%dma_wait3A_27 : memref<5120xf32, #tpu.memory_space<hbm>>)
      tpu.yield
    }) : () -> ()
    %mul3A_16 = arith.constant 5120 : i32
    %mul3A_17 = arith.muli %add3A, %mul3A_16 : i32
    %add3A_18 = arith.constant 327680 : i32
    %add3A_19 = arith.addi %add3A_18, %mul3A_17 : i32
    "tpu.region"() ({
      %run_scoped3A = tpu.sem_alloc : memref<!tpu.dma_semaphore, #tpu.memory_space<semaphore_mem>>
      %dma_start3A = arith.constant 10240 : i32
      %dma_start3A_20 = tpu.memref_slice %arg7[%dma_start3A] : memref<15360xf32, #tpu.memory_space<vmem>> -> memref<5120xf32, #tpu.memory_space<vmem>>
      %dma_start3A_21 = tpu.memref_slice %arg4[%add3A_19] : memref<491520xf32, #tpu.memory_space<hbm>> -> memref<5120xf32, #tpu.memory_space<hbm>>
      %dma_start3A_22 = tpu.memref_slice %arg4[%add3A_19] : memref<491520xf32, #tpu.memory_space<hbm>> -> memref<5120xf32, #tpu.memory_space<hbm>>
      %dma_start3A_23 = arith.constant 10240 : i32
      %dma_start3A_24 = tpu.memref_slice %arg7[%dma_start3A_23] : memref<15360xf32, #tpu.memory_space<vmem>> -> memref<5120xf32, #tpu.memory_space<vmem>>
      tpu.enqueue_dma source(%dma_start3A_24 : memref<5120xf32, #tpu.memory_space<vmem>>) target(%dma_start3A_22 : memref<5120xf32, #tpu.memory_space<hbm>>) target_semaphore(%run_scoped3A : memref<!tpu.dma_semaphore, #tpu.memory_space<semaphore_mem>>)
      %dma_wait3A = arith.constant 10240 : i32
      %dma_wait3A_25 = tpu.memref_slice %arg7[%dma_wait3A] : memref<15360xf32, #tpu.memory_space<vmem>> -> memref<5120xf32, #tpu.memory_space<vmem>>
      %dma_wait3A_26 = tpu.memref_slice %arg4[%add3A_19] : memref<491520xf32, #tpu.memory_space<hbm>> -> memref<5120xf32, #tpu.memory_space<hbm>>
      %dma_wait3A_27 = tpu.memref_slice %arg4[%add3A_19] : memref<491520xf32, #tpu.memory_space<hbm>> -> memref<5120xf32, #tpu.memory_space<hbm>>
      %dma_wait3A_28 = arith.constant 10240 : i32
      %dma_wait3A_29 = tpu.memref_slice %arg7[%dma_wait3A_28] : memref<15360xf32, #tpu.memory_space<vmem>> -> memref<5120xf32, #tpu.memory_space<vmem>>
      tpu.wait_dma2 semaphore(%run_scoped3A : memref<!tpu.dma_semaphore, #tpu.memory_space<semaphore_mem>>) src(%dma_wait3A_29 : memref<5120xf32, #tpu.memory_space<vmem>>) dst(%dma_wait3A_27 : memref<5120xf32, #tpu.memory_space<hbm>>)
      tpu.yield
    }) : () -> ()
    return
  }
}

module attributes {stable_mosaic.version = 14 : i64} {
  func.func @_tc_body(%arg0: i32, %arg1: memref<3x16x1024xf32, #tpu.memory_space<vmem>>, %arg2: memref<3x1024xf32, #tpu.memory_space<vmem>>, %arg3: memref<12x13x6xf32, #tpu.memory_space<smem>>, %arg4: memref<3x2xf32, #tpu.memory_space<smem>>, %arg5: memref<12xi32, #tpu.memory_space<smem>>, %arg6: memref<12x624x128xbf16, #tpu.memory_space<vmem>>, %arg7: memref<6x128x1024xf32, #tpu.memory_space<vmem>>, %arg8: memref<12x624x1024xbf16, #tpu.memory_space<vmem>>, %arg9: memref<7x16x1024xf32, #tpu.memory_space<vmem>>) attributes {dimension_semantics = [#tpu.dimension_semantics<arbitrary>], iteration_bounds = array<i64: 10>, scalar_prefetch = 0 : i64, scratch_operands = 2 : i64, tpu.core_type = #tpu.core_type<tc>, window_params = [{transform_indices = @transform_0, window_bounds = array<i64: 3, 16, 1024>}, {transform_indices = @transform_1, window_bounds = array<i64: 3, 1024>}, {transform_indices = @transform_2, window_bounds = array<i64: 12, 13, 6>}, {transform_indices = @transform_3, window_bounds = array<i64: 3, 2>}, {transform_indices = @transform_4, window_bounds = array<i64: 12>}, {pipeline_mode = #tpu.pipeline_mode<synchronous>, transform_indices = @transform_5, window_bounds = array<i64: 12, 624, 128>}, {transform_indices = @transform_6, window_bounds = array<i64: 6, 128, 1024>}]} {
    %get3A = arith.constant 0 : index
    %get3A_0 = arith.constant 0 : index
    %get3A_1 = arith.constant 0 : index
    %get3A_2 = vector.load %arg1[%get3A, %get3A_0, %get3A_1] : memref<3x16x1024xf32, #tpu.memory_space<vmem>>, vector<3x16x1024xf32>
    %get3A_3 = arith.constant 0 : index
    %get3A_4 = arith.constant 0 : index
    %get3A_5 = vector.load %arg2[%get3A_3, %get3A_4] : memref<3x1024xf32, #tpu.memory_space<vmem>>, vector<3x1024xf32>
    %slice3A = vector.extract_strided_slice %get3A_2 {offsets = [0, 0, 0], sizes = [1, 16, 1024], strides = [1, 1, 1]} : vector<3x16x1024xf32> to vector<1x16x1024xf32>
    %squeeze3A = vector.shape_cast %slice3A : vector<1x16x1024xf32> to vector<16x1024xf32>
    %slice3A_6 = vector.extract_strided_slice %get3A_5 {offsets = [0, 0], sizes = [1, 1024], strides = [1, 1]} : vector<3x1024xf32> to vector<1x1024xf32>
    %squeeze3A_7 = vector.shape_cast %slice3A_6 : vector<1x1024xf32> to vector<1024xf32>
    %broadcast_in_dim3A = vector.shape_cast %squeeze3A_7 : vector<1024xf32> to vector<1x1024xf32>
    %sub3A = vector.broadcast %broadcast_in_dim3A : vector<1x1024xf32> to vector<16x1024xf32>
    %sub3A_8 = arith.subf %squeeze3A, %sub3A : vector<16x1024xf32>
    %slice3A_9 = vector.extract_strided_slice %get3A_2 {offsets = [1, 0, 0], sizes = [1, 16, 1024], strides = [1, 1, 1]} : vector<3x16x1024xf32> to vector<1x16x1024xf32>
    %squeeze3A_10 = vector.shape_cast %slice3A_9 : vector<1x16x1024xf32> to vector<16x1024xf32>
    %slice3A_11 = vector.extract_strided_slice %get3A_5 {offsets = [1, 0], sizes = [1, 1024], strides = [1, 1]} : vector<3x1024xf32> to vector<1x1024xf32>
    %squeeze3A_12 = vector.shape_cast %slice3A_11 : vector<1x1024xf32> to vector<1024xf32>
    %broadcast_in_dim3A_13 = vector.shape_cast %squeeze3A_12 : vector<1024xf32> to vector<1x1024xf32>
    %sub3A_14 = vector.broadcast %broadcast_in_dim3A_13 : vector<1x1024xf32> to vector<16x1024xf32>
    %sub3A_15 = arith.subf %squeeze3A_10, %sub3A_14 : vector<16x1024xf32>
    %slice3A_16 = vector.extract_strided_slice %get3A_2 {offsets = [2, 0, 0], sizes = [1, 16, 1024], strides = [1, 1, 1]} : vector<3x16x1024xf32> to vector<1x16x1024xf32>
    %squeeze3A_17 = vector.shape_cast %slice3A_16 : vector<1x16x1024xf32> to vector<16x1024xf32>
    %slice3A_18 = vector.extract_strided_slice %get3A_5 {offsets = [2, 0], sizes = [1, 1024], strides = [1, 1]} : vector<3x1024xf32> to vector<1x1024xf32>
    %squeeze3A_19 = vector.shape_cast %slice3A_18 : vector<1x1024xf32> to vector<1024xf32>
    %broadcast_in_dim3A_20 = vector.shape_cast %squeeze3A_19 : vector<1024xf32> to vector<1x1024xf32>
    %sub3A_21 = vector.broadcast %broadcast_in_dim3A_20 : vector<1x1024xf32> to vector<16x1024xf32>
    %sub3A_22 = arith.subf %squeeze3A_17, %sub3A_21 : vector<16x1024xf32>
    %mul3A = arith.mulf %sub3A_8, %sub3A_8 : vector<16x1024xf32>
    %mul3A_23 = arith.mulf %sub3A_15, %sub3A_15 : vector<16x1024xf32>
    %add3A = arith.addf %mul3A, %mul3A_23 : vector<16x1024xf32>
    %mul3A_24 = arith.mulf %sub3A_22, %sub3A_22 : vector<16x1024xf32>
    %add3A_25 = arith.addf %add3A, %mul3A_24 : vector<16x1024xf32>
    %max3A = arith.constant 1.000000e-24 : f32
    %max3A_26 = vector.broadcast %max3A : f32 to vector<16x1024xf32>
    %max3A_27 = arith.maximumf %add3A_25, %max3A_26 : vector<16x1024xf32>
    %rsqrt3A = math.rsqrt %max3A_27 : vector<16x1024xf32>
    %mul3A_28 = arith.constant -0.525731087 : f32
    %mul3A_29 = vector.broadcast %mul3A_28 : f32 to vector<16x1024xf32>
    %mul3A_30 = arith.mulf %mul3A_29, %sub3A_8 : vector<16x1024xf32>
    %mul3A_31 = arith.constant 0.850650787 : f32
    %mul3A_32 = vector.broadcast %mul3A_31 : f32 to vector<16x1024xf32>
    %mul3A_33 = arith.mulf %mul3A_32, %sub3A_15 : vector<16x1024xf32>
    %add3A_34 = arith.addf %mul3A_30, %mul3A_33 : vector<16x1024xf32>
    %mul3A_35 = arith.constant 0.000000e+00 : f32
    %mul3A_36 = vector.broadcast %mul3A_35 : f32 to vector<16x1024xf32>
    %mul3A_37 = arith.mulf %mul3A_36, %sub3A_22 : vector<16x1024xf32>
    %add3A_38 = arith.addf %add3A_34, %mul3A_37 : vector<16x1024xf32>
    %mul3A_39 = arith.mulf %add3A_38, %rsqrt3A : vector<16x1024xf32>
    %mul3A_40 = arith.constant 0.525731087 : f32
    %mul3A_41 = vector.broadcast %mul3A_40 : f32 to vector<16x1024xf32>
    %mul3A_42 = arith.mulf %mul3A_41, %sub3A_8 : vector<16x1024xf32>
    %mul3A_43 = arith.constant 0.850650787 : f32
    %mul3A_44 = vector.broadcast %mul3A_43 : f32 to vector<16x1024xf32>
    %mul3A_45 = arith.mulf %mul3A_44, %sub3A_15 : vector<16x1024xf32>
    %add3A_46 = arith.addf %mul3A_42, %mul3A_45 : vector<16x1024xf32>
    %mul3A_47 = arith.constant 0.000000e+00 : f32
    %mul3A_48 = vector.broadcast %mul3A_47 : f32 to vector<16x1024xf32>
    %mul3A_49 = arith.mulf %mul3A_48, %sub3A_22 : vector<16x1024xf32>
    %add3A_50 = arith.addf %add3A_46, %mul3A_49 : vector<16x1024xf32>
    %mul3A_51 = arith.mulf %add3A_50, %rsqrt3A : vector<16x1024xf32>
    %mul3A_52 = arith.constant -0.525731087 : f32
    %mul3A_53 = vector.broadcast %mul3A_52 : f32 to vector<16x1024xf32>
    %mul3A_54 = arith.mulf %mul3A_53, %sub3A_8 : vector<16x1024xf32>
    %mul3A_55 = arith.constant -0.850650787 : f32
    %mul3A_56 = vector.broadcast %mul3A_55 : f32 to vector<16x1024xf32>
    %mul3A_57 = arith.mulf %mul3A_56, %sub3A_15 : vector<16x1024xf32>
    %add3A_58 = arith.addf %mul3A_54, %mul3A_57 : vector<16x1024xf32>
    %mul3A_59 = arith.constant 0.000000e+00 : f32
    %mul3A_60 = vector.broadcast %mul3A_59 : f32 to vector<16x1024xf32>
    %mul3A_61 = arith.mulf %mul3A_60, %sub3A_22 : vector<16x1024xf32>
    %add3A_62 = arith.addf %add3A_58, %mul3A_61 : vector<16x1024xf32>
    %mul3A_63 = arith.mulf %add3A_62, %rsqrt3A : vector<16x1024xf32>
    %mul3A_64 = arith.constant 0.525731087 : f32
    %mul3A_65 = vector.broadcast %mul3A_64 : f32 to vector<16x1024xf32>
    %mul3A_66 = arith.mulf %mul3A_65, %sub3A_8 : vector<16x1024xf32>
    %mul3A_67 = arith.constant -0.850650787 : f32
    %mul3A_68 = vector.broadcast %mul3A_67 : f32 to vector<16x1024xf32>
    %mul3A_69 = arith.mulf %mul3A_68, %sub3A_15 : vector<16x1024xf32>
    %add3A_70 = arith.addf %mul3A_66, %mul3A_69 : vector<16x1024xf32>
    %mul3A_71 = arith.constant 0.000000e+00 : f32
    %mul3A_72 = vector.broadcast %mul3A_71 : f32 to vector<16x1024xf32>
    %mul3A_73 = arith.mulf %mul3A_72, %sub3A_22 : vector<16x1024xf32>
    %add3A_74 = arith.addf %add3A_70, %mul3A_73 : vector<16x1024xf32>
    %mul3A_75 = arith.mulf %add3A_74, %rsqrt3A : vector<16x1024xf32>
    %mul3A_76 = arith.constant 0.000000e+00 : f32
    %mul3A_77 = vector.broadcast %mul3A_76 : f32 to vector<16x1024xf32>
    %mul3A_78 = arith.mulf %mul3A_77, %sub3A_8 : vector<16x1024xf32>
    %mul3A_79 = arith.constant -0.525731087 : f32
    %mul3A_80 = vector.broadcast %mul3A_79 : f32 to vector<16x1024xf32>
    %mul3A_81 = arith.mulf %mul3A_80, %sub3A_15 : vector<16x1024xf32>
    %add3A_82 = arith.addf %mul3A_78, %mul3A_81 : vector<16x1024xf32>
    %mul3A_83 = arith.constant 0.850650787 : f32
    %mul3A_84 = vector.broadcast %mul3A_83 : f32 to vector<16x1024xf32>
    %mul3A_85 = arith.mulf %mul3A_84, %sub3A_22 : vector<16x1024xf32>
    %add3A_86 = arith.addf %add3A_82, %mul3A_85 : vector<16x1024xf32>
    %mul3A_87 = arith.mulf %add3A_86, %rsqrt3A : vector<16x1024xf32>
    %mul3A_88 = arith.constant 0.000000e+00 : f32
    %mul3A_89 = vector.broadcast %mul3A_88 : f32 to vector<16x1024xf32>
    %mul3A_90 = arith.mulf %mul3A_89, %sub3A_8 : vector<16x1024xf32>
    %mul3A_91 = arith.constant 0.525731087 : f32
    %mul3A_92 = vector.broadcast %mul3A_91 : f32 to vector<16x1024xf32>
    %mul3A_93 = arith.mulf %mul3A_92, %sub3A_15 : vector<16x1024xf32>
    %add3A_94 = arith.addf %mul3A_90, %mul3A_93 : vector<16x1024xf32>
    %mul3A_95 = arith.constant 0.850650787 : f32
    %mul3A_96 = vector.broadcast %mul3A_95 : f32 to vector<16x1024xf32>
    %mul3A_97 = arith.mulf %mul3A_96, %sub3A_22 : vector<16x1024xf32>
    %add3A_98 = arith.addf %add3A_94, %mul3A_97 : vector<16x1024xf32>
    %mul3A_99 = arith.mulf %add3A_98, %rsqrt3A : vector<16x1024xf32>
    %mul3A_100 = arith.constant 0.000000e+00 : f32
    %mul3A_101 = vector.broadcast %mul3A_100 : f32 to vector<16x1024xf32>
    %mul3A_102 = arith.mulf %mul3A_101, %sub3A_8 : vector<16x1024xf32>
    %mul3A_103 = arith.constant -0.525731087 : f32
    %mul3A_104 = vector.broadcast %mul3A_103 : f32 to vector<16x1024xf32>
    %mul3A_105 = arith.mulf %mul3A_104, %sub3A_15 : vector<16x1024xf32>
    %add3A_106 = arith.addf %mul3A_102, %mul3A_105 : vector<16x1024xf32>
    %mul3A_107 = arith.constant -0.850650787 : f32
    %mul3A_108 = vector.broadcast %mul3A_107 : f32 to vector<16x1024xf32>
    %mul3A_109 = arith.mulf %mul3A_108, %sub3A_22 : vector<16x1024xf32>
    %add3A_110 = arith.addf %add3A_106, %mul3A_109 : vector<16x1024xf32>
    %mul3A_111 = arith.mulf %add3A_110, %rsqrt3A : vector<16x1024xf32>
    %mul3A_112 = arith.constant 0.000000e+00 : f32
    %mul3A_113 = vector.broadcast %mul3A_112 : f32 to vector<16x1024xf32>
    %mul3A_114 = arith.mulf %mul3A_113, %sub3A_8 : vector<16x1024xf32>
    %mul3A_115 = arith.constant 0.525731087 : f32
    %mul3A_116 = vector.broadcast %mul3A_115 : f32 to vector<16x1024xf32>
    %mul3A_117 = arith.mulf %mul3A_116, %sub3A_15 : vector<16x1024xf32>
    %add3A_118 = arith.addf %mul3A_114, %mul3A_117 : vector<16x1024xf32>
    %mul3A_119 = arith.constant -0.850650787 : f32
    %mul3A_120 = vector.broadcast %mul3A_119 : f32 to vector<16x1024xf32>
    %mul3A_121 = arith.mulf %mul3A_120, %sub3A_22 : vector<16x1024xf32>
    %add3A_122 = arith.addf %add3A_118, %mul3A_121 : vector<16x1024xf32>
    %mul3A_123 = arith.mulf %add3A_122, %rsqrt3A : vector<16x1024xf32>
    %mul3A_124 = arith.constant 0.850650787 : f32
    %mul3A_125 = vector.broadcast %mul3A_124 : f32 to vector<16x1024xf32>
    %mul3A_126 = arith.mulf %mul3A_125, %sub3A_8 : vector<16x1024xf32>
    %mul3A_127 = arith.constant 0.000000e+00 : f32
    %mul3A_128 = vector.broadcast %mul3A_127 : f32 to vector<16x1024xf32>
    %mul3A_129 = arith.mulf %mul3A_128, %sub3A_15 : vector<16x1024xf32>
    %add3A_130 = arith.addf %mul3A_126, %mul3A_129 : vector<16x1024xf32>
    %mul3A_131 = arith.constant -0.525731087 : f32
    %mul3A_132 = vector.broadcast %mul3A_131 : f32 to vector<16x1024xf32>
    %mul3A_133 = arith.mulf %mul3A_132, %sub3A_22 : vector<16x1024xf32>
    %add3A_134 = arith.addf %add3A_130, %mul3A_133 : vector<16x1024xf32>
    %mul3A_135 = arith.mulf %add3A_134, %rsqrt3A : vector<16x1024xf32>
    %mul3A_136 = arith.constant 0.850650787 : f32
    %mul3A_137 = vector.broadcast %mul3A_136 : f32 to vector<16x1024xf32>
    %mul3A_138 = arith.mulf %mul3A_137, %sub3A_8 : vector<16x1024xf32>
    %mul3A_139 = arith.constant 0.000000e+00 : f32
    %mul3A_140 = vector.broadcast %mul3A_139 : f32 to vector<16x1024xf32>
    %mul3A_141 = arith.mulf %mul3A_140, %sub3A_15 : vector<16x1024xf32>
    %add3A_142 = arith.addf %mul3A_138, %mul3A_141 : vector<16x1024xf32>
    %mul3A_143 = arith.constant 0.525731087 : f32
    %mul3A_144 = vector.broadcast %mul3A_143 : f32 to vector<16x1024xf32>
    %mul3A_145 = arith.mulf %mul3A_144, %sub3A_22 : vector<16x1024xf32>
    %add3A_146 = arith.addf %add3A_142, %mul3A_145 : vector<16x1024xf32>
    %mul3A_147 = arith.mulf %add3A_146, %rsqrt3A : vector<16x1024xf32>
    %mul3A_148 = arith.constant -0.850650787 : f32
    %mul3A_149 = vector.broadcast %mul3A_148 : f32 to vector<16x1024xf32>
    %mul3A_150 = arith.mulf %mul3A_149, %sub3A_8 : vector<16x1024xf32>
    %mul3A_151 = arith.constant 0.000000e+00 : f32
    %mul3A_152 = vector.broadcast %mul3A_151 : f32 to vector<16x1024xf32>
    %mul3A_153 = arith.mulf %mul3A_152, %sub3A_15 : vector<16x1024xf32>
    %add3A_154 = arith.addf %mul3A_150, %mul3A_153 : vector<16x1024xf32>
    %mul3A_155 = arith.constant -0.525731087 : f32
    %mul3A_156 = vector.broadcast %mul3A_155 : f32 to vector<16x1024xf32>
    %mul3A_157 = arith.mulf %mul3A_156, %sub3A_22 : vector<16x1024xf32>
    %add3A_158 = arith.addf %add3A_154, %mul3A_157 : vector<16x1024xf32>
    %mul3A_159 = arith.mulf %add3A_158, %rsqrt3A : vector<16x1024xf32>
    %mul3A_160 = arith.constant -0.850650787 : f32
    %mul3A_161 = vector.broadcast %mul3A_160 : f32 to vector<16x1024xf32>
    %mul3A_162 = arith.mulf %mul3A_161, %sub3A_8 : vector<16x1024xf32>
    %mul3A_163 = arith.constant 0.000000e+00 : f32
    %mul3A_164 = vector.broadcast %mul3A_163 : f32 to vector<16x1024xf32>
    %mul3A_165 = arith.mulf %mul3A_164, %sub3A_15 : vector<16x1024xf32>
    %add3A_166 = arith.addf %mul3A_162, %mul3A_165 : vector<16x1024xf32>
    %mul3A_167 = arith.constant 0.525731087 : f32
    %mul3A_168 = vector.broadcast %mul3A_167 : f32 to vector<16x1024xf32>
    %mul3A_169 = arith.mulf %mul3A_168, %sub3A_22 : vector<16x1024xf32>
    %add3A_170 = arith.addf %add3A_166, %mul3A_169 : vector<16x1024xf32>
    %mul3A_171 = arith.mulf %add3A_170, %rsqrt3A : vector<16x1024xf32>
    %max3A_172 = arith.maximumf %mul3A_39, %mul3A_51 : vector<16x1024xf32>
    %max3A_173 = arith.maximumf %mul3A_111, %mul3A_123 : vector<16x1024xf32>
    %max3A_174 = arith.maximumf %mul3A_63, %mul3A_171 : vector<16x1024xf32>
    %max3A_175 = arith.maximumf %mul3A_87, %mul3A_147 : vector<16x1024xf32>
    %max3A_176 = arith.maximumf %mul3A_99, %mul3A_135 : vector<16x1024xf32>
    %max3A_177 = arith.maximumf %mul3A_75, %mul3A_159 : vector<16x1024xf32>
    %add3A_178 = arith.addf %max3A_172, %max3A_173 : vector<16x1024xf32>
    %add3A_179 = arith.addf %max3A_174, %max3A_175 : vector<16x1024xf32>
    %add3A_180 = arith.addf %add3A_178, %add3A_179 : vector<16x1024xf32>
    %add3A_181 = arith.addf %max3A_176, %max3A_177 : vector<16x1024xf32>
    %add3A_182 = arith.addf %add3A_180, %add3A_181 : vector<16x1024xf32>
    %swap3A = arith.constant 0 : index
    %swap3A_183 = arith.constant 0 : index
    %swap3A_184 = arith.constant 0 : index
    %swap3A_185 = vector.load %arg9[%swap3A, %swap3A_183, %swap3A_184] : memref<7x16x1024xf32, #tpu.memory_space<vmem>>, vector<1x16x1024xf32>
    %swap3A_186 = vector.shape_cast %swap3A_185 : vector<1x16x1024xf32> to vector<16x1024xf32>
    %swap3A_187 = vector.shape_cast %max3A_172 : vector<16x1024xf32> to vector<1x16x1024xf32>
    tpu.vector_store %arg9[%swap3A, %swap3A_183, %swap3A_184], %swap3A_187 {strides = array<i32>} : memref<7x16x1024xf32, #tpu.memory_space<vmem>>, vector<1x16x1024xf32>,
    %swap3A_188 = arith.constant 1 : index
    %swap3A_189 = arith.constant 0 : index
    %swap3A_190 = arith.constant 0 : index
    %swap3A_191 = vector.load %arg9[%swap3A_188, %swap3A_189, %swap3A_190] : memref<7x16x1024xf32, #tpu.memory_space<vmem>>, vector<1x16x1024xf32>
    %swap3A_192 = vector.shape_cast %swap3A_191 : vector<1x16x1024xf32> to vector<16x1024xf32>
    %swap3A_193 = vector.shape_cast %max3A_173 : vector<16x1024xf32> to vector<1x16x1024xf32>
    tpu.vector_store %arg9[%swap3A_188, %swap3A_189, %swap3A_190], %swap3A_193 {strides = array<i32>} : memref<7x16x1024xf32, #tpu.memory_space<vmem>>, vector<1x16x1024xf32>,
    %swap3A_194 = arith.constant 2 : index
    %swap3A_195 = arith.constant 0 : index
    %swap3A_196 = arith.constant 0 : index
    %swap3A_197 = vector.load %arg9[%swap3A_194, %swap3A_195, %swap3A_196] : memref<7x16x1024xf32, #tpu.memory_space<vmem>>, vector<1x16x1024xf32>
    %swap3A_198 = vector.shape_cast %swap3A_197 : vector<1x16x1024xf32> to vector<16x1024xf32>
    %swap3A_199 = vector.shape_cast %max3A_174 : vector<16x1024xf32> to vector<1x16x1024xf32>
    tpu.vector_store %arg9[%swap3A_194, %swap3A_195, %swap3A_196], %swap3A_199 {strides = array<i32>} : memref<7x16x1024xf32, #tpu.memory_space<vmem>>, vector<1x16x1024xf32>,
    %swap3A_200 = arith.constant 3 : index
    %swap3A_201 = arith.constant 0 : index
    %swap3A_202 = arith.constant 0 : index
    %swap3A_203 = vector.load %arg9[%swap3A_200, %swap3A_201, %swap3A_202] : memref<7x16x1024xf32, #tpu.memory_space<vmem>>, vector<1x16x1024xf32>
    %swap3A_204 = vector.shape_cast %swap3A_203 : vector<1x16x1024xf32> to vector<16x1024xf32>
    %swap3A_205 = vector.shape_cast %max3A_175 : vector<16x1024xf32> to vector<1x16x1024xf32>
    tpu.vector_store %arg9[%swap3A_200, %swap3A_201, %swap3A_202], %swap3A_205 {strides = array<i32>} : memref<7x16x1024xf32, #tpu.memory_space<vmem>>, vector<1x16x1024xf32>,
    %swap3A_206 = arith.constant 4 : index
    %swap3A_207 = arith.constant 0 : index
    %swap3A_208 = arith.constant 0 : index
    %swap3A_209 = vector.load %arg9[%swap3A_206, %swap3A_207, %swap3A_208] : memref<7x16x1024xf32, #tpu.memory_space<vmem>>, vector<1x16x1024xf32>
    %swap3A_210 = vector.shape_cast %swap3A_209 : vector<1x16x1024xf32> to vector<16x1024xf32>
    %swap3A_211 = vector.shape_cast %max3A_176 : vector<16x1024xf32> to vector<1x16x1024xf32>
    tpu.vector_store %arg9[%swap3A_206, %swap3A_207, %swap3A_208], %swap3A_211 {strides = array<i32>} : memref<7x16x1024xf32, #tpu.memory_space<vmem>>, vector<1x16x1024xf32>,
    %swap3A_212 = arith.constant 5 : index
    %swap3A_213 = arith.constant 0 : index
    %swap3A_214 = arith.constant 0 : index
    %swap3A_215 = vector.load %arg9[%swap3A_212, %swap3A_213, %swap3A_214] : memref<7x16x1024xf32, #tpu.memory_space<vmem>>, vector<1x16x1024xf32>
    %swap3A_216 = vector.shape_cast %swap3A_215 : vector<1x16x1024xf32> to vector<16x1024xf32>
    %swap3A_217 = vector.shape_cast %max3A_177 : vector<16x1024xf32> to vector<1x16x1024xf32>
    tpu.vector_store %arg9[%swap3A_212, %swap3A_213, %swap3A_214], %swap3A_217 {strides = array<i32>} : memref<7x16x1024xf32, #tpu.memory_space<vmem>>, vector<1x16x1024xf32>,
    %swap3A_218 = arith.constant 6 : index
    %swap3A_219 = arith.constant 0 : index
    %swap3A_220 = arith.constant 0 : index
    %swap3A_221 = vector.load %arg9[%swap3A_218, %swap3A_219, %swap3A_220] : memref<7x16x1024xf32, #tpu.memory_space<vmem>>, vector<1x16x1024xf32>
    %swap3A_222 = vector.shape_cast %swap3A_221 : vector<1x16x1024xf32> to vector<16x1024xf32>
    %swap3A_223 = vector.shape_cast %add3A_182 : vector<16x1024xf32> to vector<1x16x1024xf32>
    tpu.vector_store %arg9[%swap3A_218, %swap3A_219, %swap3A_220], %swap3A_223 {strides = array<i32>} : memref<7x16x1024xf32, #tpu.memory_space<vmem>>, vector<1x16x1024xf32>,
    %scan3A = arith.constant 0 : i32
    %scan3A_224 = arith.constant 12 : i32
    %scan3A_225 = arith.addi %scan3A, %scan3A_224 : i32
    %scan3A_226 = arith.constant 1 : i32
    scf.for %scan3A_413 = %scan3A to %scan3A_225 step %scan3A_226  : i32 {
      %get3A_414 = arith.index_cast %scan3A_413 : i32 to index
      %get3A_415 = memref.load %arg5[%get3A_414] : memref<12xi32, #tpu.memory_space<smem>>
      %get3A_416 = arith.index_cast %get3A_415 : i32 to index
      %get3A_417 = arith.constant 0 : index
      %get3A_418 = arith.constant 0 : index
      %get3A_419 = vector.load %arg9[%get3A_416, %get3A_417, %get3A_418] : memref<7x16x1024xf32, #tpu.memory_space<vmem>>, vector<1x16x1024xf32>
      %get3A_420 = vector.shape_cast %get3A_419 : vector<1x16x1024xf32> to vector<16x1024xf32>
      %get3A_421 = arith.constant 6 : index
      %get3A_422 = arith.constant 0 : index
      %get3A_423 = arith.constant 0 : index
      %get3A_424 = vector.load %arg9[%get3A_421, %get3A_422, %get3A_423] : memref<7x16x1024xf32, #tpu.memory_space<vmem>>, vector<1x16x1024xf32>
      %get3A_425 = vector.shape_cast %get3A_424 : vector<1x16x1024xf32> to vector<16x1024xf32>
      %get3A_426 = arith.constant 0 : index
      %get3A_427 = arith.constant 0 : index
      %get3A_428 = memref.load %arg4[%get3A_426, %get3A_427] : memref<3x2xf32, #tpu.memory_space<smem>>
      %mul3A_429 = vector.broadcast %get3A_428 : f32 to vector<16x1024xf32>
      %mul3A_430 = arith.mulf %mul3A_429, %get3A_420 : vector<16x1024xf32>
      %get3A_431 = arith.constant 0 : index
      %get3A_432 = arith.constant 1 : index
      %get3A_433 = memref.load %arg4[%get3A_431, %get3A_432] : memref<3x2xf32, #tpu.memory_space<smem>>
      %mul3A_434 = vector.broadcast %get3A_433 : f32 to vector<16x1024xf32>
      %mul3A_435 = arith.mulf %mul3A_434, %get3A_425 : vector<16x1024xf32>
      %add3A_436 = arith.addf %mul3A_430, %mul3A_435 : vector<16x1024xf32>
      %max3A_437 = arith.constant 0.000000e+00 : f32
      %max3A_438 = vector.broadcast %max3A_437 : f32 to vector<16x1024xf32>
      %max3A_439 = arith.maximumf %add3A_436, %max3A_438 : vector<16x1024xf32>
      %slice3A_440 = vector.extract_strided_slice %max3A_439 {offsets = [0, 0], sizes = [8, 1024], strides = [1, 1]} : vector<16x1024xf32> to vector<8x1024xf32>
      %slice3A_441 = vector.extract_strided_slice %max3A_172 {offsets = [0, 0], sizes = [8, 1024], strides = [1, 1]} : vector<16x1024xf32> to vector<8x1024xf32>
      %mul3A_442 = arith.mulf %slice3A_440, %slice3A_441 : vector<8x1024xf32>
      %slice3A_443 = vector.extract_strided_slice %max3A_439 {offsets = [8, 0], sizes = [8, 1024], strides = [1, 1]} : vector<16x1024xf32> to vector<8x1024xf32>
      %slice3A_444 = vector.extract_strided_slice %max3A_172 {offsets = [8, 0], sizes = [8, 1024], strides = [1, 1]} : vector<16x1024xf32> to vector<8x1024xf32>
      %mul3A_445 = arith.mulf %slice3A_443, %slice3A_444 : vector<8x1024xf32>
      %add3A_446 = arith.addf %mul3A_442, %mul3A_445 : vector<8x1024xf32>
      %convert_element_type3A = arith.truncf %add3A_446 : vector<8x1024xf32> to vector<8x1024xbf16>
      %swap3A_447 = arith.index_cast %scan3A_413 : i32 to index
      %swap3A_448 = arith.constant 0 : index
      %swap3A_449 = arith.constant 0 : index
      %swap3A_450 = vector.load %arg8[%swap3A_447, %swap3A_448, %swap3A_449] : memref<12x624x1024xbf16, #tpu.memory_space<vmem>>, vector<1x8x1024xbf16>
      %swap3A_451 = vector.shape_cast %swap3A_450 : vector<1x8x1024xbf16> to vector<8x1024xbf16>
      %swap3A_452 = vector.shape_cast %convert_element_type3A : vector<8x1024xbf16> to vector<1x8x1024xbf16>
      tpu.vector_store %arg8[%swap3A_447, %swap3A_448, %swap3A_449], %swap3A_452 {strides = array<i32>} : memref<12x624x1024xbf16, #tpu.memory_space<vmem>>, vector<1x8x1024xbf16>,
      %slice3A_453 = vector.extract_strided_slice %max3A_439 {offsets = [0, 0], sizes = [8, 1024], strides = [1, 1]} : vector<16x1024xf32> to vector<8x1024xf32>
      %slice3A_454 = vector.extract_strided_slice %max3A_173 {offsets = [0, 0], sizes = [8, 1024], strides = [1, 1]} : vector<16x1024xf32> to vector<8x1024xf32>
      %mul3A_455 = arith.mulf %slice3A_453, %slice3A_454 : vector<8x1024xf32>
      %slice3A_456 = vector.extract_strided_slice %max3A_439 {offsets = [8, 0], sizes = [8, 1024], strides = [1, 1]} : vector<16x1024xf32> to vector<8x1024xf32>
      %slice3A_457 = vector.extract_strided_slice %max3A_173 {offsets = [8, 0], sizes = [8, 1024], strides = [1, 1]} : vector<16x1024xf32> to vector<8x1024xf32>
      %mul3A_458 = arith.mulf %slice3A_456, %slice3A_457 : vector<8x1024xf32>
      %add3A_459 = arith.addf %mul3A_455, %mul3A_458 : vector<8x1024xf32>
      %convert_element_type3A_460 = arith.truncf %add3A_459 : vector<8x1024xf32> to vector<8x1024xbf16>
      %swap3A_461 = arith.index_cast %scan3A_413 : i32 to index
      %swap3A_462 = arith.constant 8 : index
      %swap3A_463 = arith.constant 0 : index
      %swap3A_464 = vector.load %arg8[%swap3A_461, %swap3A_462, %swap3A_463] : memref<12x624x1024xbf16, #tpu.memory_space<vmem>>, vector<1x8x1024xbf16>
      %swap3A_465 = vector.shape_cast %swap3A_464 : vector<1x8x1024xbf16> to vector<8x1024xbf16>
      %swap3A_466 = vector.shape_cast %convert_element_type3A_460 : vector<8x1024xbf16> to vector<1x8x1024xbf16>
      tpu.vector_store %arg8[%swap3A_461, %swap3A_462, %swap3A_463], %swap3A_466 {strides = array<i32>} : memref<12x624x1024xbf16, #tpu.memory_space<vmem>>, vector<1x8x1024xbf16>,
      %slice3A_467 = vector.extract_strided_slice %max3A_439 {offsets = [0, 0], sizes = [8, 1024], strides = [1, 1]} : vector<16x1024xf32> to vector<8x1024xf32>
      %slice3A_468 = vector.extract_strided_slice %max3A_174 {offsets = [0, 0], sizes = [8, 1024], strides = [1, 1]} : vector<16x1024xf32> to vector<8x1024xf32>
      %mul3A_469 = arith.mulf %slice3A_467, %slice3A_468 : vector<8x1024xf32>
      %slice3A_470 = vector.extract_strided_slice %max3A_439 {offsets = [8, 0], sizes = [8, 1024], strides = [1, 1]} : vector<16x1024xf32> to vector<8x1024xf32>
      %slice3A_471 = vector.extract_strided_slice %max3A_174 {offsets = [8, 0], sizes = [8, 1024], strides = [1, 1]} : vector<16x1024xf32> to vector<8x1024xf32>
      %mul3A_472 = arith.mulf %slice3A_470, %slice3A_471 : vector<8x1024xf32>
      %add3A_473 = arith.addf %mul3A_469, %mul3A_472 : vector<8x1024xf32>
      %convert_element_type3A_474 = arith.truncf %add3A_473 : vector<8x1024xf32> to vector<8x1024xbf16>
      %swap3A_475 = arith.index_cast %scan3A_413 : i32 to index
      %swap3A_476 = arith.constant 16 : index
      %swap3A_477 = arith.constant 0 : index
      %swap3A_478 = vector.load %arg8[%swap3A_475, %swap3A_476, %swap3A_477] : memref<12x624x1024xbf16, #tpu.memory_space<vmem>>, vector<1x8x1024xbf16>
      %swap3A_479 = vector.shape_cast %swap3A_478 : vector<1x8x1024xbf16> to vector<8x1024xbf16>
      %swap3A_480 = vector.shape_cast %convert_element_type3A_474 : vector<8x1024xbf16> to vector<1x8x1024xbf16>
      tpu.vector_store %arg8[%swap3A_475, %swap3A_476, %swap3A_477], %swap3A_480 {strides = array<i32>} : memref<12x624x1024xbf16, #tpu.memory_space<vmem>>, vector<1x8x1024xbf16>,
      %slice3A_481 = vector.extract_strided_slice %max3A_439 {offsets = [0, 0], sizes = [8, 1024], strides = [1, 1]} : vector<16x1024xf32> to vector<8x1024xf32>
      %slice3A_482 = vector.extract_strided_slice %max3A_175 {offsets = [0, 0], sizes = [8, 1024], strides = [1, 1]} : vector<16x1024xf32> to vector<8x1024xf32>
      %mul3A_483 = arith.mulf %slice3A_481, %slice3A_482 : vector<8x1024xf32>
      %slice3A_484 = vector.extract_strided_slice %max3A_439 {offsets = [8, 0], sizes = [8, 1024], strides = [1, 1]} : vector<16x1024xf32> to vector<8x1024xf32>
      %slice3A_485 = vector.extract_strided_slice %max3A_175 {offsets = [8, 0], sizes = [8, 1024], strides = [1, 1]} : vector<16x1024xf32> to vector<8x1024xf32>
      %mul3A_486 = arith.mulf %slice3A_484, %slice3A_485 : vector<8x1024xf32>
      %add3A_487 = arith.addf %mul3A_483, %mul3A_486 : vector<8x1024xf32>
      %convert_element_type3A_488 = arith.truncf %add3A_487 : vector<8x1024xf32> to vector<8x1024xbf16>
      %swap3A_489 = arith.index_cast %scan3A_413 : i32 to index
      %swap3A_490 = arith.constant 24 : index
      %swap3A_491 = arith.constant 0 : index
      %swap3A_492 = vector.load %arg8[%swap3A_489, %swap3A_490, %swap3A_491] : memref<12x624x1024xbf16, #tpu.memory_space<vmem>>, vector<1x8x1024xbf16>
      %swap3A_493 = vector.shape_cast %swap3A_492 : vector<1x8x1024xbf16> to vector<8x1024xbf16>
      %swap3A_494 = vector.shape_cast %convert_element_type3A_488 : vector<8x1024xbf16> to vector<1x8x1024xbf16>
      tpu.vector_store %arg8[%swap3A_489, %swap3A_490, %swap3A_491], %swap3A_494 {strides = array<i32>} : memref<12x624x1024xbf16, #tpu.memory_space<vmem>>, vector<1x8x1024xbf16>,
      %slice3A_495 = vector.extract_strided_slice %max3A_439 {offsets = [0, 0], sizes = [8, 1024], strides = [1, 1]} : vector<16x1024xf32> to vector<8x1024xf32>
      %slice3A_496 = vector.extract_strided_slice %max3A_176 {offsets = [0, 0], sizes = [8, 1024], strides = [1, 1]} : vector<16x1024xf32> to vector<8x1024xf32>
      %mul3A_497 = arith.mulf %slice3A_495, %slice3A_496 : vector<8x1024xf32>
      %slice3A_498 = vector.extract_strided_slice %max3A_439 {offsets = [8, 0], sizes = [8, 1024], strides = [1, 1]} : vector<16x1024xf32> to vector<8x1024xf32>
      %slice3A_499 = vector.extract_strided_slice %max3A_176 {offsets = [8, 0], sizes = [8, 1024], strides = [1, 1]} : vector<16x1024xf32> to vector<8x1024xf32>
      %mul3A_500 = arith.mulf %slice3A_498, %slice3A_499 : vector<8x1024xf32>
      %add3A_501 = arith.addf %mul3A_497, %mul3A_500 : vector<8x1024xf32>
      %convert_element_type3A_502 = arith.truncf %add3A_501 : vector<8x1024xf32> to vector<8x1024xbf16>
      %swap3A_503 = arith.index_cast %scan3A_413 : i32 to index
      %swap3A_504 = arith.constant 32 : index
      %swap3A_505 = arith.constant 0 : index
      %swap3A_506 = vector.load %arg8[%swap3A_503, %swap3A_504, %swap3A_505] : memref<12x624x1024xbf16, #tpu.memory_space<vmem>>, vector<1x8x1024xbf16>
      %swap3A_507 = vector.shape_cast %swap3A_506 : vector<1x8x1024xbf16> to vector<8x1024xbf16>
      %swap3A_508 = vector.shape_cast %convert_element_type3A_502 : vector<8x1024xbf16> to vector<1x8x1024xbf16>
      tpu.vector_store %arg8[%swap3A_503, %swap3A_504, %swap3A_505], %swap3A_508 {strides = array<i32>} : memref<12x624x1024xbf16, #tpu.memory_space<vmem>>, vector<1x8x1024xbf16>,
      %slice3A_509 = vector.extract_strided_slice %max3A_439 {offsets = [0, 0], sizes = [8, 1024], strides = [1, 1]} : vector<16x1024xf32> to vector<8x1024xf32>
      %slice3A_510 = vector.extract_strided_slice %max3A_177 {offsets = [0, 0], sizes = [8, 1024], strides = [1, 1]} : vector<16x1024xf32> to vector<8x1024xf32>
      %mul3A_511 = arith.mulf %slice3A_509, %slice3A_510 : vector<8x1024xf32>
      %slice3A_512 = vector.extract_strided_slice %max3A_439 {offsets = [8, 0], sizes = [8, 1024], strides = [1, 1]} : vector<16x1024xf32> to vector<8x1024xf32>
      %slice3A_513 = vector.extract_strided_slice %max3A_177 {offsets = [8, 0], sizes = [8, 1024], strides = [1, 1]} : vector<16x1024xf32> to vector<8x1024xf32>
      %mul3A_514 = arith.mulf %slice3A_512, %slice3A_513 : vector<8x1024xf32>
      %add3A_515 = arith.addf %mul3A_511, %mul3A_514 : vector<8x1024xf32>
      %convert_element_type3A_516 = arith.truncf %add3A_515 : vector<8x1024xf32> to vector<8x1024xbf16>
      %swap3A_517 = arith.index_cast %scan3A_413 : i32 to index
      %swap3A_518 = arith.constant 40 : index
      %swap3A_519 = arith.constant 0 : index
      %swap3A_520 = vector.load %arg8[%swap3A_517, %swap3A_518, %swap3A_519] : memref<12x624x1024xbf16, #tpu.memory_space<vmem>>, vector<1x8x1024xbf16>
      %swap3A_521 = vector.shape_cast %swap3A_520 : vector<1x8x1024xbf16> to vector<8x1024xbf16>
      %swap3A_522 = vector.shape_cast %convert_element_type3A_516 : vector<8x1024xbf16> to vector<1x8x1024xbf16>
      tpu.vector_store %arg8[%swap3A_517, %swap3A_518, %swap3A_519], %swap3A_522 {strides = array<i32>} : memref<12x624x1024xbf16, #tpu.memory_space<vmem>>, vector<1x8x1024xbf16>,
      %get3A_523 = arith.constant 1 : index
      %get3A_524 = arith.constant 0 : index
      %get3A_525 = memref.load %arg4[%get3A_523, %get3A_524] : memref<3x2xf32, #tpu.memory_space<smem>>
      %mul3A_526 = vector.broadcast %get3A_525 : f32 to vector<16x1024xf32>
      %mul3A_527 = arith.mulf %mul3A_526, %get3A_420 : vector<16x1024xf32>
      %get3A_528 = arith.constant 1 : index
      %get3A_529 = arith.constant 1 : index
      %get3A_530 = memref.load %arg4[%get3A_528, %get3A_529] : memref<3x2xf32, #tpu.memory_space<smem>>
      %mul3A_531 = vector.broadcast %get3A_530 : f32 to vector<16x1024xf32>
      %mul3A_532 = arith.mulf %mul3A_531, %get3A_425 : vector<16x1024xf32>
      %add3A_533 = arith.addf %mul3A_527, %mul3A_532 : vector<16x1024xf32>
      %max3A_534 = arith.constant 0.000000e+00 : f32
      %max3A_535 = vector.broadcast %max3A_534 : f32 to vector<16x1024xf32>
      %max3A_536 = arith.maximumf %add3A_533, %max3A_535 : vector<16x1024xf32>
      %slice3A_537 = vector.extract_strided_slice %max3A_536 {offsets = [0, 0], sizes = [8, 1024], strides = [1, 1]} : vector<16x1024xf32> to vector<8x1024xf32>
      %slice3A_538 = vector.extract_strided_slice %max3A_172 {offsets = [0, 0], sizes = [8, 1024], strides = [1, 1]} : vector<16x1024xf32> to vector<8x1024xf32>
      %mul3A_539 = arith.mulf %slice3A_537, %slice3A_538 : vector<8x1024xf32>
      %slice3A_540 = vector.extract_strided_slice %max3A_536 {offsets = [8, 0], sizes = [8, 1024], strides = [1, 1]} : vector<16x1024xf32> to vector<8x1024xf32>
      %slice3A_541 = vector.extract_strided_slice %max3A_172 {offsets = [8, 0], sizes = [8, 1024], strides = [1, 1]} : vector<16x1024xf32> to vector<8x1024xf32>
      %mul3A_542 = arith.mulf %slice3A_540, %slice3A_541 : vector<8x1024xf32>
      %add3A_543 = arith.addf %mul3A_539, %mul3A_542 : vector<8x1024xf32>
      %convert_element_type3A_544 = arith.truncf %add3A_543 : vector<8x1024xf32> to vector<8x1024xbf16>
      %swap3A_545 = arith.index_cast %scan3A_413 : i32 to index
      %swap3A_546 = arith.constant 48 : index
      %swap3A_547 = arith.constant 0 : index
      %swap3A_548 = vector.load %arg8[%swap3A_545, %swap3A_546, %swap3A_547] : memref<12x624x1024xbf16, #tpu.memory_space<vmem>>, vector<1x8x1024xbf16>
      %swap3A_549 = vector.shape_cast %swap3A_548 : vector<1x8x1024xbf16> to vector<8x1024xbf16>
      %swap3A_550 = vector.shape_cast %convert_element_type3A_544 : vector<8x1024xbf16> to vector<1x8x1024xbf16>
      tpu.vector_store %arg8[%swap3A_545, %swap3A_546, %swap3A_547], %swap3A_550 {strides = array<i32>} : memref<12x624x1024xbf16, #tpu.memory_space<vmem>>, vector<1x8x1024xbf16>,
      %slice3A_551 = vector.extract_strided_slice %max3A_536 {offsets = [0, 0], sizes = [8, 1024], strides = [1, 1]} : vector<16x1024xf32> to vector<8x1024xf32>
      %slice3A_552 = vector.extract_strided_slice %max3A_173 {offsets = [0, 0], sizes = [8, 1024], strides = [1, 1]} : vector<16x1024xf32> to vector<8x1024xf32>
      %mul3A_553 = arith.mulf %slice3A_551, %slice3A_552 : vector<8x1024xf32>
      %slice3A_554 = vector.extract_strided_slice %max3A_536 {offsets = [8, 0], sizes = [8, 1024], strides = [1, 1]} : vector<16x1024xf32> to vector<8x1024xf32>
      %slice3A_555 = vector.extract_strided_slice %max3A_173 {offsets = [8, 0], sizes = [8, 1024], strides = [1, 1]} : vector<16x1024xf32> to vector<8x1024xf32>
      %mul3A_556 = arith.mulf %slice3A_554, %slice3A_555 : vector<8x1024xf32>
      %add3A_557 = arith.addf %mul3A_553, %mul3A_556 : vector<8x1024xf32>
      %convert_element_type3A_558 = arith.truncf %add3A_557 : vector<8x1024xf32> to vector<8x1024xbf16>
      %swap3A_559 = arith.index_cast %scan3A_413 : i32 to index
      %swap3A_560 = arith.constant 56 : index
      %swap3A_561 = arith.constant 0 : index
      %swap3A_562 = vector.load %arg8[%swap3A_559, %swap3A_560, %swap3A_561] : memref<12x624x1024xbf16, #tpu.memory_space<vmem>>, vector<1x8x1024xbf16>
      %swap3A_563 = vector.shape_cast %swap3A_562 : vector<1x8x1024xbf16> to vector<8x1024xbf16>
      %swap3A_564 = vector.shape_cast %convert_element_type3A_558 : vector<8x1024xbf16> to vector<1x8x1024xbf16>
      tpu.vector_store %arg8[%swap3A_559, %swap3A_560, %swap3A_561], %swap3A_564 {strides = array<i32>} : memref<12x624x1024xbf16, #tpu.memory_space<vmem>>, vector<1x8x1024xbf16>,
      %slice3A_565 = vector.extract_strided_slice %max3A_536 {offsets = [0, 0], sizes = [8, 1024], strides = [1, 1]} : vector<16x1024xf32> to vector<8x1024xf32>
      %slice3A_566 = vector.extract_strided_slice %max3A_174 {offsets = [0, 0], sizes = [8, 1024], strides = [1, 1]} : vector<16x1024xf32> to vector<8x1024xf32>
      %mul3A_567 = arith.mulf %slice3A_565, %slice3A_566 : vector<8x1024xf32>
      %slice3A_568 = vector.extract_strided_slice %max3A_536 {offsets = [8, 0], sizes = [8, 1024], strides = [1, 1]} : vector<16x1024xf32> to vector<8x1024xf32>
      %slice3A_569 = vector.extract_strided_slice %max3A_174 {offsets = [8, 0], sizes = [8, 1024], strides = [1, 1]} : vector<16x1024xf32> to vector<8x1024xf32>
      %mul3A_570 = arith.mulf %slice3A_568, %slice3A_569 : vector<8x1024xf32>
      %add3A_571 = arith.addf %mul3A_567, %mul3A_570 : vector<8x1024xf32>
      %convert_element_type3A_572 = arith.truncf %add3A_571 : vector<8x1024xf32> to vector<8x1024xbf16>
      %swap3A_573 = arith.index_cast %scan3A_413 : i32 to index
      %swap3A_574 = arith.constant 64 : index
      %swap3A_575 = arith.constant 0 : index
      %swap3A_576 = vector.load %arg8[%swap3A_573, %swap3A_574, %swap3A_575] : memref<12x624x1024xbf16, #tpu.memory_space<vmem>>, vector<1x8x1024xbf16>
      %swap3A_577 = vector.shape_cast %swap3A_576 : vector<1x8x1024xbf16> to vector<8x1024xbf16>
      %swap3A_578 = vector.shape_cast %convert_element_type3A_572 : vector<8x1024xbf16> to vector<1x8x1024xbf16>
      tpu.vector_store %arg8[%swap3A_573, %swap3A_574, %swap3A_575], %swap3A_578 {strides = array<i32>} : memref<12x624x1024xbf16, #tpu.memory_space<vmem>>, vector<1x8x1024xbf16>,
      %slice3A_579 = vector.extract_strided_slice %max3A_536 {offsets = [0, 0], sizes = [8, 1024], strides = [1, 1]} : vector<16x1024xf32> to vector<8x1024xf32>
      %slice3A_580 = vector.extract_strided_slice %max3A_175 {offsets = [0, 0], sizes = [8, 1024], strides = [1, 1]} : vector<16x1024xf32> to vector<8x1024xf32>
      %mul3A_581 = arith.mulf %slice3A_579, %slice3A_580 : vector<8x1024xf32>
      %slice3A_582 = vector.extract_strided_slice %max3A_536 {offsets = [8, 0], sizes = [8, 1024], strides = [1, 1]} : vector<16x1024xf32> to vector<8x1024xf32>
      %slice3A_583 = vector.extract_strided_slice %max3A_175 {offsets = [8, 0], sizes = [8, 1024], strides = [1, 1]} : vector<16x1024xf32> to vector<8x1024xf32>
      %mul3A_584 = arith.mulf %slice3A_582, %slice3A_583 : vector<8x1024xf32>
      %add3A_585 = arith.addf %mul3A_581, %mul3A_584 : vector<8x1024xf32>
      %convert_element_type3A_586 = arith.truncf %add3A_585 : vector<8x1024xf32> to vector<8x1024xbf16>
      %swap3A_587 = arith.index_cast %scan3A_413 : i32 to index
      %swap3A_588 = arith.constant 72 : index
      %swap3A_589 = arith.constant 0 : index
      %swap3A_590 = vector.load %arg8[%swap3A_587, %swap3A_588, %swap3A_589] : memref<12x624x1024xbf16, #tpu.memory_space<vmem>>, vector<1x8x1024xbf16>
      %swap3A_591 = vector.shape_cast %swap3A_590 : vector<1x8x1024xbf16> to vector<8x1024xbf16>
      %swap3A_592 = vector.shape_cast %convert_element_type3A_586 : vector<8x1024xbf16> to vector<1x8x1024xbf16>
      tpu.vector_store %arg8[%swap3A_587, %swap3A_588, %swap3A_589], %swap3A_592 {strides = array<i32>} : memref<12x624x1024xbf16, #tpu.memory_space<vmem>>, vector<1x8x1024xbf16>,
      %slice3A_593 = vector.extract_strided_slice %max3A_536 {offsets = [0, 0], sizes = [8, 1024], strides = [1, 1]} : vector<16x1024xf32> to vector<8x1024xf32>
      %slice3A_594 = vector.extract_strided_slice %max3A_176 {offsets = [0, 0], sizes = [8, 1024], strides = [1, 1]} : vector<16x1024xf32> to vector<8x1024xf32>
      %mul3A_595 = arith.mulf %slice3A_593, %slice3A_594 : vector<8x1024xf32>
      %slice3A_596 = vector.extract_strided_slice %max3A_536 {offsets = [8, 0], sizes = [8, 1024], strides = [1, 1]} : vector<16x1024xf32> to vector<8x1024xf32>
      %slice3A_597 = vector.extract_strided_slice %max3A_176 {offsets = [8, 0], sizes = [8, 1024], strides = [1, 1]} : vector<16x1024xf32> to vector<8x1024xf32>
      %mul3A_598 = arith.mulf %slice3A_596, %slice3A_597 : vector<8x1024xf32>
      %add3A_599 = arith.addf %mul3A_595, %mul3A_598 : vector<8x1024xf32>
      %convert_element_type3A_600 = arith.truncf %add3A_599 : vector<8x1024xf32> to vector<8x1024xbf16>
      %swap3A_601 = arith.index_cast %scan3A_413 : i32 to index
      %swap3A_602 = arith.constant 80 : index
      %swap3A_603 = arith.constant 0 : index
      %swap3A_604 = vector.load %arg8[%swap3A_601, %swap3A_602, %swap3A_603] : memref<12x624x1024xbf16, #tpu.memory_space<vmem>>, vector<1x8x1024xbf16>
      %swap3A_605 = vector.shape_cast %swap3A_604 : vector<1x8x1024xbf16> to vector<8x1024xbf16>
      %swap3A_606 = vector.shape_cast %convert_element_type3A_600 : vector<8x1024xbf16> to vector<1x8x1024xbf16>
      tpu.vector_store %arg8[%swap3A_601, %swap3A_602, %swap3A_603], %swap3A_606 {strides = array<i32>} : memref<12x624x1024xbf16, #tpu.memory_space<vmem>>, vector<1x8x1024xbf16>,
      %slice3A_607 = vector.extract_strided_slice %max3A_536 {offsets = [0, 0], sizes = [8, 1024], strides = [1, 1]} : vector<16x1024xf32> to vector<8x1024xf32>
      %slice3A_608 = vector.extract_strided_slice %max3A_177 {offsets = [0, 0], sizes = [8, 1024], strides = [1, 1]} : vector<16x1024xf32> to vector<8x1024xf32>
      %mul3A_609 = arith.mulf %slice3A_607, %slice3A_608 : vector<8x1024xf32>
      %slice3A_610 = vector.extract_strided_slice %max3A_536 {offsets = [8, 0], sizes = [8, 1024], strides = [1, 1]} : vector<16x1024xf32> to vector<8x1024xf32>
      %slice3A_611 = vector.extract_strided_slice %max3A_177 {offsets = [8, 0], sizes = [8, 1024], strides = [1, 1]} : vector<16x1024xf32> to vector<8x1024xf32>
      %mul3A_612 = arith.mulf %slice3A_610, %slice3A_611 : vector<8x1024xf32>
      %add3A_613 = arith.addf %mul3A_609, %mul3A_612 : vector<8x1024xf32>
      %convert_element_type3A_614 = arith.truncf %add3A_613 : vector<8x1024xf32> to vector<8x1024xbf16>
      %swap3A_615 = arith.index_cast %scan3A_413 : i32 to index
      %swap3A_616 = arith.constant 88 : index
      %swap3A_617 = arith.constant 0 : index
      %swap3A_618 = vector.load %arg8[%swap3A_615, %swap3A_616, %swap3A_617] : memref<12x624x1024xbf16, #tpu.memory_space<vmem>>, vector<1x8x1024xbf16>
      %swap3A_619 = vector.shape_cast %swap3A_618 : vector<1x8x1024xbf16> to vector<8x1024xbf16>
      %swap3A_620 = vector.shape_cast %convert_element_type3A_614 : vector<8x1024xbf16> to vector<1x8x1024xbf16>
      tpu.vector_store %arg8[%swap3A_615, %swap3A_616, %swap3A_617], %swap3A_620 {strides = array<i32>} : memref<12x624x1024xbf16, #tpu.memory_space<vmem>>, vector<1x8x1024xbf16>,
      %get3A_621 = arith.constant 2 : index
      %get3A_622 = arith.constant 0 : index
      %get3A_623 = memref.load %arg4[%get3A_621, %get3A_622] : memref<3x2xf32, #tpu.memory_space<smem>>
      %mul3A_624 = vector.broadcast %get3A_623 : f32 to vector<16x1024xf32>
      %mul3A_625 = arith.mulf %mul3A_624, %get3A_420 : vector<16x1024xf32>
      %get3A_626 = arith.constant 2 : index
      %get3A_627 = arith.constant 1 : index
      %get3A_628 = memref.load %arg4[%get3A_626, %get3A_627] : memref<3x2xf32, #tpu.memory_space<smem>>
      %mul3A_629 = vector.broadcast %get3A_628 : f32 to vector<16x1024xf32>
      %mul3A_630 = arith.mulf %mul3A_629, %get3A_425 : vector<16x1024xf32>
      %add3A_631 = arith.addf %mul3A_625, %mul3A_630 : vector<16x1024xf32>
      %max3A_632 = arith.constant 0.000000e+00 : f32
      %max3A_633 = vector.broadcast %max3A_632 : f32 to vector<16x1024xf32>
      %max3A_634 = arith.maximumf %add3A_631, %max3A_633 : vector<16x1024xf32>
      %slice3A_635 = vector.extract_strided_slice %max3A_634 {offsets = [0, 0], sizes = [8, 1024], strides = [1, 1]} : vector<16x1024xf32> to vector<8x1024xf32>
      %slice3A_636 = vector.extract_strided_slice %max3A_172 {offsets = [0, 0], sizes = [8, 1024], strides = [1, 1]} : vector<16x1024xf32> to vector<8x1024xf32>
      %mul3A_637 = arith.mulf %slice3A_635, %slice3A_636 : vector<8x1024xf32>
      %slice3A_638 = vector.extract_strided_slice %max3A_634 {offsets = [8, 0], sizes = [8, 1024], strides = [1, 1]} : vector<16x1024xf32> to vector<8x1024xf32>
      %slice3A_639 = vector.extract_strided_slice %max3A_172 {offsets = [8, 0], sizes = [8, 1024], strides = [1, 1]} : vector<16x1024xf32> to vector<8x1024xf32>
      %mul3A_640 = arith.mulf %slice3A_638, %slice3A_639 : vector<8x1024xf32>
      %add3A_641 = arith.addf %mul3A_637, %mul3A_640 : vector<8x1024xf32>
      %convert_element_type3A_642 = arith.truncf %add3A_641 : vector<8x1024xf32> to vector<8x1024xbf16>
      %swap3A_643 = arith.index_cast %scan3A_413 : i32 to index
      %swap3A_644 = arith.constant 576 : index
      %swap3A_645 = arith.constant 0 : index
      %swap3A_646 = vector.load %arg8[%swap3A_643, %swap3A_644, %swap3A_645] : memref<12x624x1024xbf16, #tpu.memory_space<vmem>>, vector<1x8x1024xbf16>
      %swap3A_647 = vector.shape_cast %swap3A_646 : vector<1x8x1024xbf16> to vector<8x1024xbf16>
      %swap3A_648 = vector.shape_cast %convert_element_type3A_642 : vector<8x1024xbf16> to vector<1x8x1024xbf16>
      tpu.vector_store %arg8[%swap3A_643, %swap3A_644, %swap3A_645], %swap3A_648 {strides = array<i32>} : memref<12x624x1024xbf16, #tpu.memory_space<vmem>>, vector<1x8x1024xbf16>,
      %slice3A_649 = vector.extract_strided_slice %max3A_634 {offsets = [0, 0], sizes = [8, 1024], strides = [1, 1]} : vector<16x1024xf32> to vector<8x1024xf32>
      %slice3A_650 = vector.extract_strided_slice %max3A_173 {offsets = [0, 0], sizes = [8, 1024], strides = [1, 1]} : vector<16x1024xf32> to vector<8x1024xf32>
      %mul3A_651 = arith.mulf %slice3A_649, %slice3A_650 : vector<8x1024xf32>
      %slice3A_652 = vector.extract_strided_slice %max3A_634 {offsets = [8, 0], sizes = [8, 1024], strides = [1, 1]} : vector<16x1024xf32> to vector<8x1024xf32>
      %slice3A_653 = vector.extract_strided_slice %max3A_173 {offsets = [8, 0], sizes = [8, 1024], strides = [1, 1]} : vector<16x1024xf32> to vector<8x1024xf32>
      %mul3A_654 = arith.mulf %slice3A_652, %slice3A_653 : vector<8x1024xf32>
      %add3A_655 = arith.addf %mul3A_651, %mul3A_654 : vector<8x1024xf32>
      %convert_element_type3A_656 = arith.truncf %add3A_655 : vector<8x1024xf32> to vector<8x1024xbf16>
      %swap3A_657 = arith.index_cast %scan3A_413 : i32 to index
      %swap3A_658 = arith.constant 584 : index
      %swap3A_659 = arith.constant 0 : index
      %swap3A_660 = vector.load %arg8[%swap3A_657, %swap3A_658, %swap3A_659] : memref<12x624x1024xbf16, #tpu.memory_space<vmem>>, vector<1x8x1024xbf16>
      %swap3A_661 = vector.shape_cast %swap3A_660 : vector<1x8x1024xbf16> to vector<8x1024xbf16>
      %swap3A_662 = vector.shape_cast %convert_element_type3A_656 : vector<8x1024xbf16> to vector<1x8x1024xbf16>
      tpu.vector_store %arg8[%swap3A_657, %swap3A_658, %swap3A_659], %swap3A_662 {strides = array<i32>} : memref<12x624x1024xbf16, #tpu.memory_space<vmem>>, vector<1x8x1024xbf16>,
      %slice3A_663 = vector.extract_strided_slice %max3A_634 {offsets = [0, 0], sizes = [8, 1024], strides = [1, 1]} : vector<16x1024xf32> to vector<8x1024xf32>
      %slice3A_664 = vector.extract_strided_slice %max3A_174 {offsets = [0, 0], sizes = [8, 1024], strides = [1, 1]} : vector<16x1024xf32> to vector<8x1024xf32>
      %mul3A_665 = arith.mulf %slice3A_663, %slice3A_664 : vector<8x1024xf32>
      %slice3A_666 = vector.extract_strided_slice %max3A_634 {offsets = [8, 0], sizes = [8, 1024], strides = [1, 1]} : vector<16x1024xf32> to vector<8x1024xf32>
      %slice3A_667 = vector.extract_strided_slice %max3A_174 {offsets = [8, 0], sizes = [8, 1024], strides = [1, 1]} : vector<16x1024xf32> to vector<8x1024xf32>
      %mul3A_668 = arith.mulf %slice3A_666, %slice3A_667 : vector<8x1024xf32>
      %add3A_669 = arith.addf %mul3A_665, %mul3A_668 : vector<8x1024xf32>
      %convert_element_type3A_670 = arith.truncf %add3A_669 : vector<8x1024xf32> to vector<8x1024xbf16>
      %swap3A_671 = arith.index_cast %scan3A_413 : i32 to index
      %swap3A_672 = arith.constant 592 : index
      %swap3A_673 = arith.constant 0 : index
      %swap3A_674 = vector.load %arg8[%swap3A_671, %swap3A_672, %swap3A_673] : memref<12x624x1024xbf16, #tpu.memory_space<vmem>>, vector<1x8x1024xbf16>
      %swap3A_675 = vector.shape_cast %swap3A_674 : vector<1x8x1024xbf16> to vector<8x1024xbf16>
      %swap3A_676 = vector.shape_cast %convert_element_type3A_670 : vector<8x1024xbf16> to vector<1x8x1024xbf16>
      tpu.vector_store %arg8[%swap3A_671, %swap3A_672, %swap3A_673], %swap3A_676 {strides = array<i32>} : memref<12x624x1024xbf16, #tpu.memory_space<vmem>>, vector<1x8x1024xbf16>,
      %slice3A_677 = vector.extract_strided_slice %max3A_634 {offsets = [0, 0], sizes = [8, 1024], strides = [1, 1]} : vector<16x1024xf32> to vector<8x1024xf32>
      %slice3A_678 = vector.extract_strided_slice %max3A_175 {offsets = [0, 0], sizes = [8, 1024], strides = [1, 1]} : vector<16x1024xf32> to vector<8x1024xf32>
      %mul3A_679 = arith.mulf %slice3A_677, %slice3A_678 : vector<8x1024xf32>
      %slice3A_680 = vector.extract_strided_slice %max3A_634 {offsets = [8, 0], sizes = [8, 1024], strides = [1, 1]} : vector<16x1024xf32> to vector<8x1024xf32>
      %slice3A_681 = vector.extract_strided_slice %max3A_175 {offsets = [8, 0], sizes = [8, 1024], strides = [1, 1]} : vector<16x1024xf32> to vector<8x1024xf32>
      %mul3A_682 = arith.mulf %slice3A_680, %slice3A_681 : vector<8x1024xf32>
      %add3A_683 = arith.addf %mul3A_679, %mul3A_682 : vector<8x1024xf32>
      %convert_element_type3A_684 = arith.truncf %add3A_683 : vector<8x1024xf32> to vector<8x1024xbf16>
      %swap3A_685 = arith.index_cast %scan3A_413 : i32 to index
      %swap3A_686 = arith.constant 600 : index
      %swap3A_687 = arith.constant 0 : index
      %swap3A_688 = vector.load %arg8[%swap3A_685, %swap3A_686, %swap3A_687] : memref<12x624x1024xbf16, #tpu.memory_space<vmem>>, vector<1x8x1024xbf16>
      %swap3A_689 = vector.shape_cast %swap3A_688 : vector<1x8x1024xbf16> to vector<8x1024xbf16>
      %swap3A_690 = vector.shape_cast %convert_element_type3A_684 : vector<8x1024xbf16> to vector<1x8x1024xbf16>
      tpu.vector_store %arg8[%swap3A_685, %swap3A_686, %swap3A_687], %swap3A_690 {strides = array<i32>} : memref<12x624x1024xbf16, #tpu.memory_space<vmem>>, vector<1x8x1024xbf16>,
      %slice3A_691 = vector.extract_strided_slice %max3A_634 {offsets = [0, 0], sizes = [8, 1024], strides = [1, 1]} : vector<16x1024xf32> to vector<8x1024xf32>
      %slice3A_692 = vector.extract_strided_slice %max3A_176 {offsets = [0, 0], sizes = [8, 1024], strides = [1, 1]} : vector<16x1024xf32> to vector<8x1024xf32>
      %mul3A_693 = arith.mulf %slice3A_691, %slice3A_692 : vector<8x1024xf32>
      %slice3A_694 = vector.extract_strided_slice %max3A_634 {offsets = [8, 0], sizes = [8, 1024], strides = [1, 1]} : vector<16x1024xf32> to vector<8x1024xf32>
      %slice3A_695 = vector.extract_strided_slice %max3A_176 {offsets = [8, 0], sizes = [8, 1024], strides = [1, 1]} : vector<16x1024xf32> to vector<8x1024xf32>
      %mul3A_696 = arith.mulf %slice3A_694, %slice3A_695 : vector<8x1024xf32>
      %add3A_697 = arith.addf %mul3A_693, %mul3A_696 : vector<8x1024xf32>
      %convert_element_type3A_698 = arith.truncf %add3A_697 : vector<8x1024xf32> to vector<8x1024xbf16>
      %swap3A_699 = arith.index_cast %scan3A_413 : i32 to index
      %swap3A_700 = arith.constant 608 : index
      %swap3A_701 = arith.constant 0 : index
      %swap3A_702 = vector.load %arg8[%swap3A_699, %swap3A_700, %swap3A_701] : memref<12x624x1024xbf16, #tpu.memory_space<vmem>>, vector<1x8x1024xbf16>
      %swap3A_703 = vector.shape_cast %swap3A_702 : vector<1x8x1024xbf16> to vector<8x1024xbf16>
      %swap3A_704 = vector.shape_cast %convert_element_type3A_698 : vector<8x1024xbf16> to vector<1x8x1024xbf16>
      tpu.vector_store %arg8[%swap3A_699, %swap3A_700, %swap3A_701], %swap3A_704 {strides = array<i32>} : memref<12x624x1024xbf16, #tpu.memory_space<vmem>>, vector<1x8x1024xbf16>,
      %slice3A_705 = vector.extract_strided_slice %max3A_634 {offsets = [0, 0], sizes = [8, 1024], strides = [1, 1]} : vector<16x1024xf32> to vector<8x1024xf32>
      %slice3A_706 = vector.extract_strided_slice %max3A_177 {offsets = [0, 0], sizes = [8, 1024], strides = [1, 1]} : vector<16x1024xf32> to vector<8x1024xf32>
      %mul3A_707 = arith.mulf %slice3A_705, %slice3A_706 : vector<8x1024xf32>
      %slice3A_708 = vector.extract_strided_slice %max3A_634 {offsets = [8, 0], sizes = [8, 1024], strides = [1, 1]} : vector<16x1024xf32> to vector<8x1024xf32>
      %slice3A_709 = vector.extract_strided_slice %max3A_177 {offsets = [8, 0], sizes = [8, 1024], strides = [1, 1]} : vector<16x1024xf32> to vector<8x1024xf32>
      %mul3A_710 = arith.mulf %slice3A_708, %slice3A_709 : vector<8x1024xf32>
      %add3A_711 = arith.addf %mul3A_707, %mul3A_710 : vector<8x1024xf32>
      %convert_element_type3A_712 = arith.truncf %add3A_711 : vector<8x1024xf32> to vector<8x1024xbf16>
      %swap3A_713 = arith.index_cast %scan3A_413 : i32 to index
      %swap3A_714 = arith.constant 616 : index
      %swap3A_715 = arith.constant 0 : index
      %swap3A_716 = vector.load %arg8[%swap3A_713, %swap3A_714, %swap3A_715] : memref<12x624x1024xbf16, #tpu.memory_space<vmem>>, vector<1x8x1024xbf16>
      %swap3A_717 = vector.shape_cast %swap3A_716 : vector<1x8x1024xbf16> to vector<8x1024xbf16>
      %swap3A_718 = vector.shape_cast %convert_element_type3A_712 : vector<8x1024xbf16> to vector<1x8x1024xbf16>
      tpu.vector_store %arg8[%swap3A_713, %swap3A_714, %swap3A_715], %swap3A_718 {strides = array<i32>} : memref<12x624x1024xbf16, #tpu.memory_space<vmem>>, vector<1x8x1024xbf16>,
      %get3A_719 = arith.index_cast %scan3A_413 : i32 to index
      %get3A_720 = arith.constant 2 : index
      %get3A_721 = arith.constant 0 : index
      %get3A_722 = memref.load %arg3[%get3A_719, %get3A_720, %get3A_721] : memref<12x13x6xf32, #tpu.memory_space<smem>>
      %mul3A_723 = vector.broadcast %get3A_722 : f32 to vector<16x1024xf32>
      %mul3A_724 = arith.mulf %mul3A_723, %max3A_172 : vector<16x1024xf32>
      %get3A_725 = arith.index_cast %scan3A_413 : i32 to index
      %get3A_726 = arith.constant 2 : index
      %get3A_727 = arith.constant 1 : index
      %get3A_728 = memref.load %arg3[%get3A_725, %get3A_726, %get3A_727] : memref<12x13x6xf32, #tpu.memory_space<smem>>
      %mul3A_729 = vector.broadcast %get3A_728 : f32 to vector<16x1024xf32>
      %mul3A_730 = arith.mulf %mul3A_729, %max3A_173 : vector<16x1024xf32>
      %add3A_731 = arith.addf %mul3A_724, %mul3A_730 : vector<16x1024xf32>
      %get3A_732 = arith.index_cast %scan3A_413 : i32 to index
      %get3A_733 = arith.constant 2 : index
      %get3A_734 = arith.constant 2 : index
      %get3A_735 = memref.load %arg3[%get3A_732, %get3A_733, %get3A_734] : memref<12x13x6xf32, #tpu.memory_space<smem>>
      %mul3A_736 = vector.broadcast %get3A_735 : f32 to vector<16x1024xf32>
      %mul3A_737 = arith.mulf %mul3A_736, %max3A_174 : vector<16x1024xf32>
      %add3A_738 = arith.addf %add3A_731, %mul3A_737 : vector<16x1024xf32>
      %get3A_739 = arith.index_cast %scan3A_413 : i32 to index
      %get3A_740 = arith.constant 2 : index
      %get3A_741 = arith.constant 3 : index
      %get3A_742 = memref.load %arg3[%get3A_739, %get3A_740, %get3A_741] : memref<12x13x6xf32, #tpu.memory_space<smem>>
      %mul3A_743 = vector.broadcast %get3A_742 : f32 to vector<16x1024xf32>
      %mul3A_744 = arith.mulf %mul3A_743, %max3A_175 : vector<16x1024xf32>
      %add3A_745 = arith.addf %add3A_738, %mul3A_744 : vector<16x1024xf32>
      %get3A_746 = arith.index_cast %scan3A_413 : i32 to index
      %get3A_747 = arith.constant 2 : index
      %get3A_748 = arith.constant 4 : index
      %get3A_749 = memref.load %arg3[%get3A_746, %get3A_747, %get3A_748] : memref<12x13x6xf32, #tpu.memory_space<smem>>
      %mul3A_750 = vector.broadcast %get3A_749 : f32 to vector<16x1024xf32>
      %mul3A_751 = arith.mulf %mul3A_750, %max3A_176 : vector<16x1024xf32>
      %add3A_752 = arith.addf %add3A_745, %mul3A_751 : vector<16x1024xf32>
      %get3A_753 = arith.index_cast %scan3A_413 : i32 to index
      %get3A_754 = arith.constant 2 : index
      %get3A_755 = arith.constant 5 : index
      %get3A_756 = memref.load %arg3[%get3A_753, %get3A_754, %get3A_755] : memref<12x13x6xf32, #tpu.memory_space<smem>>
      %mul3A_757 = vector.broadcast %get3A_756 : f32 to vector<16x1024xf32>
      %mul3A_758 = arith.mulf %mul3A_757, %max3A_177 : vector<16x1024xf32>
      %add3A_759 = arith.addf %add3A_752, %mul3A_758 : vector<16x1024xf32>
      %max3A_760 = arith.constant 0.000000e+00 : f32
      %max3A_761 = vector.broadcast %max3A_760 : f32 to vector<16x1024xf32>
      %max3A_762 = arith.maximumf %add3A_759, %max3A_761 : vector<16x1024xf32>
      %slice3A_763 = vector.extract_strided_slice %max3A_762 {offsets = [0, 0], sizes = [8, 1024], strides = [1, 1]} : vector<16x1024xf32> to vector<8x1024xf32>
      %slice3A_764 = vector.extract_strided_slice %max3A_172 {offsets = [0, 0], sizes = [8, 1024], strides = [1, 1]} : vector<16x1024xf32> to vector<8x1024xf32>
      %mul3A_765 = arith.mulf %slice3A_763, %slice3A_764 : vector<8x1024xf32>
      %slice3A_766 = vector.extract_strided_slice %max3A_762 {offsets = [8, 0], sizes = [8, 1024], strides = [1, 1]} : vector<16x1024xf32> to vector<8x1024xf32>
      %slice3A_767 = vector.extract_strided_slice %max3A_172 {offsets = [8, 0], sizes = [8, 1024], strides = [1, 1]} : vector<16x1024xf32> to vector<8x1024xf32>
      %mul3A_768 = arith.mulf %slice3A_766, %slice3A_767 : vector<8x1024xf32>
      %add3A_769 = arith.addf %mul3A_765, %mul3A_768 : vector<8x1024xf32>
      %convert_element_type3A_770 = arith.truncf %add3A_769 : vector<8x1024xf32> to vector<8x1024xbf16>
      %swap3A_771 = arith.index_cast %scan3A_413 : i32 to index
      %swap3A_772 = arith.constant 96 : index
      %swap3A_773 = arith.constant 0 : index
      %swap3A_774 = vector.load %arg8[%swap3A_771, %swap3A_772, %swap3A_773] : memref<12x624x1024xbf16, #tpu.memory_space<vmem>>, vector<1x8x1024xbf16>
      %swap3A_775 = vector.shape_cast %swap3A_774 : vector<1x8x1024xbf16> to vector<8x1024xbf16>
      %swap3A_776 = vector.shape_cast %convert_element_type3A_770 : vector<8x1024xbf16> to vector<1x8x1024xbf16>
      tpu.vector_store %arg8[%swap3A_771, %swap3A_772, %swap3A_773], %swap3A_776 {strides = array<i32>} : memref<12x624x1024xbf16, #tpu.memory_space<vmem>>, vector<1x8x1024xbf16>,
      %slice3A_777 = vector.extract_strided_slice %max3A_762 {offsets = [0, 0], sizes = [8, 1024], strides = [1, 1]} : vector<16x1024xf32> to vector<8x1024xf32>
      %slice3A_778 = vector.extract_strided_slice %max3A_173 {offsets = [0, 0], sizes = [8, 1024], strides = [1, 1]} : vector<16x1024xf32> to vector<8x1024xf32>
      %mul3A_779 = arith.mulf %slice3A_777, %slice3A_778 : vector<8x1024xf32>
      %slice3A_780 = vector.extract_strided_slice %max3A_762 {offsets = [8, 0], sizes = [8, 1024], strides = [1, 1]} : vector<16x1024xf32> to vector<8x1024xf32>
      %slice3A_781 = vector.extract_strided_slice %max3A_173 {offsets = [8, 0], sizes = [8, 1024], strides = [1, 1]} : vector<16x1024xf32> to vector<8x1024xf32>
      %mul3A_782 = arith.mulf %slice3A_780, %slice3A_781 : vector<8x1024xf32>
      %add3A_783 = arith.addf %mul3A_779, %mul3A_782 : vector<8x1024xf32>
      %convert_element_type3A_784 = arith.truncf %add3A_783 : vector<8x1024xf32> to vector<8x1024xbf16>
      %swap3A_785 = arith.index_cast %scan3A_413 : i32 to index
      %swap3A_786 = arith.constant 104 : index
      %swap3A_787 = arith.constant 0 : index
      %swap3A_788 = vector.load %arg8[%swap3A_785, %swap3A_786, %swap3A_787] : memref<12x624x1024xbf16, #tpu.memory_space<vmem>>, vector<1x8x1024xbf16>
      %swap3A_789 = vector.shape_cast %swap3A_788 : vector<1x8x1024xbf16> to vector<8x1024xbf16>
      %swap3A_790 = vector.shape_cast %convert_element_type3A_784 : vector<8x1024xbf16> to vector<1x8x1024xbf16>
      tpu.vector_store %arg8[%swap3A_785, %swap3A_786, %swap3A_787], %swap3A_790 {strides = array<i32>} : memref<12x624x1024xbf16, #tpu.memory_space<vmem>>, vector<1x8x1024xbf16>,
      %slice3A_791 = vector.extract_strided_slice %max3A_762 {offsets = [0, 0], sizes = [8, 1024], strides = [1, 1]} : vector<16x1024xf32> to vector<8x1024xf32>
      %slice3A_792 = vector.extract_strided_slice %max3A_174 {offsets = [0, 0], sizes = [8, 1024], strides = [1, 1]} : vector<16x1024xf32> to vector<8x1024xf32>
      %mul3A_793 = arith.mulf %slice3A_791, %slice3A_792 : vector<8x1024xf32>
      %slice3A_794 = vector.extract_strided_slice %max3A_762 {offsets = [8, 0], sizes = [8, 1024], strides = [1, 1]} : vector<16x1024xf32> to vector<8x1024xf32>
      %slice3A_795 = vector.extract_strided_slice %max3A_174 {offsets = [8, 0], sizes = [8, 1024], strides = [1, 1]} : vector<16x1024xf32> to vector<8x1024xf32>
      %mul3A_796 = arith.mulf %slice3A_794, %slice3A_795 : vector<8x1024xf32>
      %add3A_797 = arith.addf %mul3A_793, %mul3A_796 : vector<8x1024xf32>
      %convert_element_type3A_798 = arith.truncf %add3A_797 : vector<8x1024xf32> to vector<8x1024xbf16>
      %swap3A_799 = arith.index_cast %scan3A_413 : i32 to index
      %swap3A_800 = arith.constant 112 : index
      %swap3A_801 = arith.constant 0 : index
      %swap3A_802 = vector.load %arg8[%swap3A_799, %swap3A_800, %swap3A_801] : memref<12x624x1024xbf16, #tpu.memory_space<vmem>>, vector<1x8x1024xbf16>
      %swap3A_803 = vector.shape_cast %swap3A_802 : vector<1x8x1024xbf16> to vector<8x1024xbf16>
      %swap3A_804 = vector.shape_cast %convert_element_type3A_798 : vector<8x1024xbf16> to vector<1x8x1024xbf16>
      tpu.vector_store %arg8[%swap3A_799, %swap3A_800, %swap3A_801], %swap3A_804 {strides = array<i32>} : memref<12x624x1024xbf16, #tpu.memory_space<vmem>>, vector<1x8x1024xbf16>,
      %slice3A_805 = vector.extract_strided_slice %max3A_762 {offsets = [0, 0], sizes = [8, 1024], strides = [1, 1]} : vector<16x1024xf32> to vector<8x1024xf32>
      %slice3A_806 = vector.extract_strided_slice %max3A_175 {offsets = [0, 0], sizes = [8, 1024], strides = [1, 1]} : vector<16x1024xf32> to vector<8x1024xf32>
      %mul3A_807 = arith.mulf %slice3A_805, %slice3A_806 : vector<8x1024xf32>
      %slice3A_808 = vector.extract_strided_slice %max3A_762 {offsets = [8, 0], sizes = [8, 1024], strides = [1, 1]} : vector<16x1024xf32> to vector<8x1024xf32>
      %slice3A_809 = vector.extract_strided_slice %max3A_175 {offsets = [8, 0], sizes = [8, 1024], strides = [1, 1]} : vector<16x1024xf32> to vector<8x1024xf32>
      %mul3A_810 = arith.mulf %slice3A_808, %slice3A_809 : vector<8x1024xf32>
      %add3A_811 = arith.addf %mul3A_807, %mul3A_810 : vector<8x1024xf32>
      %convert_element_type3A_812 = arith.truncf %add3A_811 : vector<8x1024xf32> to vector<8x1024xbf16>
      %swap3A_813 = arith.index_cast %scan3A_413 : i32 to index
      %swap3A_814 = arith.constant 120 : index
      %swap3A_815 = arith.constant 0 : index
      %swap3A_816 = vector.load %arg8[%swap3A_813, %swap3A_814, %swap3A_815] : memref<12x624x1024xbf16, #tpu.memory_space<vmem>>, vector<1x8x1024xbf16>
      %swap3A_817 = vector.shape_cast %swap3A_816 : vector<1x8x1024xbf16> to vector<8x1024xbf16>
      %swap3A_818 = vector.shape_cast %convert_element_type3A_812 : vector<8x1024xbf16> to vector<1x8x1024xbf16>
      tpu.vector_store %arg8[%swap3A_813, %swap3A_814, %swap3A_815], %swap3A_818 {strides = array<i32>} : memref<12x624x1024xbf16, #tpu.memory_space<vmem>>, vector<1x8x1024xbf16>,
      %slice3A_819 = vector.extract_strided_slice %max3A_762 {offsets = [0, 0], sizes = [8, 1024], strides = [1, 1]} : vector<16x1024xf32> to vector<8x1024xf32>
      %slice3A_820 = vector.extract_strided_slice %max3A_176 {offsets = [0, 0], sizes = [8, 1024], strides = [1, 1]} : vector<16x1024xf32> to vector<8x1024xf32>
      %mul3A_821 = arith.mulf %slice3A_819, %slice3A_820 : vector<8x1024xf32>
      %slice3A_822 = vector.extract_strided_slice %max3A_762 {offsets = [8, 0], sizes = [8, 1024], strides = [1, 1]} : vector<16x1024xf32> to vector<8x1024xf32>
      %slice3A_823 = vector.extract_strided_slice %max3A_176 {offsets = [8, 0], sizes = [8, 1024], strides = [1, 1]} : vector<16x1024xf32> to vector<8x1024xf32>
      %mul3A_824 = arith.mulf %slice3A_822, %slice3A_823 : vector<8x1024xf32>
      %add3A_825 = arith.addf %mul3A_821, %mul3A_824 : vector<8x1024xf32>
      %convert_element_type3A_826 = arith.truncf %add3A_825 : vector<8x1024xf32> to vector<8x1024xbf16>
      %swap3A_827 = arith.index_cast %scan3A_413 : i32 to index
      %swap3A_828 = arith.constant 128 : index
      %swap3A_829 = arith.constant 0 : index
      %swap3A_830 = vector.load %arg8[%swap3A_827, %swap3A_828, %swap3A_829] : memref<12x624x1024xbf16, #tpu.memory_space<vmem>>, vector<1x8x1024xbf16>
      %swap3A_831 = vector.shape_cast %swap3A_830 : vector<1x8x1024xbf16> to vector<8x1024xbf16>
      %swap3A_832 = vector.shape_cast %convert_element_type3A_826 : vector<8x1024xbf16> to vector<1x8x1024xbf16>
      tpu.vector_store %arg8[%swap3A_827, %swap3A_828, %swap3A_829], %swap3A_832 {strides = array<i32>} : memref<12x624x1024xbf16, #tpu.memory_space<vmem>>, vector<1x8x1024xbf16>,
      %slice3A_833 = vector.extract_strided_slice %max3A_762 {offsets = [0, 0], sizes = [8, 1024], strides = [1, 1]} : vector<16x1024xf32> to vector<8x1024xf32>
      %slice3A_834 = vector.extract_strided_slice %max3A_177 {offsets = [0, 0], sizes = [8, 1024], strides = [1, 1]} : vector<16x1024xf32> to vector<8x1024xf32>
      %mul3A_835 = arith.mulf %slice3A_833, %slice3A_834 : vector<8x1024xf32>
      %slice3A_836 = vector.extract_strided_slice %max3A_762 {offsets = [8, 0], sizes = [8, 1024], strides = [1, 1]} : vector<16x1024xf32> to vector<8x1024xf32>
      %slice3A_837 = vector.extract_strided_slice %max3A_177 {offsets = [8, 0], sizes = [8, 1024], strides = [1, 1]} : vector<16x1024xf32> to vector<8x1024xf32>
      %mul3A_838 = arith.mulf %slice3A_836, %slice3A_837 : vector<8x1024xf32>
      %add3A_839 = arith.addf %mul3A_835, %mul3A_838 : vector<8x1024xf32>
      %convert_element_type3A_840 = arith.truncf %add3A_839 : vector<8x1024xf32> to vector<8x1024xbf16>
      %swap3A_841 = arith.index_cast %scan3A_413 : i32 to index
      %swap3A_842 = arith.constant 136 : index
      %swap3A_843 = arith.constant 0 : index
      %swap3A_844 = vector.load %arg8[%swap3A_841, %swap3A_842, %swap3A_843] : memref<12x624x1024xbf16, #tpu.memory_space<vmem>>, vector<1x8x1024xbf16>
      %swap3A_845 = vector.shape_cast %swap3A_844 : vector<1x8x1024xbf16> to vector<8x1024xbf16>
      %swap3A_846 = vector.shape_cast %convert_element_type3A_840 : vector<8x1024xbf16> to vector<1x8x1024xbf16>
      tpu.vector_store %arg8[%swap3A_841, %swap3A_842, %swap3A_843], %swap3A_846 {strides = array<i32>} : memref<12x624x1024xbf16, #tpu.memory_space<vmem>>, vector<1x8x1024xbf16>,
      %get3A_847 = arith.index_cast %scan3A_413 : i32 to index
      %get3A_848 = arith.constant 3 : index
      %get3A_849 = arith.constant 0 : index
      %get3A_850 = memref.load %arg3[%get3A_847, %get3A_848, %get3A_849] : memref<12x13x6xf32, #tpu.memory_space<smem>>
      %mul3A_851 = vector.broadcast %get3A_850 : f32 to vector<16x1024xf32>
      %mul3A_852 = arith.mulf %mul3A_851, %max3A_172 : vector<16x1024xf32>
      %get3A_853 = arith.index_cast %scan3A_413 : i32 to index
      %get3A_854 = arith.constant 3 : index
      %get3A_855 = arith.constant 1 : index
      %get3A_856 = memref.load %arg3[%get3A_853, %get3A_854, %get3A_855] : memref<12x13x6xf32, #tpu.memory_space<smem>>
      %mul3A_857 = vector.broadcast %get3A_856 : f32 to vector<16x1024xf32>
      %mul3A_858 = arith.mulf %mul3A_857, %max3A_173 : vector<16x1024xf32>
      %add3A_859 = arith.addf %mul3A_852, %mul3A_858 : vector<16x1024xf32>
      %get3A_860 = arith.index_cast %scan3A_413 : i32 to index
      %get3A_861 = arith.constant 3 : index
      %get3A_862 = arith.constant 2 : index
      %get3A_863 = memref.load %arg3[%get3A_860, %get3A_861, %get3A_862] : memref<12x13x6xf32, #tpu.memory_space<smem>>
      %mul3A_864 = vector.broadcast %get3A_863 : f32 to vector<16x1024xf32>
      %mul3A_865 = arith.mulf %mul3A_864, %max3A_174 : vector<16x1024xf32>
      %add3A_866 = arith.addf %add3A_859, %mul3A_865 : vector<16x1024xf32>
      %get3A_867 = arith.index_cast %scan3A_413 : i32 to index
      %get3A_868 = arith.constant 3 : index
      %get3A_869 = arith.constant 3 : index
      %get3A_870 = memref.load %arg3[%get3A_867, %get3A_868, %get3A_869] : memref<12x13x6xf32, #tpu.memory_space<smem>>
      %mul3A_871 = vector.broadcast %get3A_870 : f32 to vector<16x1024xf32>
      %mul3A_872 = arith.mulf %mul3A_871, %max3A_175 : vector<16x1024xf32>
      %add3A_873 = arith.addf %add3A_866, %mul3A_872 : vector<16x1024xf32>
      %get3A_874 = arith.index_cast %scan3A_413 : i32 to index
      %get3A_875 = arith.constant 3 : index
      %get3A_876 = arith.constant 4 : index
      %get3A_877 = memref.load %arg3[%get3A_874, %get3A_875, %get3A_876] : memref<12x13x6xf32, #tpu.memory_space<smem>>
      %mul3A_878 = vector.broadcast %get3A_877 : f32 to vector<16x1024xf32>
      %mul3A_879 = arith.mulf %mul3A_878, %max3A_176 : vector<16x1024xf32>
      %add3A_880 = arith.addf %add3A_873, %mul3A_879 : vector<16x1024xf32>
      %get3A_881 = arith.index_cast %scan3A_413 : i32 to index
      %get3A_882 = arith.constant 3 : index
      %get3A_883 = arith.constant 5 : index
      %get3A_884 = memref.load %arg3[%get3A_881, %get3A_882, %get3A_883] : memref<12x13x6xf32, #tpu.memory_space<smem>>
      %mul3A_885 = vector.broadcast %get3A_884 : f32 to vector<16x1024xf32>
      %mul3A_886 = arith.mulf %mul3A_885, %max3A_177 : vector<16x1024xf32>
      %add3A_887 = arith.addf %add3A_880, %mul3A_886 : vector<16x1024xf32>
      %max3A_888 = arith.constant 0.000000e+00 : f32
      %max3A_889 = vector.broadcast %max3A_888 : f32 to vector<16x1024xf32>
      %max3A_890 = arith.maximumf %add3A_887, %max3A_889 : vector<16x1024xf32>
      %slice3A_891 = vector.extract_strided_slice %max3A_890 {offsets = [0, 0], sizes = [8, 1024], strides = [1, 1]} : vector<16x1024xf32> to vector<8x1024xf32>
      %slice3A_892 = vector.extract_strided_slice %max3A_172 {offsets = [0, 0], sizes = [8, 1024], strides = [1, 1]} : vector<16x1024xf32> to vector<8x1024xf32>
      %mul3A_893 = arith.mulf %slice3A_891, %slice3A_892 : vector<8x1024xf32>
      %slice3A_894 = vector.extract_strided_slice %max3A_890 {offsets = [8, 0], sizes = [8, 1024], strides = [1, 1]} : vector<16x1024xf32> to vector<8x1024xf32>
      %slice3A_895 = vector.extract_strided_slice %max3A_172 {offsets = [8, 0], sizes = [8, 1024], strides = [1, 1]} : vector<16x1024xf32> to vector<8x1024xf32>
      %mul3A_896 = arith.mulf %slice3A_894, %slice3A_895 : vector<8x1024xf32>
      %add3A_897 = arith.addf %mul3A_893, %mul3A_896 : vector<8x1024xf32>
      %convert_element_type3A_898 = arith.truncf %add3A_897 : vector<8x1024xf32> to vector<8x1024xbf16>
      %swap3A_899 = arith.index_cast %scan3A_413 : i32 to index
      %swap3A_900 = arith.constant 144 : index
      %swap3A_901 = arith.constant 0 : index
      %swap3A_902 = vector.load %arg8[%swap3A_899, %swap3A_900, %swap3A_901] : memref<12x624x1024xbf16, #tpu.memory_space<vmem>>, vector<1x8x1024xbf16>
      %swap3A_903 = vector.shape_cast %swap3A_902 : vector<1x8x1024xbf16> to vector<8x1024xbf16>
      %swap3A_904 = vector.shape_cast %convert_element_type3A_898 : vector<8x1024xbf16> to vector<1x8x1024xbf16>
      tpu.vector_store %arg8[%swap3A_899, %swap3A_900, %swap3A_901], %swap3A_904 {strides = array<i32>} : memref<12x624x1024xbf16, #tpu.memory_space<vmem>>, vector<1x8x1024xbf16>,
      %slice3A_905 = vector.extract_strided_slice %max3A_890 {offsets = [0, 0], sizes = [8, 1024], strides = [1, 1]} : vector<16x1024xf32> to vector<8x1024xf32>
      %slice3A_906 = vector.extract_strided_slice %max3A_173 {offsets = [0, 0], sizes = [8, 1024], strides = [1, 1]} : vector<16x1024xf32> to vector<8x1024xf32>
      %mul3A_907 = arith.mulf %slice3A_905, %slice3A_906 : vector<8x1024xf32>
      %slice3A_908 = vector.extract_strided_slice %max3A_890 {offsets = [8, 0], sizes = [8, 1024], strides = [1, 1]} : vector<16x1024xf32> to vector<8x1024xf32>
      %slice3A_909 = vector.extract_strided_slice %max3A_173 {offsets = [8, 0], sizes = [8, 1024], strides = [1, 1]} : vector<16x1024xf32> to vector<8x1024xf32>
      %mul3A_910 = arith.mulf %slice3A_908, %slice3A_909 : vector<8x1024xf32>
      %add3A_911 = arith.addf %mul3A_907, %mul3A_910 : vector<8x1024xf32>
      %convert_element_type3A_912 = arith.truncf %add3A_911 : vector<8x1024xf32> to vector<8x1024xbf16>
      %swap3A_913 = arith.index_cast %scan3A_413 : i32 to index
      %swap3A_914 = arith.constant 152 : index
      %swap3A_915 = arith.constant 0 : index
      %swap3A_916 = vector.load %arg8[%swap3A_913, %swap3A_914, %swap3A_915] : memref<12x624x1024xbf16, #tpu.memory_space<vmem>>, vector<1x8x1024xbf16>
      %swap3A_917 = vector.shape_cast %swap3A_916 : vector<1x8x1024xbf16> to vector<8x1024xbf16>
      %swap3A_918 = vector.shape_cast %convert_element_type3A_912 : vector<8x1024xbf16> to vector<1x8x1024xbf16>
      tpu.vector_store %arg8[%swap3A_913, %swap3A_914, %swap3A_915], %swap3A_918 {strides = array<i32>} : memref<12x624x1024xbf16, #tpu.memory_space<vmem>>, vector<1x8x1024xbf16>,
      %slice3A_919 = vector.extract_strided_slice %max3A_890 {offsets = [0, 0], sizes = [8, 1024], strides = [1, 1]} : vector<16x1024xf32> to vector<8x1024xf32>
      %slice3A_920 = vector.extract_strided_slice %max3A_174 {offsets = [0, 0], sizes = [8, 1024], strides = [1, 1]} : vector<16x1024xf32> to vector<8x1024xf32>
      %mul3A_921 = arith.mulf %slice3A_919, %slice3A_920 : vector<8x1024xf32>
      %slice3A_922 = vector.extract_strided_slice %max3A_890 {offsets = [8, 0], sizes = [8, 1024], strides = [1, 1]} : vector<16x1024xf32> to vector<8x1024xf32>
      %slice3A_923 = vector.extract_strided_slice %max3A_174 {offsets = [8, 0], sizes = [8, 1024], strides = [1, 1]} : vector<16x1024xf32> to vector<8x1024xf32>
      %mul3A_924 = arith.mulf %slice3A_922, %slice3A_923 : vector<8x1024xf32>
      %add3A_925 = arith.addf %mul3A_921, %mul3A_924 : vector<8x1024xf32>
      %convert_element_type3A_926 = arith.truncf %add3A_925 : vector<8x1024xf32> to vector<8x1024xbf16>
      %swap3A_927 = arith.index_cast %scan3A_413 : i32 to index
      %swap3A_928 = arith.constant 160 : index
      %swap3A_929 = arith.constant 0 : index
      %swap3A_930 = vector.load %arg8[%swap3A_927, %swap3A_928, %swap3A_929] : memref<12x624x1024xbf16, #tpu.memory_space<vmem>>, vector<1x8x1024xbf16>
      %swap3A_931 = vector.shape_cast %swap3A_930 : vector<1x8x1024xbf16> to vector<8x1024xbf16>
      %swap3A_932 = vector.shape_cast %convert_element_type3A_926 : vector<8x1024xbf16> to vector<1x8x1024xbf16>
      tpu.vector_store %arg8[%swap3A_927, %swap3A_928, %swap3A_929], %swap3A_932 {strides = array<i32>} : memref<12x624x1024xbf16, #tpu.memory_space<vmem>>, vector<1x8x1024xbf16>,
      %slice3A_933 = vector.extract_strided_slice %max3A_890 {offsets = [0, 0], sizes = [8, 1024], strides = [1, 1]} : vector<16x1024xf32> to vector<8x1024xf32>
      %slice3A_934 = vector.extract_strided_slice %max3A_175 {offsets = [0, 0], sizes = [8, 1024], strides = [1, 1]} : vector<16x1024xf32> to vector<8x1024xf32>
      %mul3A_935 = arith.mulf %slice3A_933, %slice3A_934 : vector<8x1024xf32>
      %slice3A_936 = vector.extract_strided_slice %max3A_890 {offsets = [8, 0], sizes = [8, 1024], strides = [1, 1]} : vector<16x1024xf32> to vector<8x1024xf32>
      %slice3A_937 = vector.extract_strided_slice %max3A_175 {offsets = [8, 0], sizes = [8, 1024], strides = [1, 1]} : vector<16x1024xf32> to vector<8x1024xf32>
      %mul3A_938 = arith.mulf %slice3A_936, %slice3A_937 : vector<8x1024xf32>
      %add3A_939 = arith.addf %mul3A_935, %mul3A_938 : vector<8x1024xf32>
      %convert_element_type3A_940 = arith.truncf %add3A_939 : vector<8x1024xf32> to vector<8x1024xbf16>
      %swap3A_941 = arith.index_cast %scan3A_413 : i32 to index
      %swap3A_942 = arith.constant 168 : index
      %swap3A_943 = arith.constant 0 : index
      %swap3A_944 = vector.load %arg8[%swap3A_941, %swap3A_942, %swap3A_943] : memref<12x624x1024xbf16, #tpu.memory_space<vmem>>, vector<1x8x1024xbf16>
      %swap3A_945 = vector.shape_cast %swap3A_944 : vector<1x8x1024xbf16> to vector<8x1024xbf16>
      %swap3A_946 = vector.shape_cast %convert_element_type3A_940 : vector<8x1024xbf16> to vector<1x8x1024xbf16>
      tpu.vector_store %arg8[%swap3A_941, %swap3A_942, %swap3A_943], %swap3A_946 {strides = array<i32>} : memref<12x624x1024xbf16, #tpu.memory_space<vmem>>, vector<1x8x1024xbf16>,
      %slice3A_947 = vector.extract_strided_slice %max3A_890 {offsets = [0, 0], sizes = [8, 1024], strides = [1, 1]} : vector<16x1024xf32> to vector<8x1024xf32>
      %slice3A_948 = vector.extract_strided_slice %max3A_176 {offsets = [0, 0], sizes = [8, 1024], strides = [1, 1]} : vector<16x1024xf32> to vector<8x1024xf32>
      %mul3A_949 = arith.mulf %slice3A_947, %slice3A_948 : vector<8x1024xf32>
      %slice3A_950 = vector.extract_strided_slice %max3A_890 {offsets = [8, 0], sizes = [8, 1024], strides = [1, 1]} : vector<16x1024xf32> to vector<8x1024xf32>
      %slice3A_951 = vector.extract_strided_slice %max3A_176 {offsets = [8, 0], sizes = [8, 1024], strides = [1, 1]} : vector<16x1024xf32> to vector<8x1024xf32>
      %mul3A_952 = arith.mulf %slice3A_950, %slice3A_951 : vector<8x1024xf32>
      %add3A_953 = arith.addf %mul3A_949, %mul3A_952 : vector<8x1024xf32>
      %convert_element_type3A_954 = arith.truncf %add3A_953 : vector<8x1024xf32> to vector<8x1024xbf16>
      %swap3A_955 = arith.index_cast %scan3A_413 : i32 to index
      %swap3A_956 = arith.constant 176 : index
      %swap3A_957 = arith.constant 0 : index
      %swap3A_958 = vector.load %arg8[%swap3A_955, %swap3A_956, %swap3A_957] : memref<12x624x1024xbf16, #tpu.memory_space<vmem>>, vector<1x8x1024xbf16>
      %swap3A_959 = vector.shape_cast %swap3A_958 : vector<1x8x1024xbf16> to vector<8x1024xbf16>
      %swap3A_960 = vector.shape_cast %convert_element_type3A_954 : vector<8x1024xbf16> to vector<1x8x1024xbf16>
      tpu.vector_store %arg8[%swap3A_955, %swap3A_956, %swap3A_957], %swap3A_960 {strides = array<i32>} : memref<12x624x1024xbf16, #tpu.memory_space<vmem>>, vector<1x8x1024xbf16>,
      %slice3A_961 = vector.extract_strided_slice %max3A_890 {offsets = [0, 0], sizes = [8, 1024], strides = [1, 1]} : vector<16x1024xf32> to vector<8x1024xf32>
      %slice3A_962 = vector.extract_strided_slice %max3A_177 {offsets = [0, 0], sizes = [8, 1024], strides = [1, 1]} : vector<16x1024xf32> to vector<8x1024xf32>
      %mul3A_963 = arith.mulf %slice3A_961, %slice3A_962 : vector<8x1024xf32>
      %slice3A_964 = vector.extract_strided_slice %max3A_890 {offsets = [8, 0], sizes = [8, 1024], strides = [1, 1]} : vector<16x1024xf32> to vector<8x1024xf32>
      %slice3A_965 = vector.extract_strided_slice %max3A_177 {offsets = [8, 0], sizes = [8, 1024], strides = [1, 1]} : vector<16x1024xf32> to vector<8x1024xf32>
      %mul3A_966 = arith.mulf %slice3A_964, %slice3A_965 : vector<8x1024xf32>
      %add3A_967 = arith.addf %mul3A_963, %mul3A_966 : vector<8x1024xf32>
      %convert_element_type3A_968 = arith.truncf %add3A_967 : vector<8x1024xf32> to vector<8x1024xbf16>
      %swap3A_969 = arith.index_cast %scan3A_413 : i32 to index
      %swap3A_970 = arith.constant 184 : index
      %swap3A_971 = arith.constant 0 : index
      %swap3A_972 = vector.load %arg8[%swap3A_969, %swap3A_970, %swap3A_971] : memref<12x624x1024xbf16, #tpu.memory_space<vmem>>, vector<1x8x1024xbf16>
      %swap3A_973 = vector.shape_cast %swap3A_972 : vector<1x8x1024xbf16> to vector<8x1024xbf16>
      %swap3A_974 = vector.shape_cast %convert_element_type3A_968 : vector<8x1024xbf16> to vector<1x8x1024xbf16>
      tpu.vector_store %arg8[%swap3A_969, %swap3A_970, %swap3A_971], %swap3A_974 {strides = array<i32>} : memref<12x624x1024xbf16, #tpu.memory_space<vmem>>, vector<1x8x1024xbf16>,
      %get3A_975 = arith.index_cast %scan3A_413 : i32 to index
      %get3A_976 = arith.constant 4 : index
      %get3A_977 = arith.constant 0 : index
      %get3A_978 = memref.load %arg3[%get3A_975, %get3A_976, %get3A_977] : memref<12x13x6xf32, #tpu.memory_space<smem>>
      %mul3A_979 = vector.broadcast %get3A_978 : f32 to vector<16x1024xf32>
      %mul3A_980 = arith.mulf %mul3A_979, %max3A_172 : vector<16x1024xf32>
      %get3A_981 = arith.index_cast %scan3A_413 : i32 to index
      %get3A_982 = arith.constant 4 : index
      %get3A_983 = arith.constant 1 : index
      %get3A_984 = memref.load %arg3[%get3A_981, %get3A_982, %get3A_983] : memref<12x13x6xf32, #tpu.memory_space<smem>>
      %mul3A_985 = vector.broadcast %get3A_984 : f32 to vector<16x1024xf32>
      %mul3A_986 = arith.mulf %mul3A_985, %max3A_173 : vector<16x1024xf32>
      %add3A_987 = arith.addf %mul3A_980, %mul3A_986 : vector<16x1024xf32>
      %get3A_988 = arith.index_cast %scan3A_413 : i32 to index
      %get3A_989 = arith.constant 4 : index
      %get3A_990 = arith.constant 2 : index
      %get3A_991 = memref.load %arg3[%get3A_988, %get3A_989, %get3A_990] : memref<12x13x6xf32, #tpu.memory_space<smem>>
      %mul3A_992 = vector.broadcast %get3A_991 : f32 to vector<16x1024xf32>
      %mul3A_993 = arith.mulf %mul3A_992, %max3A_174 : vector<16x1024xf32>
      %add3A_994 = arith.addf %add3A_987, %mul3A_993 : vector<16x1024xf32>
      %get3A_995 = arith.index_cast %scan3A_413 : i32 to index
      %get3A_996 = arith.constant 4 : index
      %get3A_997 = arith.constant 3 : index
      %get3A_998 = memref.load %arg3[%get3A_995, %get3A_996, %get3A_997] : memref<12x13x6xf32, #tpu.memory_space<smem>>
      %mul3A_999 = vector.broadcast %get3A_998 : f32 to vector<16x1024xf32>
      %mul3A_1000 = arith.mulf %mul3A_999, %max3A_175 : vector<16x1024xf32>
      %add3A_1001 = arith.addf %add3A_994, %mul3A_1000 : vector<16x1024xf32>
      %get3A_1002 = arith.index_cast %scan3A_413 : i32 to index
      %get3A_1003 = arith.constant 4 : index
      %get3A_1004 = arith.constant 4 : index
      %get3A_1005 = memref.load %arg3[%get3A_1002, %get3A_1003, %get3A_1004] : memref<12x13x6xf32, #tpu.memory_space<smem>>
      %mul3A_1006 = vector.broadcast %get3A_1005 : f32 to vector<16x1024xf32>
      %mul3A_1007 = arith.mulf %mul3A_1006, %max3A_176 : vector<16x1024xf32>
      %add3A_1008 = arith.addf %add3A_1001, %mul3A_1007 : vector<16x1024xf32>
      %get3A_1009 = arith.index_cast %scan3A_413 : i32 to index
      %get3A_1010 = arith.constant 4 : index
      %get3A_1011 = arith.constant 5 : index
      %get3A_1012 = memref.load %arg3[%get3A_1009, %get3A_1010, %get3A_1011] : memref<12x13x6xf32, #tpu.memory_space<smem>>
      %mul3A_1013 = vector.broadcast %get3A_1012 : f32 to vector<16x1024xf32>
      %mul3A_1014 = arith.mulf %mul3A_1013, %max3A_177 : vector<16x1024xf32>
      %add3A_1015 = arith.addf %add3A_1008, %mul3A_1014 : vector<16x1024xf32>
      %max3A_1016 = arith.constant 0.000000e+00 : f32
      %max3A_1017 = vector.broadcast %max3A_1016 : f32 to vector<16x1024xf32>
      %max3A_1018 = arith.maximumf %add3A_1015, %max3A_1017 : vector<16x1024xf32>
      %slice3A_1019 = vector.extract_strided_slice %max3A_1018 {offsets = [0, 0], sizes = [8, 1024], strides = [1, 1]} : vector<16x1024xf32> to vector<8x1024xf32>
      %slice3A_1020 = vector.extract_strided_slice %max3A_172 {offsets = [0, 0], sizes = [8, 1024], strides = [1, 1]} : vector<16x1024xf32> to vector<8x1024xf32>
      %mul3A_1021 = arith.mulf %slice3A_1019, %slice3A_1020 : vector<8x1024xf32>
      %slice3A_1022 = vector.extract_strided_slice %max3A_1018 {offsets = [8, 0], sizes = [8, 1024], strides = [1, 1]} : vector<16x1024xf32> to vector<8x1024xf32>
      %slice3A_1023 = vector.extract_strided_slice %max3A_172 {offsets = [8, 0], sizes = [8, 1024], strides = [1, 1]} : vector<16x1024xf32> to vector<8x1024xf32>
      %mul3A_1024 = arith.mulf %slice3A_1022, %slice3A_1023 : vector<8x1024xf32>
      %add3A_1025 = arith.addf %mul3A_1021, %mul3A_1024 : vector<8x1024xf32>
      %convert_element_type3A_1026 = arith.truncf %add3A_1025 : vector<8x1024xf32> to vector<8x1024xbf16>
      %swap3A_1027 = arith.index_cast %scan3A_413 : i32 to index
      %swap3A_1028 = arith.constant 192 : index
      %swap3A_1029 = arith.constant 0 : index
      %swap3A_1030 = vector.load %arg8[%swap3A_1027, %swap3A_1028, %swap3A_1029] : memref<12x624x1024xbf16, #tpu.memory_space<vmem>>, vector<1x8x1024xbf16>
      %swap3A_1031 = vector.shape_cast %swap3A_1030 : vector<1x8x1024xbf16> to vector<8x1024xbf16>
      %swap3A_1032 = vector.shape_cast %convert_element_type3A_1026 : vector<8x1024xbf16> to vector<1x8x1024xbf16>
      tpu.vector_store %arg8[%swap3A_1027, %swap3A_1028, %swap3A_1029], %swap3A_1032 {strides = array<i32>} : memref<12x624x1024xbf16, #tpu.memory_space<vmem>>, vector<1x8x1024xbf16>,
      %slice3A_1033 = vector.extract_strided_slice %max3A_1018 {offsets = [0, 0], sizes = [8, 1024], strides = [1, 1]} : vector<16x1024xf32> to vector<8x1024xf32>
      %slice3A_1034 = vector.extract_strided_slice %max3A_173 {offsets = [0, 0], sizes = [8, 1024], strides = [1, 1]} : vector<16x1024xf32> to vector<8x1024xf32>
      %mul3A_1035 = arith.mulf %slice3A_1033, %slice3A_1034 : vector<8x1024xf32>
      %slice3A_1036 = vector.extract_strided_slice %max3A_1018 {offsets = [8, 0], sizes = [8, 1024], strides = [1, 1]} : vector<16x1024xf32> to vector<8x1024xf32>
      %slice3A_1037 = vector.extract_strided_slice %max3A_173 {offsets = [8, 0], sizes = [8, 1024], strides = [1, 1]} : vector<16x1024xf32> to vector<8x1024xf32>
      %mul3A_1038 = arith.mulf %slice3A_1036, %slice3A_1037 : vector<8x1024xf32>
      %add3A_1039 = arith.addf %mul3A_1035, %mul3A_1038 : vector<8x1024xf32>
      %convert_element_type3A_1040 = arith.truncf %add3A_1039 : vector<8x1024xf32> to vector<8x1024xbf16>
      %swap3A_1041 = arith.index_cast %scan3A_413 : i32 to index
      %swap3A_1042 = arith.constant 200 : index
      %swap3A_1043 = arith.constant 0 : index
      %swap3A_1044 = vector.load %arg8[%swap3A_1041, %swap3A_1042, %swap3A_1043] : memref<12x624x1024xbf16, #tpu.memory_space<vmem>>, vector<1x8x1024xbf16>
      %swap3A_1045 = vector.shape_cast %swap3A_1044 : vector<1x8x1024xbf16> to vector<8x1024xbf16>
      %swap3A_1046 = vector.shape_cast %convert_element_type3A_1040 : vector<8x1024xbf16> to vector<1x8x1024xbf16>
      tpu.vector_store %arg8[%swap3A_1041, %swap3A_1042, %swap3A_1043], %swap3A_1046 {strides = array<i32>} : memref<12x624x1024xbf16, #tpu.memory_space<vmem>>, vector<1x8x1024xbf16>,
      %slice3A_1047 = vector.extract_strided_slice %max3A_1018 {offsets = [0, 0], sizes = [8, 1024], strides = [1, 1]} : vector<16x1024xf32> to vector<8x1024xf32>
      %slice3A_1048 = vector.extract_strided_slice %max3A_174 {offsets = [0, 0], sizes = [8, 1024], strides = [1, 1]} : vector<16x1024xf32> to vector<8x1024xf32>
      %mul3A_1049 = arith.mulf %slice3A_1047, %slice3A_1048 : vector<8x1024xf32>
      %slice3A_1050 = vector.extract_strided_slice %max3A_1018 {offsets = [8, 0], sizes = [8, 1024], strides = [1, 1]} : vector<16x1024xf32> to vector<8x1024xf32>
      %slice3A_1051 = vector.extract_strided_slice %max3A_174 {offsets = [8, 0], sizes = [8, 1024], strides = [1, 1]} : vector<16x1024xf32> to vector<8x1024xf32>
      %mul3A_1052 = arith.mulf %slice3A_1050, %slice3A_1051 : vector<8x1024xf32>
      %add3A_1053 = arith.addf %mul3A_1049, %mul3A_1052 : vector<8x1024xf32>
      %convert_element_type3A_1054 = arith.truncf %add3A_1053 : vector<8x1024xf32> to vector<8x1024xbf16>
      %swap3A_1055 = arith.index_cast %scan3A_413 : i32 to index
      %swap3A_1056 = arith.constant 208 : index
      %swap3A_1057 = arith.constant 0 : index
      %swap3A_1058 = vector.load %arg8[%swap3A_1055, %swap3A_1056, %swap3A_1057] : memref<12x624x1024xbf16, #tpu.memory_space<vmem>>, vector<1x8x1024xbf16>
      %swap3A_1059 = vector.shape_cast %swap3A_1058 : vector<1x8x1024xbf16> to vector<8x1024xbf16>
      %swap3A_1060 = vector.shape_cast %convert_element_type3A_1054 : vector<8x1024xbf16> to vector<1x8x1024xbf16>
      tpu.vector_store %arg8[%swap3A_1055, %swap3A_1056, %swap3A_1057], %swap3A_1060 {strides = array<i32>} : memref<12x624x1024xbf16, #tpu.memory_space<vmem>>, vector<1x8x1024xbf16>,
      %slice3A_1061 = vector.extract_strided_slice %max3A_1018 {offsets = [0, 0], sizes = [8, 1024], strides = [1, 1]} : vector<16x1024xf32> to vector<8x1024xf32>
      %slice3A_1062 = vector.extract_strided_slice %max3A_175 {offsets = [0, 0], sizes = [8, 1024], strides = [1, 1]} : vector<16x1024xf32> to vector<8x1024xf32>
      %mul3A_1063 = arith.mulf %slice3A_1061, %slice3A_1062 : vector<8x1024xf32>
      %slice3A_1064 = vector.extract_strided_slice %max3A_1018 {offsets = [8, 0], sizes = [8, 1024], strides = [1, 1]} : vector<16x1024xf32> to vector<8x1024xf32>
      %slice3A_1065 = vector.extract_strided_slice %max3A_175 {offsets = [8, 0], sizes = [8, 1024], strides = [1, 1]} : vector<16x1024xf32> to vector<8x1024xf32>
      %mul3A_1066 = arith.mulf %slice3A_1064, %slice3A_1065 : vector<8x1024xf32>
      %add3A_1067 = arith.addf %mul3A_1063, %mul3A_1066 : vector<8x1024xf32>
      %convert_element_type3A_1068 = arith.truncf %add3A_1067 : vector<8x1024xf32> to vector<8x1024xbf16>
      %swap3A_1069 = arith.index_cast %scan3A_413 : i32 to index
      %swap3A_1070 = arith.constant 216 : index
      %swap3A_1071 = arith.constant 0 : index
      %swap3A_1072 = vector.load %arg8[%swap3A_1069, %swap3A_1070, %swap3A_1071] : memref<12x624x1024xbf16, #tpu.memory_space<vmem>>, vector<1x8x1024xbf16>
      %swap3A_1073 = vector.shape_cast %swap3A_1072 : vector<1x8x1024xbf16> to vector<8x1024xbf16>
      %swap3A_1074 = vector.shape_cast %convert_element_type3A_1068 : vector<8x1024xbf16> to vector<1x8x1024xbf16>
      tpu.vector_store %arg8[%swap3A_1069, %swap3A_1070, %swap3A_1071], %swap3A_1074 {strides = array<i32>} : memref<12x624x1024xbf16, #tpu.memory_space<vmem>>, vector<1x8x1024xbf16>,
      %slice3A_1075 = vector.extract_strided_slice %max3A_1018 {offsets = [0, 0], sizes = [8, 1024], strides = [1, 1]} : vector<16x1024xf32> to vector<8x1024xf32>
      %slice3A_1076 = vector.extract_strided_slice %max3A_176 {offsets = [0, 0], sizes = [8, 1024], strides = [1, 1]} : vector<16x1024xf32> to vector<8x1024xf32>
      %mul3A_1077 = arith.mulf %slice3A_1075, %slice3A_1076 : vector<8x1024xf32>
      %slice3A_1078 = vector.extract_strided_slice %max3A_1018 {offsets = [8, 0], sizes = [8, 1024], strides = [1, 1]} : vector<16x1024xf32> to vector<8x1024xf32>
      %slice3A_1079 = vector.extract_strided_slice %max3A_176 {offsets = [8, 0], sizes = [8, 1024], strides = [1, 1]} : vector<16x1024xf32> to vector<8x1024xf32>
      %mul3A_1080 = arith.mulf %slice3A_1078, %slice3A_1079 : vector<8x1024xf32>
      %add3A_1081 = arith.addf %mul3A_1077, %mul3A_1080 : vector<8x1024xf32>
      %convert_element_type3A_1082 = arith.truncf %add3A_1081 : vector<8x1024xf32> to vector<8x1024xbf16>
      %swap3A_1083 = arith.index_cast %scan3A_413 : i32 to index
      %swap3A_1084 = arith.constant 224 : index
      %swap3A_1085 = arith.constant 0 : index
      %swap3A_1086 = vector.load %arg8[%swap3A_1083, %swap3A_1084, %swap3A_1085] : memref<12x624x1024xbf16, #tpu.memory_space<vmem>>, vector<1x8x1024xbf16>
      %swap3A_1087 = vector.shape_cast %swap3A_1086 : vector<1x8x1024xbf16> to vector<8x1024xbf16>
      %swap3A_1088 = vector.shape_cast %convert_element_type3A_1082 : vector<8x1024xbf16> to vector<1x8x1024xbf16>
      tpu.vector_store %arg8[%swap3A_1083, %swap3A_1084, %swap3A_1085], %swap3A_1088 {strides = array<i32>} : memref<12x624x1024xbf16, #tpu.memory_space<vmem>>, vector<1x8x1024xbf16>,
      %slice3A_1089 = vector.extract_strided_slice %max3A_1018 {offsets = [0, 0], sizes = [8, 1024], strides = [1, 1]} : vector<16x1024xf32> to vector<8x1024xf32>
      %slice3A_1090 = vector.extract_strided_slice %max3A_177 {offsets = [0, 0], sizes = [8, 1024], strides = [1, 1]} : vector<16x1024xf32> to vector<8x1024xf32>
      %mul3A_1091 = arith.mulf %slice3A_1089, %slice3A_1090 : vector<8x1024xf32>
      %slice3A_1092 = vector.extract_strided_slice %max3A_1018 {offsets = [8, 0], sizes = [8, 1024], strides = [1, 1]} : vector<16x1024xf32> to vector<8x1024xf32>
      %slice3A_1093 = vector.extract_strided_slice %max3A_177 {offsets = [8, 0], sizes = [8, 1024], strides = [1, 1]} : vector<16x1024xf32> to vector<8x1024xf32>
      %mul3A_1094 = arith.mulf %slice3A_1092, %slice3A_1093 : vector<8x1024xf32>
      %add3A_1095 = arith.addf %mul3A_1091, %mul3A_1094 : vector<8x1024xf32>
      %convert_element_type3A_1096 = arith.truncf %add3A_1095 : vector<8x1024xf32> to vector<8x1024xbf16>
      %swap3A_1097 = arith.index_cast %scan3A_413 : i32 to index
      %swap3A_1098 = arith.constant 232 : index
      %swap3A_1099 = arith.constant 0 : index
      %swap3A_1100 = vector.load %arg8[%swap3A_1097, %swap3A_1098, %swap3A_1099] : memref<12x624x1024xbf16, #tpu.memory_space<vmem>>, vector<1x8x1024xbf16>
      %swap3A_1101 = vector.shape_cast %swap3A_1100 : vector<1x8x1024xbf16> to vector<8x1024xbf16>
      %swap3A_1102 = vector.shape_cast %convert_element_type3A_1096 : vector<8x1024xbf16> to vector<1x8x1024xbf16>
      tpu.vector_store %arg8[%swap3A_1097, %swap3A_1098, %swap3A_1099], %swap3A_1102 {strides = array<i32>} : memref<12x624x1024xbf16, #tpu.memory_space<vmem>>, vector<1x8x1024xbf16>,
      %get3A_1103 = arith.index_cast %scan3A_413 : i32 to index
      %get3A_1104 = arith.constant 5 : index
      %get3A_1105 = arith.constant 0 : index
      %get3A_1106 = memref.load %arg3[%get3A_1103, %get3A_1104, %get3A_1105] : memref<12x13x6xf32, #tpu.memory_space<smem>>
      %mul3A_1107 = vector.broadcast %get3A_1106 : f32 to vector<16x1024xf32>
      %mul3A_1108 = arith.mulf %mul3A_1107, %max3A_172 : vector<16x1024xf32>
      %get3A_1109 = arith.index_cast %scan3A_413 : i32 to index
      %get3A_1110 = arith.constant 5 : index
      %get3A_1111 = arith.constant 1 : index
      %get3A_1112 = memref.load %arg3[%get3A_1109, %get3A_1110, %get3A_1111] : memref<12x13x6xf32, #tpu.memory_space<smem>>
      %mul3A_1113 = vector.broadcast %get3A_1112 : f32 to vector<16x1024xf32>
      %mul3A_1114 = arith.mulf %mul3A_1113, %max3A_173 : vector<16x1024xf32>
      %add3A_1115 = arith.addf %mul3A_1108, %mul3A_1114 : vector<16x1024xf32>
      %get3A_1116 = arith.index_cast %scan3A_413 : i32 to index
      %get3A_1117 = arith.constant 5 : index
      %get3A_1118 = arith.constant 2 : index
      %get3A_1119 = memref.load %arg3[%get3A_1116, %get3A_1117, %get3A_1118] : memref<12x13x6xf32, #tpu.memory_space<smem>>
      %mul3A_1120 = vector.broadcast %get3A_1119 : f32 to vector<16x1024xf32>
      %mul3A_1121 = arith.mulf %mul3A_1120, %max3A_174 : vector<16x1024xf32>
      %add3A_1122 = arith.addf %add3A_1115, %mul3A_1121 : vector<16x1024xf32>
      %get3A_1123 = arith.index_cast %scan3A_413 : i32 to index
      %get3A_1124 = arith.constant 5 : index
      %get3A_1125 = arith.constant 3 : index
      %get3A_1126 = memref.load %arg3[%get3A_1123, %get3A_1124, %get3A_1125] : memref<12x13x6xf32, #tpu.memory_space<smem>>
      %mul3A_1127 = vector.broadcast %get3A_1126 : f32 to vector<16x1024xf32>
      %mul3A_1128 = arith.mulf %mul3A_1127, %max3A_175 : vector<16x1024xf32>
      %add3A_1129 = arith.addf %add3A_1122, %mul3A_1128 : vector<16x1024xf32>
      %get3A_1130 = arith.index_cast %scan3A_413 : i32 to index
      %get3A_1131 = arith.constant 5 : index
      %get3A_1132 = arith.constant 4 : index
      %get3A_1133 = memref.load %arg3[%get3A_1130, %get3A_1131, %get3A_1132] : memref<12x13x6xf32, #tpu.memory_space<smem>>
      %mul3A_1134 = vector.broadcast %get3A_1133 : f32 to vector<16x1024xf32>
      %mul3A_1135 = arith.mulf %mul3A_1134, %max3A_176 : vector<16x1024xf32>
      %add3A_1136 = arith.addf %add3A_1129, %mul3A_1135 : vector<16x1024xf32>
      %get3A_1137 = arith.index_cast %scan3A_413 : i32 to index
      %get3A_1138 = arith.constant 5 : index
      %get3A_1139 = arith.constant 5 : index
      %get3A_1140 = memref.load %arg3[%get3A_1137, %get3A_1138, %get3A_1139] : memref<12x13x6xf32, #tpu.memory_space<smem>>
      %mul3A_1141 = vector.broadcast %get3A_1140 : f32 to vector<16x1024xf32>
      %mul3A_1142 = arith.mulf %mul3A_1141, %max3A_177 : vector<16x1024xf32>
      %add3A_1143 = arith.addf %add3A_1136, %mul3A_1142 : vector<16x1024xf32>
      %max3A_1144 = arith.constant 0.000000e+00 : f32
      %max3A_1145 = vector.broadcast %max3A_1144 : f32 to vector<16x1024xf32>
      %max3A_1146 = arith.maximumf %add3A_1143, %max3A_1145 : vector<16x1024xf32>
      %slice3A_1147 = vector.extract_strided_slice %max3A_1146 {offsets = [0, 0], sizes = [8, 1024], strides = [1, 1]} : vector<16x1024xf32> to vector<8x1024xf32>
      %slice3A_1148 = vector.extract_strided_slice %max3A_172 {offsets = [0, 0], sizes = [8, 1024], strides = [1, 1]} : vector<16x1024xf32> to vector<8x1024xf32>
      %mul3A_1149 = arith.mulf %slice3A_1147, %slice3A_1148 : vector<8x1024xf32>
      %slice3A_1150 = vector.extract_strided_slice %max3A_1146 {offsets = [8, 0], sizes = [8, 1024], strides = [1, 1]} : vector<16x1024xf32> to vector<8x1024xf32>
      %slice3A_1151 = vector.extract_strided_slice %max3A_172 {offsets = [8, 0], sizes = [8, 1024], strides = [1, 1]} : vector<16x1024xf32> to vector<8x1024xf32>
      %mul3A_1152 = arith.mulf %slice3A_1150, %slice3A_1151 : vector<8x1024xf32>
      %add3A_1153 = arith.addf %mul3A_1149, %mul3A_1152 : vector<8x1024xf32>
      %convert_element_type3A_1154 = arith.truncf %add3A_1153 : vector<8x1024xf32> to vector<8x1024xbf16>
      %swap3A_1155 = arith.index_cast %scan3A_413 : i32 to index
      %swap3A_1156 = arith.constant 240 : index
      %swap3A_1157 = arith.constant 0 : index
      %swap3A_1158 = vector.load %arg8[%swap3A_1155, %swap3A_1156, %swap3A_1157] : memref<12x624x1024xbf16, #tpu.memory_space<vmem>>, vector<1x8x1024xbf16>
      %swap3A_1159 = vector.shape_cast %swap3A_1158 : vector<1x8x1024xbf16> to vector<8x1024xbf16>
      %swap3A_1160 = vector.shape_cast %convert_element_type3A_1154 : vector<8x1024xbf16> to vector<1x8x1024xbf16>
      tpu.vector_store %arg8[%swap3A_1155, %swap3A_1156, %swap3A_1157], %swap3A_1160 {strides = array<i32>} : memref<12x624x1024xbf16, #tpu.memory_space<vmem>>, vector<1x8x1024xbf16>,
      %slice3A_1161 = vector.extract_strided_slice %max3A_1146 {offsets = [0, 0], sizes = [8, 1024], strides = [1, 1]} : vector<16x1024xf32> to vector<8x1024xf32>
      %slice3A_1162 = vector.extract_strided_slice %max3A_173 {offsets = [0, 0], sizes = [8, 1024], strides = [1, 1]} : vector<16x1024xf32> to vector<8x1024xf32>
      %mul3A_1163 = arith.mulf %slice3A_1161, %slice3A_1162 : vector<8x1024xf32>
      %slice3A_1164 = vector.extract_strided_slice %max3A_1146 {offsets = [8, 0], sizes = [8, 1024], strides = [1, 1]} : vector<16x1024xf32> to vector<8x1024xf32>
      %slice3A_1165 = vector.extract_strided_slice %max3A_173 {offsets = [8, 0], sizes = [8, 1024], strides = [1, 1]} : vector<16x1024xf32> to vector<8x1024xf32>
      %mul3A_1166 = arith.mulf %slice3A_1164, %slice3A_1165 : vector<8x1024xf32>
      %add3A_1167 = arith.addf %mul3A_1163, %mul3A_1166 : vector<8x1024xf32>
      %convert_element_type3A_1168 = arith.truncf %add3A_1167 : vector<8x1024xf32> to vector<8x1024xbf16>
      %swap3A_1169 = arith.index_cast %scan3A_413 : i32 to index
      %swap3A_1170 = arith.constant 248 : index
      %swap3A_1171 = arith.constant 0 : index
      %swap3A_1172 = vector.load %arg8[%swap3A_1169, %swap3A_1170, %swap3A_1171] : memref<12x624x1024xbf16, #tpu.memory_space<vmem>>, vector<1x8x1024xbf16>
      %swap3A_1173 = vector.shape_cast %swap3A_1172 : vector<1x8x1024xbf16> to vector<8x1024xbf16>
      %swap3A_1174 = vector.shape_cast %convert_element_type3A_1168 : vector<8x1024xbf16> to vector<1x8x1024xbf16>
      tpu.vector_store %arg8[%swap3A_1169, %swap3A_1170, %swap3A_1171], %swap3A_1174 {strides = array<i32>} : memref<12x624x1024xbf16, #tpu.memory_space<vmem>>, vector<1x8x1024xbf16>,
      %slice3A_1175 = vector.extract_strided_slice %max3A_1146 {offsets = [0, 0], sizes = [8, 1024], strides = [1, 1]} : vector<16x1024xf32> to vector<8x1024xf32>
      %slice3A_1176 = vector.extract_strided_slice %max3A_174 {offsets = [0, 0], sizes = [8, 1024], strides = [1, 1]} : vector<16x1024xf32> to vector<8x1024xf32>
      %mul3A_1177 = arith.mulf %slice3A_1175, %slice3A_1176 : vector<8x1024xf32>
      %slice3A_1178 = vector.extract_strided_slice %max3A_1146 {offsets = [8, 0], sizes = [8, 1024], strides = [1, 1]} : vector<16x1024xf32> to vector<8x1024xf32>
      %slice3A_1179 = vector.extract_strided_slice %max3A_174 {offsets = [8, 0], sizes = [8, 1024], strides = [1, 1]} : vector<16x1024xf32> to vector<8x1024xf32>
      %mul3A_1180 = arith.mulf %slice3A_1178, %slice3A_1179 : vector<8x1024xf32>
      %add3A_1181 = arith.addf %mul3A_1177, %mul3A_1180 : vector<8x1024xf32>
      %convert_element_type3A_1182 = arith.truncf %add3A_1181 : vector<8x1024xf32> to vector<8x1024xbf16>
      %swap3A_1183 = arith.index_cast %scan3A_413 : i32 to index
      %swap3A_1184 = arith.constant 256 : index
      %swap3A_1185 = arith.constant 0 : index
      %swap3A_1186 = vector.load %arg8[%swap3A_1183, %swap3A_1184, %swap3A_1185] : memref<12x624x1024xbf16, #tpu.memory_space<vmem>>, vector<1x8x1024xbf16>
      %swap3A_1187 = vector.shape_cast %swap3A_1186 : vector<1x8x1024xbf16> to vector<8x1024xbf16>
      %swap3A_1188 = vector.shape_cast %convert_element_type3A_1182 : vector<8x1024xbf16> to vector<1x8x1024xbf16>
      tpu.vector_store %arg8[%swap3A_1183, %swap3A_1184, %swap3A_1185], %swap3A_1188 {strides = array<i32>} : memref<12x624x1024xbf16, #tpu.memory_space<vmem>>, vector<1x8x1024xbf16>,
      %slice3A_1189 = vector.extract_strided_slice %max3A_1146 {offsets = [0, 0], sizes = [8, 1024], strides = [1, 1]} : vector<16x1024xf32> to vector<8x1024xf32>
      %slice3A_1190 = vector.extract_strided_slice %max3A_175 {offsets = [0, 0], sizes = [8, 1024], strides = [1, 1]} : vector<16x1024xf32> to vector<8x1024xf32>
      %mul3A_1191 = arith.mulf %slice3A_1189, %slice3A_1190 : vector<8x1024xf32>
      %slice3A_1192 = vector.extract_strided_slice %max3A_1146 {offsets = [8, 0], sizes = [8, 1024], strides = [1, 1]} : vector<16x1024xf32> to vector<8x1024xf32>
      %slice3A_1193 = vector.extract_strided_slice %max3A_175 {offsets = [8, 0], sizes = [8, 1024], strides = [1, 1]} : vector<16x1024xf32> to vector<8x1024xf32>
      %mul3A_1194 = arith.mulf %slice3A_1192, %slice3A_1193 : vector<8x1024xf32>
      %add3A_1195 = arith.addf %mul3A_1191, %mul3A_1194 : vector<8x1024xf32>
      %convert_element_type3A_1196 = arith.truncf %add3A_1195 : vector<8x1024xf32> to vector<8x1024xbf16>
      %swap3A_1197 = arith.index_cast %scan3A_413 : i32 to index
      %swap3A_1198 = arith.constant 264 : index
      %swap3A_1199 = arith.constant 0 : index
      %swap3A_1200 = vector.load %arg8[%swap3A_1197, %swap3A_1198, %swap3A_1199] : memref<12x624x1024xbf16, #tpu.memory_space<vmem>>, vector<1x8x1024xbf16>
      %swap3A_1201 = vector.shape_cast %swap3A_1200 : vector<1x8x1024xbf16> to vector<8x1024xbf16>
      %swap3A_1202 = vector.shape_cast %convert_element_type3A_1196 : vector<8x1024xbf16> to vector<1x8x1024xbf16>
      tpu.vector_store %arg8[%swap3A_1197, %swap3A_1198, %swap3A_1199], %swap3A_1202 {strides = array<i32>} : memref<12x624x1024xbf16, #tpu.memory_space<vmem>>, vector<1x8x1024xbf16>,
      %slice3A_1203 = vector.extract_strided_slice %max3A_1146 {offsets = [0, 0], sizes = [8, 1024], strides = [1, 1]} : vector<16x1024xf32> to vector<8x1024xf32>
      %slice3A_1204 = vector.extract_strided_slice %max3A_176 {offsets = [0, 0], sizes = [8, 1024], strides = [1, 1]} : vector<16x1024xf32> to vector<8x1024xf32>
      %mul3A_1205 = arith.mulf %slice3A_1203, %slice3A_1204 : vector<8x1024xf32>
      %slice3A_1206 = vector.extract_strided_slice %max3A_1146 {offsets = [8, 0], sizes = [8, 1024], strides = [1, 1]} : vector<16x1024xf32> to vector<8x1024xf32>
      %slice3A_1207 = vector.extract_strided_slice %max3A_176 {offsets = [8, 0], sizes = [8, 1024], strides = [1, 1]} : vector<16x1024xf32> to vector<8x1024xf32>
      %mul3A_1208 = arith.mulf %slice3A_1206, %slice3A_1207 : vector<8x1024xf32>
      %add3A_1209 = arith.addf %mul3A_1205, %mul3A_1208 : vector<8x1024xf32>
      %convert_element_type3A_1210 = arith.truncf %add3A_1209 : vector<8x1024xf32> to vector<8x1024xbf16>
      %swap3A_1211 = arith.index_cast %scan3A_413 : i32 to index
      %swap3A_1212 = arith.constant 272 : index
      %swap3A_1213 = arith.constant 0 : index
      %swap3A_1214 = vector.load %arg8[%swap3A_1211, %swap3A_1212, %swap3A_1213] : memref<12x624x1024xbf16, #tpu.memory_space<vmem>>, vector<1x8x1024xbf16>
      %swap3A_1215 = vector.shape_cast %swap3A_1214 : vector<1x8x1024xbf16> to vector<8x1024xbf16>
      %swap3A_1216 = vector.shape_cast %convert_element_type3A_1210 : vector<8x1024xbf16> to vector<1x8x1024xbf16>
      tpu.vector_store %arg8[%swap3A_1211, %swap3A_1212, %swap3A_1213], %swap3A_1216 {strides = array<i32>} : memref<12x624x1024xbf16, #tpu.memory_space<vmem>>, vector<1x8x1024xbf16>,
      %slice3A_1217 = vector.extract_strided_slice %max3A_1146 {offsets = [0, 0], sizes = [8, 1024], strides = [1, 1]} : vector<16x1024xf32> to vector<8x1024xf32>
      %slice3A_1218 = vector.extract_strided_slice %max3A_177 {offsets = [0, 0], sizes = [8, 1024], strides = [1, 1]} : vector<16x1024xf32> to vector<8x1024xf32>
      %mul3A_1219 = arith.mulf %slice3A_1217, %slice3A_1218 : vector<8x1024xf32>
      %slice3A_1220 = vector.extract_strided_slice %max3A_1146 {offsets = [8, 0], sizes = [8, 1024], strides = [1, 1]} : vector<16x1024xf32> to vector<8x1024xf32>
      %slice3A_1221 = vector.extract_strided_slice %max3A_177 {offsets = [8, 0], sizes = [8, 1024], strides = [1, 1]} : vector<16x1024xf32> to vector<8x1024xf32>
      %mul3A_1222 = arith.mulf %slice3A_1220, %slice3A_1221 : vector<8x1024xf32>
      %add3A_1223 = arith.addf %mul3A_1219, %mul3A_1222 : vector<8x1024xf32>
      %convert_element_type3A_1224 = arith.truncf %add3A_1223 : vector<8x1024xf32> to vector<8x1024xbf16>
      %swap3A_1225 = arith.index_cast %scan3A_413 : i32 to index
      %swap3A_1226 = arith.constant 280 : index
      %swap3A_1227 = arith.constant 0 : index
      %swap3A_1228 = vector.load %arg8[%swap3A_1225, %swap3A_1226, %swap3A_1227] : memref<12x624x1024xbf16, #tpu.memory_space<vmem>>, vector<1x8x1024xbf16>
      %swap3A_1229 = vector.shape_cast %swap3A_1228 : vector<1x8x1024xbf16> to vector<8x1024xbf16>
      %swap3A_1230 = vector.shape_cast %convert_element_type3A_1224 : vector<8x1024xbf16> to vector<1x8x1024xbf16>
      tpu.vector_store %arg8[%swap3A_1225, %swap3A_1226, %swap3A_1227], %swap3A_1230 {strides = array<i32>} : memref<12x624x1024xbf16, #tpu.memory_space<vmem>>, vector<1x8x1024xbf16>,
      %get3A_1231 = arith.index_cast %scan3A_413 : i32 to index
      %get3A_1232 = arith.constant 6 : index
      %get3A_1233 = arith.constant 0 : index
      %get3A_1234 = memref.load %arg3[%get3A_1231, %get3A_1232, %get3A_1233] : memref<12x13x6xf32, #tpu.memory_space<smem>>
      %mul3A_1235 = vector.broadcast %get3A_1234 : f32 to vector<16x1024xf32>
      %mul3A_1236 = arith.mulf %mul3A_1235, %max3A_172 : vector<16x1024xf32>
      %get3A_1237 = arith.index_cast %scan3A_413 : i32 to index
      %get3A_1238 = arith.constant 6 : index
      %get3A_1239 = arith.constant 1 : index
      %get3A_1240 = memref.load %arg3[%get3A_1237, %get3A_1238, %get3A_1239] : memref<12x13x6xf32, #tpu.memory_space<smem>>
      %mul3A_1241 = vector.broadcast %get3A_1240 : f32 to vector<16x1024xf32>
      %mul3A_1242 = arith.mulf %mul3A_1241, %max3A_173 : vector<16x1024xf32>
      %add3A_1243 = arith.addf %mul3A_1236, %mul3A_1242 : vector<16x1024xf32>
      %get3A_1244 = arith.index_cast %scan3A_413 : i32 to index
      %get3A_1245 = arith.constant 6 : index
      %get3A_1246 = arith.constant 2 : index
      %get3A_1247 = memref.load %arg3[%get3A_1244, %get3A_1245, %get3A_1246] : memref<12x13x6xf32, #tpu.memory_space<smem>>
      %mul3A_1248 = vector.broadcast %get3A_1247 : f32 to vector<16x1024xf32>
      %mul3A_1249 = arith.mulf %mul3A_1248, %max3A_174 : vector<16x1024xf32>
      %add3A_1250 = arith.addf %add3A_1243, %mul3A_1249 : vector<16x1024xf32>
      %get3A_1251 = arith.index_cast %scan3A_413 : i32 to index
      %get3A_1252 = arith.constant 6 : index
      %get3A_1253 = arith.constant 3 : index
      %get3A_1254 = memref.load %arg3[%get3A_1251, %get3A_1252, %get3A_1253] : memref<12x13x6xf32, #tpu.memory_space<smem>>
      %mul3A_1255 = vector.broadcast %get3A_1254 : f32 to vector<16x1024xf32>
      %mul3A_1256 = arith.mulf %mul3A_1255, %max3A_175 : vector<16x1024xf32>
      %add3A_1257 = arith.addf %add3A_1250, %mul3A_1256 : vector<16x1024xf32>
      %get3A_1258 = arith.index_cast %scan3A_413 : i32 to index
      %get3A_1259 = arith.constant 6 : index
      %get3A_1260 = arith.constant 4 : index
      %get3A_1261 = memref.load %arg3[%get3A_1258, %get3A_1259, %get3A_1260] : memref<12x13x6xf32, #tpu.memory_space<smem>>
      %mul3A_1262 = vector.broadcast %get3A_1261 : f32 to vector<16x1024xf32>
      %mul3A_1263 = arith.mulf %mul3A_1262, %max3A_176 : vector<16x1024xf32>
      %add3A_1264 = arith.addf %add3A_1257, %mul3A_1263 : vector<16x1024xf32>
      %get3A_1265 = arith.index_cast %scan3A_413 : i32 to index
      %get3A_1266 = arith.constant 6 : index
      %get3A_1267 = arith.constant 5 : index
      %get3A_1268 = memref.load %arg3[%get3A_1265, %get3A_1266, %get3A_1267] : memref<12x13x6xf32, #tpu.memory_space<smem>>
      %mul3A_1269 = vector.broadcast %get3A_1268 : f32 to vector<16x1024xf32>
      %mul3A_1270 = arith.mulf %mul3A_1269, %max3A_177 : vector<16x1024xf32>
      %add3A_1271 = arith.addf %add3A_1264, %mul3A_1270 : vector<16x1024xf32>
      %max3A_1272 = arith.constant 0.000000e+00 : f32
      %max3A_1273 = vector.broadcast %max3A_1272 : f32 to vector<16x1024xf32>
      %max3A_1274 = arith.maximumf %add3A_1271, %max3A_1273 : vector<16x1024xf32>
      %slice3A_1275 = vector.extract_strided_slice %max3A_1274 {offsets = [0, 0], sizes = [8, 1024], strides = [1, 1]} : vector<16x1024xf32> to vector<8x1024xf32>
      %slice3A_1276 = vector.extract_strided_slice %max3A_172 {offsets = [0, 0], sizes = [8, 1024], strides = [1, 1]} : vector<16x1024xf32> to vector<8x1024xf32>
      %mul3A_1277 = arith.mulf %slice3A_1275, %slice3A_1276 : vector<8x1024xf32>
      %slice3A_1278 = vector.extract_strided_slice %max3A_1274 {offsets = [8, 0], sizes = [8, 1024], strides = [1, 1]} : vector<16x1024xf32> to vector<8x1024xf32>
      %slice3A_1279 = vector.extract_strided_slice %max3A_172 {offsets = [8, 0], sizes = [8, 1024], strides = [1, 1]} : vector<16x1024xf32> to vector<8x1024xf32>
      %mul3A_1280 = arith.mulf %slice3A_1278, %slice3A_1279 : vector<8x1024xf32>
      %add3A_1281 = arith.addf %mul3A_1277, %mul3A_1280 : vector<8x1024xf32>
      %convert_element_type3A_1282 = arith.truncf %add3A_1281 : vector<8x1024xf32> to vector<8x1024xbf16>
      %swap3A_1283 = arith.index_cast %scan3A_413 : i32 to index
      %swap3A_1284 = arith.constant 288 : index
      %swap3A_1285 = arith.constant 0 : index
      %swap3A_1286 = vector.load %arg8[%swap3A_1283, %swap3A_1284, %swap3A_1285] : memref<12x624x1024xbf16, #tpu.memory_space<vmem>>, vector<1x8x1024xbf16>
      %swap3A_1287 = vector.shape_cast %swap3A_1286 : vector<1x8x1024xbf16> to vector<8x1024xbf16>
      %swap3A_1288 = vector.shape_cast %convert_element_type3A_1282 : vector<8x1024xbf16> to vector<1x8x1024xbf16>
      tpu.vector_store %arg8[%swap3A_1283, %swap3A_1284, %swap3A_1285], %swap3A_1288 {strides = array<i32>} : memref<12x624x1024xbf16, #tpu.memory_space<vmem>>, vector<1x8x1024xbf16>,
      %slice3A_1289 = vector.extract_strided_slice %max3A_1274 {offsets = [0, 0], sizes = [8, 1024], strides = [1, 1]} : vector<16x1024xf32> to vector<8x1024xf32>
      %slice3A_1290 = vector.extract_strided_slice %max3A_173 {offsets = [0, 0], sizes = [8, 1024], strides = [1, 1]} : vector<16x1024xf32> to vector<8x1024xf32>
      %mul3A_1291 = arith.mulf %slice3A_1289, %slice3A_1290 : vector<8x1024xf32>
      %slice3A_1292 = vector.extract_strided_slice %max3A_1274 {offsets = [8, 0], sizes = [8, 1024], strides = [1, 1]} : vector<16x1024xf32> to vector<8x1024xf32>
      %slice3A_1293 = vector.extract_strided_slice %max3A_173 {offsets = [8, 0], sizes = [8, 1024], strides = [1, 1]} : vector<16x1024xf32> to vector<8x1024xf32>
      %mul3A_1294 = arith.mulf %slice3A_1292, %slice3A_1293 : vector<8x1024xf32>
      %add3A_1295 = arith.addf %mul3A_1291, %mul3A_1294 : vector<8x1024xf32>
      %convert_element_type3A_1296 = arith.truncf %add3A_1295 : vector<8x1024xf32> to vector<8x1024xbf16>
      %swap3A_1297 = arith.index_cast %scan3A_413 : i32 to index
      %swap3A_1298 = arith.constant 296 : index
      %swap3A_1299 = arith.constant 0 : index
      %swap3A_1300 = vector.load %arg8[%swap3A_1297, %swap3A_1298, %swap3A_1299] : memref<12x624x1024xbf16, #tpu.memory_space<vmem>>, vector<1x8x1024xbf16>
      %swap3A_1301 = vector.shape_cast %swap3A_1300 : vector<1x8x1024xbf16> to vector<8x1024xbf16>
      %swap3A_1302 = vector.shape_cast %convert_element_type3A_1296 : vector<8x1024xbf16> to vector<1x8x1024xbf16>
      tpu.vector_store %arg8[%swap3A_1297, %swap3A_1298, %swap3A_1299], %swap3A_1302 {strides = array<i32>} : memref<12x624x1024xbf16, #tpu.memory_space<vmem>>, vector<1x8x1024xbf16>,
      %slice3A_1303 = vector.extract_strided_slice %max3A_1274 {offsets = [0, 0], sizes = [8, 1024], strides = [1, 1]} : vector<16x1024xf32> to vector<8x1024xf32>
      %slice3A_1304 = vector.extract_strided_slice %max3A_174 {offsets = [0, 0], sizes = [8, 1024], strides = [1, 1]} : vector<16x1024xf32> to vector<8x1024xf32>
      %mul3A_1305 = arith.mulf %slice3A_1303, %slice3A_1304 : vector<8x1024xf32>
      %slice3A_1306 = vector.extract_strided_slice %max3A_1274 {offsets = [8, 0], sizes = [8, 1024], strides = [1, 1]} : vector<16x1024xf32> to vector<8x1024xf32>
      %slice3A_1307 = vector.extract_strided_slice %max3A_174 {offsets = [8, 0], sizes = [8, 1024], strides = [1, 1]} : vector<16x1024xf32> to vector<8x1024xf32>
      %mul3A_1308 = arith.mulf %slice3A_1306, %slice3A_1307 : vector<8x1024xf32>
      %add3A_1309 = arith.addf %mul3A_1305, %mul3A_1308 : vector<8x1024xf32>
      %convert_element_type3A_1310 = arith.truncf %add3A_1309 : vector<8x1024xf32> to vector<8x1024xbf16>
      %swap3A_1311 = arith.index_cast %scan3A_413 : i32 to index
      %swap3A_1312 = arith.constant 304 : index
      %swap3A_1313 = arith.constant 0 : index
      %swap3A_1314 = vector.load %arg8[%swap3A_1311, %swap3A_1312, %swap3A_1313] : memref<12x624x1024xbf16, #tpu.memory_space<vmem>>, vector<1x8x1024xbf16>
      %swap3A_1315 = vector.shape_cast %swap3A_1314 : vector<1x8x1024xbf16> to vector<8x1024xbf16>
      %swap3A_1316 = vector.shape_cast %convert_element_type3A_1310 : vector<8x1024xbf16> to vector<1x8x1024xbf16>
      tpu.vector_store %arg8[%swap3A_1311, %swap3A_1312, %swap3A_1313], %swap3A_1316 {strides = array<i32>} : memref<12x624x1024xbf16, #tpu.memory_space<vmem>>, vector<1x8x1024xbf16>,
      %slice3A_1317 = vector.extract_strided_slice %max3A_1274 {offsets = [0, 0], sizes = [8, 1024], strides = [1, 1]} : vector<16x1024xf32> to vector<8x1024xf32>
      %slice3A_1318 = vector.extract_strided_slice %max3A_175 {offsets = [0, 0], sizes = [8, 1024], strides = [1, 1]} : vector<16x1024xf32> to vector<8x1024xf32>
      %mul3A_1319 = arith.mulf %slice3A_1317, %slice3A_1318 : vector<8x1024xf32>
      %slice3A_1320 = vector.extract_strided_slice %max3A_1274 {offsets = [8, 0], sizes = [8, 1024], strides = [1, 1]} : vector<16x1024xf32> to vector<8x1024xf32>
      %slice3A_1321 = vector.extract_strided_slice %max3A_175 {offsets = [8, 0], sizes = [8, 1024], strides = [1, 1]} : vector<16x1024xf32> to vector<8x1024xf32>
      %mul3A_1322 = arith.mulf %slice3A_1320, %slice3A_1321 : vector<8x1024xf32>
      %add3A_1323 = arith.addf %mul3A_1319, %mul3A_1322 : vector<8x1024xf32>
      %convert_element_type3A_1324 = arith.truncf %add3A_1323 : vector<8x1024xf32> to vector<8x1024xbf16>
      %swap3A_1325 = arith.index_cast %scan3A_413 : i32 to index
      %swap3A_1326 = arith.constant 312 : index
      %swap3A_1327 = arith.constant 0 : index
      %swap3A_1328 = vector.load %arg8[%swap3A_1325, %swap3A_1326, %swap3A_1327] : memref<12x624x1024xbf16, #tpu.memory_space<vmem>>, vector<1x8x1024xbf16>
      %swap3A_1329 = vector.shape_cast %swap3A_1328 : vector<1x8x1024xbf16> to vector<8x1024xbf16>
      %swap3A_1330 = vector.shape_cast %convert_element_type3A_1324 : vector<8x1024xbf16> to vector<1x8x1024xbf16>
      tpu.vector_store %arg8[%swap3A_1325, %swap3A_1326, %swap3A_1327], %swap3A_1330 {strides = array<i32>} : memref<12x624x1024xbf16, #tpu.memory_space<vmem>>, vector<1x8x1024xbf16>,
      %slice3A_1331 = vector.extract_strided_slice %max3A_1274 {offsets = [0, 0], sizes = [8, 1024], strides = [1, 1]} : vector<16x1024xf32> to vector<8x1024xf32>
      %slice3A_1332 = vector.extract_strided_slice %max3A_176 {offsets = [0, 0], sizes = [8, 1024], strides = [1, 1]} : vector<16x1024xf32> to vector<8x1024xf32>
      %mul3A_1333 = arith.mulf %slice3A_1331, %slice3A_1332 : vector<8x1024xf32>
      %slice3A_1334 = vector.extract_strided_slice %max3A_1274 {offsets = [8, 0], sizes = [8, 1024], strides = [1, 1]} : vector<16x1024xf32> to vector<8x1024xf32>
      %slice3A_1335 = vector.extract_strided_slice %max3A_176 {offsets = [8, 0], sizes = [8, 1024], strides = [1, 1]} : vector<16x1024xf32> to vector<8x1024xf32>
      %mul3A_1336 = arith.mulf %slice3A_1334, %slice3A_1335 : vector<8x1024xf32>
      %add3A_1337 = arith.addf %mul3A_1333, %mul3A_1336 : vector<8x1024xf32>
      %convert_element_type3A_1338 = arith.truncf %add3A_1337 : vector<8x1024xf32> to vector<8x1024xbf16>
      %swap3A_1339 = arith.index_cast %scan3A_413 : i32 to index
      %swap3A_1340 = arith.constant 320 : index
      %swap3A_1341 = arith.constant 0 : index
      %swap3A_1342 = vector.load %arg8[%swap3A_1339, %swap3A_1340, %swap3A_1341] : memref<12x624x1024xbf16, #tpu.memory_space<vmem>>, vector<1x8x1024xbf16>
      %swap3A_1343 = vector.shape_cast %swap3A_1342 : vector<1x8x1024xbf16> to vector<8x1024xbf16>
      %swap3A_1344 = vector.shape_cast %convert_element_type3A_1338 : vector<8x1024xbf16> to vector<1x8x1024xbf16>
      tpu.vector_store %arg8[%swap3A_1339, %swap3A_1340, %swap3A_1341], %swap3A_1344 {strides = array<i32>} : memref<12x624x1024xbf16, #tpu.memory_space<vmem>>, vector<1x8x1024xbf16>,
      %slice3A_1345 = vector.extract_strided_slice %max3A_1274 {offsets = [0, 0], sizes = [8, 1024], strides = [1, 1]} : vector<16x1024xf32> to vector<8x1024xf32>
      %slice3A_1346 = vector.extract_strided_slice %max3A_177 {offsets = [0, 0], sizes = [8, 1024], strides = [1, 1]} : vector<16x1024xf32> to vector<8x1024xf32>
      %mul3A_1347 = arith.mulf %slice3A_1345, %slice3A_1346 : vector<8x1024xf32>
      %slice3A_1348 = vector.extract_strided_slice %max3A_1274 {offsets = [8, 0], sizes = [8, 1024], strides = [1, 1]} : vector<16x1024xf32> to vector<8x1024xf32>
      %slice3A_1349 = vector.extract_strided_slice %max3A_177 {offsets = [8, 0], sizes = [8, 1024], strides = [1, 1]} : vector<16x1024xf32> to vector<8x1024xf32>
      %mul3A_1350 = arith.mulf %slice3A_1348, %slice3A_1349 : vector<8x1024xf32>
      %add3A_1351 = arith.addf %mul3A_1347, %mul3A_1350 : vector<8x1024xf32>
      %convert_element_type3A_1352 = arith.truncf %add3A_1351 : vector<8x1024xf32> to vector<8x1024xbf16>
      %swap3A_1353 = arith.index_cast %scan3A_413 : i32 to index
      %swap3A_1354 = arith.constant 328 : index
      %swap3A_1355 = arith.constant 0 : index
      %swap3A_1356 = vector.load %arg8[%swap3A_1353, %swap3A_1354, %swap3A_1355] : memref<12x624x1024xbf16, #tpu.memory_space<vmem>>, vector<1x8x1024xbf16>
      %swap3A_1357 = vector.shape_cast %swap3A_1356 : vector<1x8x1024xbf16> to vector<8x1024xbf16>
      %swap3A_1358 = vector.shape_cast %convert_element_type3A_1352 : vector<8x1024xbf16> to vector<1x8x1024xbf16>
      tpu.vector_store %arg8[%swap3A_1353, %swap3A_1354, %swap3A_1355], %swap3A_1358 {strides = array<i32>} : memref<12x624x1024xbf16, #tpu.memory_space<vmem>>, vector<1x8x1024xbf16>,
      %get3A_1359 = arith.index_cast %scan3A_413 : i32 to index
      %get3A_1360 = arith.constant 7 : index
      %get3A_1361 = arith.constant 0 : index
      %get3A_1362 = memref.load %arg3[%get3A_1359, %get3A_1360, %get3A_1361] : memref<12x13x6xf32, #tpu.memory_space<smem>>
      %mul3A_1363 = vector.broadcast %get3A_1362 : f32 to vector<16x1024xf32>
      %mul3A_1364 = arith.mulf %mul3A_1363, %max3A_172 : vector<16x1024xf32>
      %get3A_1365 = arith.index_cast %scan3A_413 : i32 to index
      %get3A_1366 = arith.constant 7 : index
      %get3A_1367 = arith.constant 1 : index
      %get3A_1368 = memref.load %arg3[%get3A_1365, %get3A_1366, %get3A_1367] : memref<12x13x6xf32, #tpu.memory_space<smem>>
      %mul3A_1369 = vector.broadcast %get3A_1368 : f32 to vector<16x1024xf32>
      %mul3A_1370 = arith.mulf %mul3A_1369, %max3A_173 : vector<16x1024xf32>
      %add3A_1371 = arith.addf %mul3A_1364, %mul3A_1370 : vector<16x1024xf32>
      %get3A_1372 = arith.index_cast %scan3A_413 : i32 to index
      %get3A_1373 = arith.constant 7 : index
      %get3A_1374 = arith.constant 2 : index
      %get3A_1375 = memref.load %arg3[%get3A_1372, %get3A_1373, %get3A_1374] : memref<12x13x6xf32, #tpu.memory_space<smem>>
      %mul3A_1376 = vector.broadcast %get3A_1375 : f32 to vector<16x1024xf32>
      %mul3A_1377 = arith.mulf %mul3A_1376, %max3A_174 : vector<16x1024xf32>
      %add3A_1378 = arith.addf %add3A_1371, %mul3A_1377 : vector<16x1024xf32>
      %get3A_1379 = arith.index_cast %scan3A_413 : i32 to index
      %get3A_1380 = arith.constant 7 : index
      %get3A_1381 = arith.constant 3 : index
      %get3A_1382 = memref.load %arg3[%get3A_1379, %get3A_1380, %get3A_1381] : memref<12x13x6xf32, #tpu.memory_space<smem>>
      %mul3A_1383 = vector.broadcast %get3A_1382 : f32 to vector<16x1024xf32>
      %mul3A_1384 = arith.mulf %mul3A_1383, %max3A_175 : vector<16x1024xf32>
      %add3A_1385 = arith.addf %add3A_1378, %mul3A_1384 : vector<16x1024xf32>
      %get3A_1386 = arith.index_cast %scan3A_413 : i32 to index
      %get3A_1387 = arith.constant 7 : index
      %get3A_1388 = arith.constant 4 : index
      %get3A_1389 = memref.load %arg3[%get3A_1386, %get3A_1387, %get3A_1388] : memref<12x13x6xf32, #tpu.memory_space<smem>>
      %mul3A_1390 = vector.broadcast %get3A_1389 : f32 to vector<16x1024xf32>
      %mul3A_1391 = arith.mulf %mul3A_1390, %max3A_176 : vector<16x1024xf32>
      %add3A_1392 = arith.addf %add3A_1385, %mul3A_1391 : vector<16x1024xf32>
      %get3A_1393 = arith.index_cast %scan3A_413 : i32 to index
      %get3A_1394 = arith.constant 7 : index
      %get3A_1395 = arith.constant 5 : index
      %get3A_1396 = memref.load %arg3[%get3A_1393, %get3A_1394, %get3A_1395] : memref<12x13x6xf32, #tpu.memory_space<smem>>
      %mul3A_1397 = vector.broadcast %get3A_1396 : f32 to vector<16x1024xf32>
      %mul3A_1398 = arith.mulf %mul3A_1397, %max3A_177 : vector<16x1024xf32>
      %add3A_1399 = arith.addf %add3A_1392, %mul3A_1398 : vector<16x1024xf32>
      %max3A_1400 = arith.constant 0.000000e+00 : f32
      %max3A_1401 = vector.broadcast %max3A_1400 : f32 to vector<16x1024xf32>
      %max3A_1402 = arith.maximumf %add3A_1399, %max3A_1401 : vector<16x1024xf32>
      %slice3A_1403 = vector.extract_strided_slice %max3A_1402 {offsets = [0, 0], sizes = [8, 1024], strides = [1, 1]} : vector<16x1024xf32> to vector<8x1024xf32>
      %slice3A_1404 = vector.extract_strided_slice %max3A_172 {offsets = [0, 0], sizes = [8, 1024], strides = [1, 1]} : vector<16x1024xf32> to vector<8x1024xf32>
      %mul3A_1405 = arith.mulf %slice3A_1403, %slice3A_1404 : vector<8x1024xf32>
      %slice3A_1406 = vector.extract_strided_slice %max3A_1402 {offsets = [8, 0], sizes = [8, 1024], strides = [1, 1]} : vector<16x1024xf32> to vector<8x1024xf32>
      %slice3A_1407 = vector.extract_strided_slice %max3A_172 {offsets = [8, 0], sizes = [8, 1024], strides = [1, 1]} : vector<16x1024xf32> to vector<8x1024xf32>
      %mul3A_1408 = arith.mulf %slice3A_1406, %slice3A_1407 : vector<8x1024xf32>
      %add3A_1409 = arith.addf %mul3A_1405, %mul3A_1408 : vector<8x1024xf32>
      %convert_element_type3A_1410 = arith.truncf %add3A_1409 : vector<8x1024xf32> to vector<8x1024xbf16>
      %swap3A_1411 = arith.index_cast %scan3A_413 : i32 to index
      %swap3A_1412 = arith.constant 336 : index
      %swap3A_1413 = arith.constant 0 : index
      %swap3A_1414 = vector.load %arg8[%swap3A_1411, %swap3A_1412, %swap3A_1413] : memref<12x624x1024xbf16, #tpu.memory_space<vmem>>, vector<1x8x1024xbf16>
      %swap3A_1415 = vector.shape_cast %swap3A_1414 : vector<1x8x1024xbf16> to vector<8x1024xbf16>
      %swap3A_1416 = vector.shape_cast %convert_element_type3A_1410 : vector<8x1024xbf16> to vector<1x8x1024xbf16>
      tpu.vector_store %arg8[%swap3A_1411, %swap3A_1412, %swap3A_1413], %swap3A_1416 {strides = array<i32>} : memref<12x624x1024xbf16, #tpu.memory_space<vmem>>, vector<1x8x1024xbf16>,
      %slice3A_1417 = vector.extract_strided_slice %max3A_1402 {offsets = [0, 0], sizes = [8, 1024], strides = [1, 1]} : vector<16x1024xf32> to vector<8x1024xf32>
      %slice3A_1418 = vector.extract_strided_slice %max3A_173 {offsets = [0, 0], sizes = [8, 1024], strides = [1, 1]} : vector<16x1024xf32> to vector<8x1024xf32>
      %mul3A_1419 = arith.mulf %slice3A_1417, %slice3A_1418 : vector<8x1024xf32>
      %slice3A_1420 = vector.extract_strided_slice %max3A_1402 {offsets = [8, 0], sizes = [8, 1024], strides = [1, 1]} : vector<16x1024xf32> to vector<8x1024xf32>
      %slice3A_1421 = vector.extract_strided_slice %max3A_173 {offsets = [8, 0], sizes = [8, 1024], strides = [1, 1]} : vector<16x1024xf32> to vector<8x1024xf32>
      %mul3A_1422 = arith.mulf %slice3A_1420, %slice3A_1421 : vector<8x1024xf32>
      %add3A_1423 = arith.addf %mul3A_1419, %mul3A_1422 : vector<8x1024xf32>
      %convert_element_type3A_1424 = arith.truncf %add3A_1423 : vector<8x1024xf32> to vector<8x1024xbf16>
      %swap3A_1425 = arith.index_cast %scan3A_413 : i32 to index
      %swap3A_1426 = arith.constant 344 : index
      %swap3A_1427 = arith.constant 0 : index
      %swap3A_1428 = vector.load %arg8[%swap3A_1425, %swap3A_1426, %swap3A_1427] : memref<12x624x1024xbf16, #tpu.memory_space<vmem>>, vector<1x8x1024xbf16>
      %swap3A_1429 = vector.shape_cast %swap3A_1428 : vector<1x8x1024xbf16> to vector<8x1024xbf16>
      %swap3A_1430 = vector.shape_cast %convert_element_type3A_1424 : vector<8x1024xbf16> to vector<1x8x1024xbf16>
      tpu.vector_store %arg8[%swap3A_1425, %swap3A_1426, %swap3A_1427], %swap3A_1430 {strides = array<i32>} : memref<12x624x1024xbf16, #tpu.memory_space<vmem>>, vector<1x8x1024xbf16>,
      %slice3A_1431 = vector.extract_strided_slice %max3A_1402 {offsets = [0, 0], sizes = [8, 1024], strides = [1, 1]} : vector<16x1024xf32> to vector<8x1024xf32>
      %slice3A_1432 = vector.extract_strided_slice %max3A_174 {offsets = [0, 0], sizes = [8, 1024], strides = [1, 1]} : vector<16x1024xf32> to vector<8x1024xf32>
      %mul3A_1433 = arith.mulf %slice3A_1431, %slice3A_1432 : vector<8x1024xf32>
      %slice3A_1434 = vector.extract_strided_slice %max3A_1402 {offsets = [8, 0], sizes = [8, 1024], strides = [1, 1]} : vector<16x1024xf32> to vector<8x1024xf32>
      %slice3A_1435 = vector.extract_strided_slice %max3A_174 {offsets = [8, 0], sizes = [8, 1024], strides = [1, 1]} : vector<16x1024xf32> to vector<8x1024xf32>
      %mul3A_1436 = arith.mulf %slice3A_1434, %slice3A_1435 : vector<8x1024xf32>
      %add3A_1437 = arith.addf %mul3A_1433, %mul3A_1436 : vector<8x1024xf32>
      %convert_element_type3A_1438 = arith.truncf %add3A_1437 : vector<8x1024xf32> to vector<8x1024xbf16>
      %swap3A_1439 = arith.index_cast %scan3A_413 : i32 to index
      %swap3A_1440 = arith.constant 352 : index
      %swap3A_1441 = arith.constant 0 : index
      %swap3A_1442 = vector.load %arg8[%swap3A_1439, %swap3A_1440, %swap3A_1441] : memref<12x624x1024xbf16, #tpu.memory_space<vmem>>, vector<1x8x1024xbf16>
      %swap3A_1443 = vector.shape_cast %swap3A_1442 : vector<1x8x1024xbf16> to vector<8x1024xbf16>
      %swap3A_1444 = vector.shape_cast %convert_element_type3A_1438 : vector<8x1024xbf16> to vector<1x8x1024xbf16>
      tpu.vector_store %arg8[%swap3A_1439, %swap3A_1440, %swap3A_1441], %swap3A_1444 {strides = array<i32>} : memref<12x624x1024xbf16, #tpu.memory_space<vmem>>, vector<1x8x1024xbf16>,
      %slice3A_1445 = vector.extract_strided_slice %max3A_1402 {offsets = [0, 0], sizes = [8, 1024], strides = [1, 1]} : vector<16x1024xf32> to vector<8x1024xf32>
      %slice3A_1446 = vector.extract_strided_slice %max3A_175 {offsets = [0, 0], sizes = [8, 1024], strides = [1, 1]} : vector<16x1024xf32> to vector<8x1024xf32>
      %mul3A_1447 = arith.mulf %slice3A_1445, %slice3A_1446 : vector<8x1024xf32>
      %slice3A_1448 = vector.extract_strided_slice %max3A_1402 {offsets = [8, 0], sizes = [8, 1024], strides = [1, 1]} : vector<16x1024xf32> to vector<8x1024xf32>
      %slice3A_1449 = vector.extract_strided_slice %max3A_175 {offsets = [8, 0], sizes = [8, 1024], strides = [1, 1]} : vector<16x1024xf32> to vector<8x1024xf32>
      %mul3A_1450 = arith.mulf %slice3A_1448, %slice3A_1449 : vector<8x1024xf32>
      %add3A_1451 = arith.addf %mul3A_1447, %mul3A_1450 : vector<8x1024xf32>
      %convert_element_type3A_1452 = arith.truncf %add3A_1451 : vector<8x1024xf32> to vector<8x1024xbf16>
      %swap3A_1453 = arith.index_cast %scan3A_413 : i32 to index
      %swap3A_1454 = arith.constant 360 : index
      %swap3A_1455 = arith.constant 0 : index
      %swap3A_1456 = vector.load %arg8[%swap3A_1453, %swap3A_1454, %swap3A_1455] : memref<12x624x1024xbf16, #tpu.memory_space<vmem>>, vector<1x8x1024xbf16>
      %swap3A_1457 = vector.shape_cast %swap3A_1456 : vector<1x8x1024xbf16> to vector<8x1024xbf16>
      %swap3A_1458 = vector.shape_cast %convert_element_type3A_1452 : vector<8x1024xbf16> to vector<1x8x1024xbf16>
      tpu.vector_store %arg8[%swap3A_1453, %swap3A_1454, %swap3A_1455], %swap3A_1458 {strides = array<i32>} : memref<12x624x1024xbf16, #tpu.memory_space<vmem>>, vector<1x8x1024xbf16>,
      %slice3A_1459 = vector.extract_strided_slice %max3A_1402 {offsets = [0, 0], sizes = [8, 1024], strides = [1, 1]} : vector<16x1024xf32> to vector<8x1024xf32>
      %slice3A_1460 = vector.extract_strided_slice %max3A_176 {offsets = [0, 0], sizes = [8, 1024], strides = [1, 1]} : vector<16x1024xf32> to vector<8x1024xf32>
      %mul3A_1461 = arith.mulf %slice3A_1459, %slice3A_1460 : vector<8x1024xf32>
      %slice3A_1462 = vector.extract_strided_slice %max3A_1402 {offsets = [8, 0], sizes = [8, 1024], strides = [1, 1]} : vector<16x1024xf32> to vector<8x1024xf32>
      %slice3A_1463 = vector.extract_strided_slice %max3A_176 {offsets = [8, 0], sizes = [8, 1024], strides = [1, 1]} : vector<16x1024xf32> to vector<8x1024xf32>
      %mul3A_1464 = arith.mulf %slice3A_1462, %slice3A_1463 : vector<8x1024xf32>
      %add3A_1465 = arith.addf %mul3A_1461, %mul3A_1464 : vector<8x1024xf32>
      %convert_element_type3A_1466 = arith.truncf %add3A_1465 : vector<8x1024xf32> to vector<8x1024xbf16>
      %swap3A_1467 = arith.index_cast %scan3A_413 : i32 to index
      %swap3A_1468 = arith.constant 368 : index
      %swap3A_1469 = arith.constant 0 : index
      %swap3A_1470 = vector.load %arg8[%swap3A_1467, %swap3A_1468, %swap3A_1469] : memref<12x624x1024xbf16, #tpu.memory_space<vmem>>, vector<1x8x1024xbf16>
      %swap3A_1471 = vector.shape_cast %swap3A_1470 : vector<1x8x1024xbf16> to vector<8x1024xbf16>
      %swap3A_1472 = vector.shape_cast %convert_element_type3A_1466 : vector<8x1024xbf16> to vector<1x8x1024xbf16>
      tpu.vector_store %arg8[%swap3A_1467, %swap3A_1468, %swap3A_1469], %swap3A_1472 {strides = array<i32>} : memref<12x624x1024xbf16, #tpu.memory_space<vmem>>, vector<1x8x1024xbf16>,
      %slice3A_1473 = vector.extract_strided_slice %max3A_1402 {offsets = [0, 0], sizes = [8, 1024], strides = [1, 1]} : vector<16x1024xf32> to vector<8x1024xf32>
      %slice3A_1474 = vector.extract_strided_slice %max3A_177 {offsets = [0, 0], sizes = [8, 1024], strides = [1, 1]} : vector<16x1024xf32> to vector<8x1024xf32>
      %mul3A_1475 = arith.mulf %slice3A_1473, %slice3A_1474 : vector<8x1024xf32>
      %slice3A_1476 = vector.extract_strided_slice %max3A_1402 {offsets = [8, 0], sizes = [8, 1024], strides = [1, 1]} : vector<16x1024xf32> to vector<8x1024xf32>
      %slice3A_1477 = vector.extract_strided_slice %max3A_177 {offsets = [8, 0], sizes = [8, 1024], strides = [1, 1]} : vector<16x1024xf32> to vector<8x1024xf32>
      %mul3A_1478 = arith.mulf %slice3A_1476, %slice3A_1477 : vector<8x1024xf32>
      %add3A_1479 = arith.addf %mul3A_1475, %mul3A_1478 : vector<8x1024xf32>
      %convert_element_type3A_1480 = arith.truncf %add3A_1479 : vector<8x1024xf32> to vector<8x1024xbf16>
      %swap3A_1481 = arith.index_cast %scan3A_413 : i32 to index
      %swap3A_1482 = arith.constant 376 : index
      %swap3A_1483 = arith.constant 0 : index
      %swap3A_1484 = vector.load %arg8[%swap3A_1481, %swap3A_1482, %swap3A_1483] : memref<12x624x1024xbf16, #tpu.memory_space<vmem>>, vector<1x8x1024xbf16>
      %swap3A_1485 = vector.shape_cast %swap3A_1484 : vector<1x8x1024xbf16> to vector<8x1024xbf16>
      %swap3A_1486 = vector.shape_cast %convert_element_type3A_1480 : vector<8x1024xbf16> to vector<1x8x1024xbf16>
      tpu.vector_store %arg8[%swap3A_1481, %swap3A_1482, %swap3A_1483], %swap3A_1486 {strides = array<i32>} : memref<12x624x1024xbf16, #tpu.memory_space<vmem>>, vector<1x8x1024xbf16>,
      %get3A_1487 = arith.index_cast %scan3A_413 : i32 to index
      %get3A_1488 = arith.constant 8 : index
      %get3A_1489 = arith.constant 0 : index
      %get3A_1490 = memref.load %arg3[%get3A_1487, %get3A_1488, %get3A_1489] : memref<12x13x6xf32, #tpu.memory_space<smem>>
      %mul3A_1491 = vector.broadcast %get3A_1490 : f32 to vector<16x1024xf32>
      %mul3A_1492 = arith.mulf %mul3A_1491, %max3A_172 : vector<16x1024xf32>
      %get3A_1493 = arith.index_cast %scan3A_413 : i32 to index
      %get3A_1494 = arith.constant 8 : index
      %get3A_1495 = arith.constant 1 : index
      %get3A_1496 = memref.load %arg3[%get3A_1493, %get3A_1494, %get3A_1495] : memref<12x13x6xf32, #tpu.memory_space<smem>>
      %mul3A_1497 = vector.broadcast %get3A_1496 : f32 to vector<16x1024xf32>
      %mul3A_1498 = arith.mulf %mul3A_1497, %max3A_173 : vector<16x1024xf32>
      %add3A_1499 = arith.addf %mul3A_1492, %mul3A_1498 : vector<16x1024xf32>
      %get3A_1500 = arith.index_cast %scan3A_413 : i32 to index
      %get3A_1501 = arith.constant 8 : index
      %get3A_1502 = arith.constant 2 : index
      %get3A_1503 = memref.load %arg3[%get3A_1500, %get3A_1501, %get3A_1502] : memref<12x13x6xf32, #tpu.memory_space<smem>>
      %mul3A_1504 = vector.broadcast %get3A_1503 : f32 to vector<16x1024xf32>
      %mul3A_1505 = arith.mulf %mul3A_1504, %max3A_174 : vector<16x1024xf32>
      %add3A_1506 = arith.addf %add3A_1499, %mul3A_1505 : vector<16x1024xf32>
      %get3A_1507 = arith.index_cast %scan3A_413 : i32 to index
      %get3A_1508 = arith.constant 8 : index
      %get3A_1509 = arith.constant 3 : index
      %get3A_1510 = memref.load %arg3[%get3A_1507, %get3A_1508, %get3A_1509] : memref<12x13x6xf32, #tpu.memory_space<smem>>
      %mul3A_1511 = vector.broadcast %get3A_1510 : f32 to vector<16x1024xf32>
      %mul3A_1512 = arith.mulf %mul3A_1511, %max3A_175 : vector<16x1024xf32>
      %add3A_1513 = arith.addf %add3A_1506, %mul3A_1512 : vector<16x1024xf32>
      %get3A_1514 = arith.index_cast %scan3A_413 : i32 to index
      %get3A_1515 = arith.constant 8 : index
      %get3A_1516 = arith.constant 4 : index
      %get3A_1517 = memref.load %arg3[%get3A_1514, %get3A_1515, %get3A_1516] : memref<12x13x6xf32, #tpu.memory_space<smem>>
      %mul3A_1518 = vector.broadcast %get3A_1517 : f32 to vector<16x1024xf32>
      %mul3A_1519 = arith.mulf %mul3A_1518, %max3A_176 : vector<16x1024xf32>
      %add3A_1520 = arith.addf %add3A_1513, %mul3A_1519 : vector<16x1024xf32>
      %get3A_1521 = arith.index_cast %scan3A_413 : i32 to index
      %get3A_1522 = arith.constant 8 : index
      %get3A_1523 = arith.constant 5 : index
      %get3A_1524 = memref.load %arg3[%get3A_1521, %get3A_1522, %get3A_1523] : memref<12x13x6xf32, #tpu.memory_space<smem>>
      %mul3A_1525 = vector.broadcast %get3A_1524 : f32 to vector<16x1024xf32>
      %mul3A_1526 = arith.mulf %mul3A_1525, %max3A_177 : vector<16x1024xf32>
      %add3A_1527 = arith.addf %add3A_1520, %mul3A_1526 : vector<16x1024xf32>
      %max3A_1528 = arith.constant 0.000000e+00 : f32
      %max3A_1529 = vector.broadcast %max3A_1528 : f32 to vector<16x1024xf32>
      %max3A_1530 = arith.maximumf %add3A_1527, %max3A_1529 : vector<16x1024xf32>
      %slice3A_1531 = vector.extract_strided_slice %max3A_1530 {offsets = [0, 0], sizes = [8, 1024], strides = [1, 1]} : vector<16x1024xf32> to vector<8x1024xf32>
      %slice3A_1532 = vector.extract_strided_slice %max3A_172 {offsets = [0, 0], sizes = [8, 1024], strides = [1, 1]} : vector<16x1024xf32> to vector<8x1024xf32>
      %mul3A_1533 = arith.mulf %slice3A_1531, %slice3A_1532 : vector<8x1024xf32>
      %slice3A_1534 = vector.extract_strided_slice %max3A_1530 {offsets = [8, 0], sizes = [8, 1024], strides = [1, 1]} : vector<16x1024xf32> to vector<8x1024xf32>
      %slice3A_1535 = vector.extract_strided_slice %max3A_172 {offsets = [8, 0], sizes = [8, 1024], strides = [1, 1]} : vector<16x1024xf32> to vector<8x1024xf32>
      %mul3A_1536 = arith.mulf %slice3A_1534, %slice3A_1535 : vector<8x1024xf32>
      %add3A_1537 = arith.addf %mul3A_1533, %mul3A_1536 : vector<8x1024xf32>
      %convert_element_type3A_1538 = arith.truncf %add3A_1537 : vector<8x1024xf32> to vector<8x1024xbf16>
      %swap3A_1539 = arith.index_cast %scan3A_413 : i32 to index
      %swap3A_1540 = arith.constant 384 : index
      %swap3A_1541 = arith.constant 0 : index
      %swap3A_1542 = vector.load %arg8[%swap3A_1539, %swap3A_1540, %swap3A_1541] : memref<12x624x1024xbf16, #tpu.memory_space<vmem>>, vector<1x8x1024xbf16>
      %swap3A_1543 = vector.shape_cast %swap3A_1542 : vector<1x8x1024xbf16> to vector<8x1024xbf16>
      %swap3A_1544 = vector.shape_cast %convert_element_type3A_1538 : vector<8x1024xbf16> to vector<1x8x1024xbf16>
      tpu.vector_store %arg8[%swap3A_1539, %swap3A_1540, %swap3A_1541], %swap3A_1544 {strides = array<i32>} : memref<12x624x1024xbf16, #tpu.memory_space<vmem>>, vector<1x8x1024xbf16>,
      %slice3A_1545 = vector.extract_strided_slice %max3A_1530 {offsets = [0, 0], sizes = [8, 1024], strides = [1, 1]} : vector<16x1024xf32> to vector<8x1024xf32>
      %slice3A_1546 = vector.extract_strided_slice %max3A_173 {offsets = [0, 0], sizes = [8, 1024], strides = [1, 1]} : vector<16x1024xf32> to vector<8x1024xf32>
      %mul3A_1547 = arith.mulf %slice3A_1545, %slice3A_1546 : vector<8x1024xf32>
      %slice3A_1548 = vector.extract_strided_slice %max3A_1530 {offsets = [8, 0], sizes = [8, 1024], strides = [1, 1]} : vector<16x1024xf32> to vector<8x1024xf32>
      %slice3A_1549 = vector.extract_strided_slice %max3A_173 {offsets = [8, 0], sizes = [8, 1024], strides = [1, 1]} : vector<16x1024xf32> to vector<8x1024xf32>
      %mul3A_1550 = arith.mulf %slice3A_1548, %slice3A_1549 : vector<8x1024xf32>
      %add3A_1551 = arith.addf %mul3A_1547, %mul3A_1550 : vector<8x1024xf32>
      %convert_element_type3A_1552 = arith.truncf %add3A_1551 : vector<8x1024xf32> to vector<8x1024xbf16>
      %swap3A_1553 = arith.index_cast %scan3A_413 : i32 to index
      %swap3A_1554 = arith.constant 392 : index
      %swap3A_1555 = arith.constant 0 : index
      %swap3A_1556 = vector.load %arg8[%swap3A_1553, %swap3A_1554, %swap3A_1555] : memref<12x624x1024xbf16, #tpu.memory_space<vmem>>, vector<1x8x1024xbf16>
      %swap3A_1557 = vector.shape_cast %swap3A_1556 : vector<1x8x1024xbf16> to vector<8x1024xbf16>
      %swap3A_1558 = vector.shape_cast %convert_element_type3A_1552 : vector<8x1024xbf16> to vector<1x8x1024xbf16>
      tpu.vector_store %arg8[%swap3A_1553, %swap3A_1554, %swap3A_1555], %swap3A_1558 {strides = array<i32>} : memref<12x624x1024xbf16, #tpu.memory_space<vmem>>, vector<1x8x1024xbf16>,
      %slice3A_1559 = vector.extract_strided_slice %max3A_1530 {offsets = [0, 0], sizes = [8, 1024], strides = [1, 1]} : vector<16x1024xf32> to vector<8x1024xf32>
      %slice3A_1560 = vector.extract_strided_slice %max3A_174 {offsets = [0, 0], sizes = [8, 1024], strides = [1, 1]} : vector<16x1024xf32> to vector<8x1024xf32>
      %mul3A_1561 = arith.mulf %slice3A_1559, %slice3A_1560 : vector<8x1024xf32>
      %slice3A_1562 = vector.extract_strided_slice %max3A_1530 {offsets = [8, 0], sizes = [8, 1024], strides = [1, 1]} : vector<16x1024xf32> to vector<8x1024xf32>
      %slice3A_1563 = vector.extract_strided_slice %max3A_174 {offsets = [8, 0], sizes = [8, 1024], strides = [1, 1]} : vector<16x1024xf32> to vector<8x1024xf32>
      %mul3A_1564 = arith.mulf %slice3A_1562, %slice3A_1563 : vector<8x1024xf32>
      %add3A_1565 = arith.addf %mul3A_1561, %mul3A_1564 : vector<8x1024xf32>
      %convert_element_type3A_1566 = arith.truncf %add3A_1565 : vector<8x1024xf32> to vector<8x1024xbf16>
      %swap3A_1567 = arith.index_cast %scan3A_413 : i32 to index
      %swap3A_1568 = arith.constant 400 : index
      %swap3A_1569 = arith.constant 0 : index
      %swap3A_1570 = vector.load %arg8[%swap3A_1567, %swap3A_1568, %swap3A_1569] : memref<12x624x1024xbf16, #tpu.memory_space<vmem>>, vector<1x8x1024xbf16>
      %swap3A_1571 = vector.shape_cast %swap3A_1570 : vector<1x8x1024xbf16> to vector<8x1024xbf16>
      %swap3A_1572 = vector.shape_cast %convert_element_type3A_1566 : vector<8x1024xbf16> to vector<1x8x1024xbf16>
      tpu.vector_store %arg8[%swap3A_1567, %swap3A_1568, %swap3A_1569], %swap3A_1572 {strides = array<i32>} : memref<12x624x1024xbf16, #tpu.memory_space<vmem>>, vector<1x8x1024xbf16>,
      %slice3A_1573 = vector.extract_strided_slice %max3A_1530 {offsets = [0, 0], sizes = [8, 1024], strides = [1, 1]} : vector<16x1024xf32> to vector<8x1024xf32>
      %slice3A_1574 = vector.extract_strided_slice %max3A_175 {offsets = [0, 0], sizes = [8, 1024], strides = [1, 1]} : vector<16x1024xf32> to vector<8x1024xf32>
      %mul3A_1575 = arith.mulf %slice3A_1573, %slice3A_1574 : vector<8x1024xf32>
      %slice3A_1576 = vector.extract_strided_slice %max3A_1530 {offsets = [8, 0], sizes = [8, 1024], strides = [1, 1]} : vector<16x1024xf32> to vector<8x1024xf32>
      %slice3A_1577 = vector.extract_strided_slice %max3A_175 {offsets = [8, 0], sizes = [8, 1024], strides = [1, 1]} : vector<16x1024xf32> to vector<8x1024xf32>
      %mul3A_1578 = arith.mulf %slice3A_1576, %slice3A_1577 : vector<8x1024xf32>
      %add3A_1579 = arith.addf %mul3A_1575, %mul3A_1578 : vector<8x1024xf32>
      %convert_element_type3A_1580 = arith.truncf %add3A_1579 : vector<8x1024xf32> to vector<8x1024xbf16>
      %swap3A_1581 = arith.index_cast %scan3A_413 : i32 to index
      %swap3A_1582 = arith.constant 408 : index
      %swap3A_1583 = arith.constant 0 : index
      %swap3A_1584 = vector.load %arg8[%swap3A_1581, %swap3A_1582, %swap3A_1583] : memref<12x624x1024xbf16, #tpu.memory_space<vmem>>, vector<1x8x1024xbf16>
      %swap3A_1585 = vector.shape_cast %swap3A_1584 : vector<1x8x1024xbf16> to vector<8x1024xbf16>
      %swap3A_1586 = vector.shape_cast %convert_element_type3A_1580 : vector<8x1024xbf16> to vector<1x8x1024xbf16>
      tpu.vector_store %arg8[%swap3A_1581, %swap3A_1582, %swap3A_1583], %swap3A_1586 {strides = array<i32>} : memref<12x624x1024xbf16, #tpu.memory_space<vmem>>, vector<1x8x1024xbf16>,
      %slice3A_1587 = vector.extract_strided_slice %max3A_1530 {offsets = [0, 0], sizes = [8, 1024], strides = [1, 1]} : vector<16x1024xf32> to vector<8x1024xf32>
      %slice3A_1588 = vector.extract_strided_slice %max3A_176 {offsets = [0, 0], sizes = [8, 1024], strides = [1, 1]} : vector<16x1024xf32> to vector<8x1024xf32>
      %mul3A_1589 = arith.mulf %slice3A_1587, %slice3A_1588 : vector<8x1024xf32>
      %slice3A_1590 = vector.extract_strided_slice %max3A_1530 {offsets = [8, 0], sizes = [8, 1024], strides = [1, 1]} : vector<16x1024xf32> to vector<8x1024xf32>
      %slice3A_1591 = vector.extract_strided_slice %max3A_176 {offsets = [8, 0], sizes = [8, 1024], strides = [1, 1]} : vector<16x1024xf32> to vector<8x1024xf32>
      %mul3A_1592 = arith.mulf %slice3A_1590, %slice3A_1591 : vector<8x1024xf32>
      %add3A_1593 = arith.addf %mul3A_1589, %mul3A_1592 : vector<8x1024xf32>
      %convert_element_type3A_1594 = arith.truncf %add3A_1593 : vector<8x1024xf32> to vector<8x1024xbf16>
      %swap3A_1595 = arith.index_cast %scan3A_413 : i32 to index
      %swap3A_1596 = arith.constant 416 : index
      %swap3A_1597 = arith.constant 0 : index
      %swap3A_1598 = vector.load %arg8[%swap3A_1595, %swap3A_1596, %swap3A_1597] : memref<12x624x1024xbf16, #tpu.memory_space<vmem>>, vector<1x8x1024xbf16>
      %swap3A_1599 = vector.shape_cast %swap3A_1598 : vector<1x8x1024xbf16> to vector<8x1024xbf16>
      %swap3A_1600 = vector.shape_cast %convert_element_type3A_1594 : vector<8x1024xbf16> to vector<1x8x1024xbf16>
      tpu.vector_store %arg8[%swap3A_1595, %swap3A_1596, %swap3A_1597], %swap3A_1600 {strides = array<i32>} : memref<12x624x1024xbf16, #tpu.memory_space<vmem>>, vector<1x8x1024xbf16>,
      %slice3A_1601 = vector.extract_strided_slice %max3A_1530 {offsets = [0, 0], sizes = [8, 1024], strides = [1, 1]} : vector<16x1024xf32> to vector<8x1024xf32>
      %slice3A_1602 = vector.extract_strided_slice %max3A_177 {offsets = [0, 0], sizes = [8, 1024], strides = [1, 1]} : vector<16x1024xf32> to vector<8x1024xf32>
      %mul3A_1603 = arith.mulf %slice3A_1601, %slice3A_1602 : vector<8x1024xf32>
      %slice3A_1604 = vector.extract_strided_slice %max3A_1530 {offsets = [8, 0], sizes = [8, 1024], strides = [1, 1]} : vector<16x1024xf32> to vector<8x1024xf32>
      %slice3A_1605 = vector.extract_strided_slice %max3A_177 {offsets = [8, 0], sizes = [8, 1024], strides = [1, 1]} : vector<16x1024xf32> to vector<8x1024xf32>
      %mul3A_1606 = arith.mulf %slice3A_1604, %slice3A_1605 : vector<8x1024xf32>
      %add3A_1607 = arith.addf %mul3A_1603, %mul3A_1606 : vector<8x1024xf32>
      %convert_element_type3A_1608 = arith.truncf %add3A_1607 : vector<8x1024xf32> to vector<8x1024xbf16>
      %swap3A_1609 = arith.index_cast %scan3A_413 : i32 to index
      %swap3A_1610 = arith.constant 424 : index
      %swap3A_1611 = arith.constant 0 : index
      %swap3A_1612 = vector.load %arg8[%swap3A_1609, %swap3A_1610, %swap3A_1611] : memref<12x624x1024xbf16, #tpu.memory_space<vmem>>, vector<1x8x1024xbf16>
      %swap3A_1613 = vector.shape_cast %swap3A_1612 : vector<1x8x1024xbf16> to vector<8x1024xbf16>
      %swap3A_1614 = vector.shape_cast %convert_element_type3A_1608 : vector<8x1024xbf16> to vector<1x8x1024xbf16>
      tpu.vector_store %arg8[%swap3A_1609, %swap3A_1610, %swap3A_1611], %swap3A_1614 {strides = array<i32>} : memref<12x624x1024xbf16, #tpu.memory_space<vmem>>, vector<1x8x1024xbf16>,
      %get3A_1615 = arith.index_cast %scan3A_413 : i32 to index
      %get3A_1616 = arith.constant 9 : index
      %get3A_1617 = arith.constant 0 : index
      %get3A_1618 = memref.load %arg3[%get3A_1615, %get3A_1616, %get3A_1617] : memref<12x13x6xf32, #tpu.memory_space<smem>>
      %mul3A_1619 = vector.broadcast %get3A_1618 : f32 to vector<16x1024xf32>
      %mul3A_1620 = arith.mulf %mul3A_1619, %max3A_172 : vector<16x1024xf32>
      %get3A_1621 = arith.index_cast %scan3A_413 : i32 to index
      %get3A_1622 = arith.constant 9 : index
      %get3A_1623 = arith.constant 1 : index
      %get3A_1624 = memref.load %arg3[%get3A_1621, %get3A_1622, %get3A_1623] : memref<12x13x6xf32, #tpu.memory_space<smem>>
      %mul3A_1625 = vector.broadcast %get3A_1624 : f32 to vector<16x1024xf32>
      %mul3A_1626 = arith.mulf %mul3A_1625, %max3A_173 : vector<16x1024xf32>
      %add3A_1627 = arith.addf %mul3A_1620, %mul3A_1626 : vector<16x1024xf32>
      %get3A_1628 = arith.index_cast %scan3A_413 : i32 to index
      %get3A_1629 = arith.constant 9 : index
      %get3A_1630 = arith.constant 2 : index
      %get3A_1631 = memref.load %arg3[%get3A_1628, %get3A_1629, %get3A_1630] : memref<12x13x6xf32, #tpu.memory_space<smem>>
      %mul3A_1632 = vector.broadcast %get3A_1631 : f32 to vector<16x1024xf32>
      %mul3A_1633 = arith.mulf %mul3A_1632, %max3A_174 : vector<16x1024xf32>
      %add3A_1634 = arith.addf %add3A_1627, %mul3A_1633 : vector<16x1024xf32>
      %get3A_1635 = arith.index_cast %scan3A_413 : i32 to index
      %get3A_1636 = arith.constant 9 : index
      %get3A_1637 = arith.constant 3 : index
      %get3A_1638 = memref.load %arg3[%get3A_1635, %get3A_1636, %get3A_1637] : memref<12x13x6xf32, #tpu.memory_space<smem>>
      %mul3A_1639 = vector.broadcast %get3A_1638 : f32 to vector<16x1024xf32>
      %mul3A_1640 = arith.mulf %mul3A_1639, %max3A_175 : vector<16x1024xf32>
      %add3A_1641 = arith.addf %add3A_1634, %mul3A_1640 : vector<16x1024xf32>
      %get3A_1642 = arith.index_cast %scan3A_413 : i32 to index
      %get3A_1643 = arith.constant 9 : index
      %get3A_1644 = arith.constant 4 : index
      %get3A_1645 = memref.load %arg3[%get3A_1642, %get3A_1643, %get3A_1644] : memref<12x13x6xf32, #tpu.memory_space<smem>>
      %mul3A_1646 = vector.broadcast %get3A_1645 : f32 to vector<16x1024xf32>
      %mul3A_1647 = arith.mulf %mul3A_1646, %max3A_176 : vector<16x1024xf32>
      %add3A_1648 = arith.addf %add3A_1641, %mul3A_1647 : vector<16x1024xf32>
      %get3A_1649 = arith.index_cast %scan3A_413 : i32 to index
      %get3A_1650 = arith.constant 9 : index
      %get3A_1651 = arith.constant 5 : index
      %get3A_1652 = memref.load %arg3[%get3A_1649, %get3A_1650, %get3A_1651] : memref<12x13x6xf32, #tpu.memory_space<smem>>
      %mul3A_1653 = vector.broadcast %get3A_1652 : f32 to vector<16x1024xf32>
      %mul3A_1654 = arith.mulf %mul3A_1653, %max3A_177 : vector<16x1024xf32>
      %add3A_1655 = arith.addf %add3A_1648, %mul3A_1654 : vector<16x1024xf32>
      %max3A_1656 = arith.constant 0.000000e+00 : f32
      %max3A_1657 = vector.broadcast %max3A_1656 : f32 to vector<16x1024xf32>
      %max3A_1658 = arith.maximumf %add3A_1655, %max3A_1657 : vector<16x1024xf32>
      %slice3A_1659 = vector.extract_strided_slice %max3A_1658 {offsets = [0, 0], sizes = [8, 1024], strides = [1, 1]} : vector<16x1024xf32> to vector<8x1024xf32>
      %slice3A_1660 = vector.extract_strided_slice %max3A_172 {offsets = [0, 0], sizes = [8, 1024], strides = [1, 1]} : vector<16x1024xf32> to vector<8x1024xf32>
      %mul3A_1661 = arith.mulf %slice3A_1659, %slice3A_1660 : vector<8x1024xf32>
      %slice3A_1662 = vector.extract_strided_slice %max3A_1658 {offsets = [8, 0], sizes = [8, 1024], strides = [1, 1]} : vector<16x1024xf32> to vector<8x1024xf32>
      %slice3A_1663 = vector.extract_strided_slice %max3A_172 {offsets = [8, 0], sizes = [8, 1024], strides = [1, 1]} : vector<16x1024xf32> to vector<8x1024xf32>
      %mul3A_1664 = arith.mulf %slice3A_1662, %slice3A_1663 : vector<8x1024xf32>
      %add3A_1665 = arith.addf %mul3A_1661, %mul3A_1664 : vector<8x1024xf32>
      %convert_element_type3A_1666 = arith.truncf %add3A_1665 : vector<8x1024xf32> to vector<8x1024xbf16>
      %swap3A_1667 = arith.index_cast %scan3A_413 : i32 to index
      %swap3A_1668 = arith.constant 432 : index
      %swap3A_1669 = arith.constant 0 : index
      %swap3A_1670 = vector.load %arg8[%swap3A_1667, %swap3A_1668, %swap3A_1669] : memref<12x624x1024xbf16, #tpu.memory_space<vmem>>, vector<1x8x1024xbf16>
      %swap3A_1671 = vector.shape_cast %swap3A_1670 : vector<1x8x1024xbf16> to vector<8x1024xbf16>
      %swap3A_1672 = vector.shape_cast %convert_element_type3A_1666 : vector<8x1024xbf16> to vector<1x8x1024xbf16>
      tpu.vector_store %arg8[%swap3A_1667, %swap3A_1668, %swap3A_1669], %swap3A_1672 {strides = array<i32>} : memref<12x624x1024xbf16, #tpu.memory_space<vmem>>, vector<1x8x1024xbf16>,
      %slice3A_1673 = vector.extract_strided_slice %max3A_1658 {offsets = [0, 0], sizes = [8, 1024], strides = [1, 1]} : vector<16x1024xf32> to vector<8x1024xf32>
      %slice3A_1674 = vector.extract_strided_slice %max3A_173 {offsets = [0, 0], sizes = [8, 1024], strides = [1, 1]} : vector<16x1024xf32> to vector<8x1024xf32>
      %mul3A_1675 = arith.mulf %slice3A_1673, %slice3A_1674 : vector<8x1024xf32>
      %slice3A_1676 = vector.extract_strided_slice %max3A_1658 {offsets = [8, 0], sizes = [8, 1024], strides = [1, 1]} : vector<16x1024xf32> to vector<8x1024xf32>
      %slice3A_1677 = vector.extract_strided_slice %max3A_173 {offsets = [8, 0], sizes = [8, 1024], strides = [1, 1]} : vector<16x1024xf32> to vector<8x1024xf32>
      %mul3A_1678 = arith.mulf %slice3A_1676, %slice3A_1677 : vector<8x1024xf32>
      %add3A_1679 = arith.addf %mul3A_1675, %mul3A_1678 : vector<8x1024xf32>
      %convert_element_type3A_1680 = arith.truncf %add3A_1679 : vector<8x1024xf32> to vector<8x1024xbf16>
      %swap3A_1681 = arith.index_cast %scan3A_413 : i32 to index
      %swap3A_1682 = arith.constant 440 : index
      %swap3A_1683 = arith.constant 0 : index
      %swap3A_1684 = vector.load %arg8[%swap3A_1681, %swap3A_1682, %swap3A_1683] : memref<12x624x1024xbf16, #tpu.memory_space<vmem>>, vector<1x8x1024xbf16>
      %swap3A_1685 = vector.shape_cast %swap3A_1684 : vector<1x8x1024xbf16> to vector<8x1024xbf16>
      %swap3A_1686 = vector.shape_cast %convert_element_type3A_1680 : vector<8x1024xbf16> to vector<1x8x1024xbf16>
      tpu.vector_store %arg8[%swap3A_1681, %swap3A_1682, %swap3A_1683], %swap3A_1686 {strides = array<i32>} : memref<12x624x1024xbf16, #tpu.memory_space<vmem>>, vector<1x8x1024xbf16>,
      %slice3A_1687 = vector.extract_strided_slice %max3A_1658 {offsets = [0, 0], sizes = [8, 1024], strides = [1, 1]} : vector<16x1024xf32> to vector<8x1024xf32>
      %slice3A_1688 = vector.extract_strided_slice %max3A_174 {offsets = [0, 0], sizes = [8, 1024], strides = [1, 1]} : vector<16x1024xf32> to vector<8x1024xf32>
      %mul3A_1689 = arith.mulf %slice3A_1687, %slice3A_1688 : vector<8x1024xf32>
      %slice3A_1690 = vector.extract_strided_slice %max3A_1658 {offsets = [8, 0], sizes = [8, 1024], strides = [1, 1]} : vector<16x1024xf32> to vector<8x1024xf32>
      %slice3A_1691 = vector.extract_strided_slice %max3A_174 {offsets = [8, 0], sizes = [8, 1024], strides = [1, 1]} : vector<16x1024xf32> to vector<8x1024xf32>
      %mul3A_1692 = arith.mulf %slice3A_1690, %slice3A_1691 : vector<8x1024xf32>
      %add3A_1693 = arith.addf %mul3A_1689, %mul3A_1692 : vector<8x1024xf32>
      %convert_element_type3A_1694 = arith.truncf %add3A_1693 : vector<8x1024xf32> to vector<8x1024xbf16>
      %swap3A_1695 = arith.index_cast %scan3A_413 : i32 to index
      %swap3A_1696 = arith.constant 448 : index
      %swap3A_1697 = arith.constant 0 : index
      %swap3A_1698 = vector.load %arg8[%swap3A_1695, %swap3A_1696, %swap3A_1697] : memref<12x624x1024xbf16, #tpu.memory_space<vmem>>, vector<1x8x1024xbf16>
      %swap3A_1699 = vector.shape_cast %swap3A_1698 : vector<1x8x1024xbf16> to vector<8x1024xbf16>
      %swap3A_1700 = vector.shape_cast %convert_element_type3A_1694 : vector<8x1024xbf16> to vector<1x8x1024xbf16>
      tpu.vector_store %arg8[%swap3A_1695, %swap3A_1696, %swap3A_1697], %swap3A_1700 {strides = array<i32>} : memref<12x624x1024xbf16, #tpu.memory_space<vmem>>, vector<1x8x1024xbf16>,
      %slice3A_1701 = vector.extract_strided_slice %max3A_1658 {offsets = [0, 0], sizes = [8, 1024], strides = [1, 1]} : vector<16x1024xf32> to vector<8x1024xf32>
      %slice3A_1702 = vector.extract_strided_slice %max3A_175 {offsets = [0, 0], sizes = [8, 1024], strides = [1, 1]} : vector<16x1024xf32> to vector<8x1024xf32>
      %mul3A_1703 = arith.mulf %slice3A_1701, %slice3A_1702 : vector<8x1024xf32>
      %slice3A_1704 = vector.extract_strided_slice %max3A_1658 {offsets = [8, 0], sizes = [8, 1024], strides = [1, 1]} : vector<16x1024xf32> to vector<8x1024xf32>
      %slice3A_1705 = vector.extract_strided_slice %max3A_175 {offsets = [8, 0], sizes = [8, 1024], strides = [1, 1]} : vector<16x1024xf32> to vector<8x1024xf32>
      %mul3A_1706 = arith.mulf %slice3A_1704, %slice3A_1705 : vector<8x1024xf32>
      %add3A_1707 = arith.addf %mul3A_1703, %mul3A_1706 : vector<8x1024xf32>
      %convert_element_type3A_1708 = arith.truncf %add3A_1707 : vector<8x1024xf32> to vector<8x1024xbf16>
      %swap3A_1709 = arith.index_cast %scan3A_413 : i32 to index
      %swap3A_1710 = arith.constant 456 : index
      %swap3A_1711 = arith.constant 0 : index
      %swap3A_1712 = vector.load %arg8[%swap3A_1709, %swap3A_1710, %swap3A_1711] : memref<12x624x1024xbf16, #tpu.memory_space<vmem>>, vector<1x8x1024xbf16>
      %swap3A_1713 = vector.shape_cast %swap3A_1712 : vector<1x8x1024xbf16> to vector<8x1024xbf16>
      %swap3A_1714 = vector.shape_cast %convert_element_type3A_1708 : vector<8x1024xbf16> to vector<1x8x1024xbf16>
      tpu.vector_store %arg8[%swap3A_1709, %swap3A_1710, %swap3A_1711], %swap3A_1714 {strides = array<i32>} : memref<12x624x1024xbf16, #tpu.memory_space<vmem>>, vector<1x8x1024xbf16>,
      %slice3A_1715 = vector.extract_strided_slice %max3A_1658 {offsets = [0, 0], sizes = [8, 1024], strides = [1, 1]} : vector<16x1024xf32> to vector<8x1024xf32>
      %slice3A_1716 = vector.extract_strided_slice %max3A_176 {offsets = [0, 0], sizes = [8, 1024], strides = [1, 1]} : vector<16x1024xf32> to vector<8x1024xf32>
      %mul3A_1717 = arith.mulf %slice3A_1715, %slice3A_1716 : vector<8x1024xf32>
      %slice3A_1718 = vector.extract_strided_slice %max3A_1658 {offsets = [8, 0], sizes = [8, 1024], strides = [1, 1]} : vector<16x1024xf32> to vector<8x1024xf32>
      %slice3A_1719 = vector.extract_strided_slice %max3A_176 {offsets = [8, 0], sizes = [8, 1024], strides = [1, 1]} : vector<16x1024xf32> to vector<8x1024xf32>
      %mul3A_1720 = arith.mulf %slice3A_1718, %slice3A_1719 : vector<8x1024xf32>
      %add3A_1721 = arith.addf %mul3A_1717, %mul3A_1720 : vector<8x1024xf32>
      %convert_element_type3A_1722 = arith.truncf %add3A_1721 : vector<8x1024xf32> to vector<8x1024xbf16>
      %swap3A_1723 = arith.index_cast %scan3A_413 : i32 to index
      %swap3A_1724 = arith.constant 464 : index
      %swap3A_1725 = arith.constant 0 : index
      %swap3A_1726 = vector.load %arg8[%swap3A_1723, %swap3A_1724, %swap3A_1725] : memref<12x624x1024xbf16, #tpu.memory_space<vmem>>, vector<1x8x1024xbf16>
      %swap3A_1727 = vector.shape_cast %swap3A_1726 : vector<1x8x1024xbf16> to vector<8x1024xbf16>
      %swap3A_1728 = vector.shape_cast %convert_element_type3A_1722 : vector<8x1024xbf16> to vector<1x8x1024xbf16>
      tpu.vector_store %arg8[%swap3A_1723, %swap3A_1724, %swap3A_1725], %swap3A_1728 {strides = array<i32>} : memref<12x624x1024xbf16, #tpu.memory_space<vmem>>, vector<1x8x1024xbf16>,
      %slice3A_1729 = vector.extract_strided_slice %max3A_1658 {offsets = [0, 0], sizes = [8, 1024], strides = [1, 1]} : vector<16x1024xf32> to vector<8x1024xf32>
      %slice3A_1730 = vector.extract_strided_slice %max3A_177 {offsets = [0, 0], sizes = [8, 1024], strides = [1, 1]} : vector<16x1024xf32> to vector<8x1024xf32>
      %mul3A_1731 = arith.mulf %slice3A_1729, %slice3A_1730 : vector<8x1024xf32>
      %slice3A_1732 = vector.extract_strided_slice %max3A_1658 {offsets = [8, 0], sizes = [8, 1024], strides = [1, 1]} : vector<16x1024xf32> to vector<8x1024xf32>
      %slice3A_1733 = vector.extract_strided_slice %max3A_177 {offsets = [8, 0], sizes = [8, 1024], strides = [1, 1]} : vector<16x1024xf32> to vector<8x1024xf32>
      %mul3A_1734 = arith.mulf %slice3A_1732, %slice3A_1733 : vector<8x1024xf32>
      %add3A_1735 = arith.addf %mul3A_1731, %mul3A_1734 : vector<8x1024xf32>
      %convert_element_type3A_1736 = arith.truncf %add3A_1735 : vector<8x1024xf32> to vector<8x1024xbf16>
      %swap3A_1737 = arith.index_cast %scan3A_413 : i32 to index
      %swap3A_1738 = arith.constant 472 : index
      %swap3A_1739 = arith.constant 0 : index
      %swap3A_1740 = vector.load %arg8[%swap3A_1737, %swap3A_1738, %swap3A_1739] : memref<12x624x1024xbf16, #tpu.memory_space<vmem>>, vector<1x8x1024xbf16>
      %swap3A_1741 = vector.shape_cast %swap3A_1740 : vector<1x8x1024xbf16> to vector<8x1024xbf16>
      %swap3A_1742 = vector.shape_cast %convert_element_type3A_1736 : vector<8x1024xbf16> to vector<1x8x1024xbf16>
      tpu.vector_store %arg8[%swap3A_1737, %swap3A_1738, %swap3A_1739], %swap3A_1742 {strides = array<i32>} : memref<12x624x1024xbf16, #tpu.memory_space<vmem>>, vector<1x8x1024xbf16>,
      %get3A_1743 = arith.index_cast %scan3A_413 : i32 to index
      %get3A_1744 = arith.constant 10 : index
      %get3A_1745 = arith.constant 0 : index
      %get3A_1746 = memref.load %arg3[%get3A_1743, %get3A_1744, %get3A_1745] : memref<12x13x6xf32, #tpu.memory_space<smem>>
      %mul3A_1747 = vector.broadcast %get3A_1746 : f32 to vector<16x1024xf32>
      %mul3A_1748 = arith.mulf %mul3A_1747, %max3A_172 : vector<16x1024xf32>
      %get3A_1749 = arith.index_cast %scan3A_413 : i32 to index
      %get3A_1750 = arith.constant 10 : index
      %get3A_1751 = arith.constant 1 : index
      %get3A_1752 = memref.load %arg3[%get3A_1749, %get3A_1750, %get3A_1751] : memref<12x13x6xf32, #tpu.memory_space<smem>>
      %mul3A_1753 = vector.broadcast %get3A_1752 : f32 to vector<16x1024xf32>
      %mul3A_1754 = arith.mulf %mul3A_1753, %max3A_173 : vector<16x1024xf32>
      %add3A_1755 = arith.addf %mul3A_1748, %mul3A_1754 : vector<16x1024xf32>
      %get3A_1756 = arith.index_cast %scan3A_413 : i32 to index
      %get3A_1757 = arith.constant 10 : index
      %get3A_1758 = arith.constant 2 : index
      %get3A_1759 = memref.load %arg3[%get3A_1756, %get3A_1757, %get3A_1758] : memref<12x13x6xf32, #tpu.memory_space<smem>>
      %mul3A_1760 = vector.broadcast %get3A_1759 : f32 to vector<16x1024xf32>
      %mul3A_1761 = arith.mulf %mul3A_1760, %max3A_174 : vector<16x1024xf32>
      %add3A_1762 = arith.addf %add3A_1755, %mul3A_1761 : vector<16x1024xf32>
      %get3A_1763 = arith.index_cast %scan3A_413 : i32 to index
      %get3A_1764 = arith.constant 10 : index
      %get3A_1765 = arith.constant 3 : index
      %get3A_1766 = memref.load %arg3[%get3A_1763, %get3A_1764, %get3A_1765] : memref<12x13x6xf32, #tpu.memory_space<smem>>
      %mul3A_1767 = vector.broadcast %get3A_1766 : f32 to vector<16x1024xf32>
      %mul3A_1768 = arith.mulf %mul3A_1767, %max3A_175 : vector<16x1024xf32>
      %add3A_1769 = arith.addf %add3A_1762, %mul3A_1768 : vector<16x1024xf32>
      %get3A_1770 = arith.index_cast %scan3A_413 : i32 to index
      %get3A_1771 = arith.constant 10 : index
      %get3A_1772 = arith.constant 4 : index
      %get3A_1773 = memref.load %arg3[%get3A_1770, %get3A_1771, %get3A_1772] : memref<12x13x6xf32, #tpu.memory_space<smem>>
      %mul3A_1774 = vector.broadcast %get3A_1773 : f32 to vector<16x1024xf32>
      %mul3A_1775 = arith.mulf %mul3A_1774, %max3A_176 : vector<16x1024xf32>
      %add3A_1776 = arith.addf %add3A_1769, %mul3A_1775 : vector<16x1024xf32>
      %get3A_1777 = arith.index_cast %scan3A_413 : i32 to index
      %get3A_1778 = arith.constant 10 : index
      %get3A_1779 = arith.constant 5 : index
      %get3A_1780 = memref.load %arg3[%get3A_1777, %get3A_1778, %get3A_1779] : memref<12x13x6xf32, #tpu.memory_space<smem>>
      %mul3A_1781 = vector.broadcast %get3A_1780 : f32 to vector<16x1024xf32>
      %mul3A_1782 = arith.mulf %mul3A_1781, %max3A_177 : vector<16x1024xf32>
      %add3A_1783 = arith.addf %add3A_1776, %mul3A_1782 : vector<16x1024xf32>
      %max3A_1784 = arith.constant 0.000000e+00 : f32
      %max3A_1785 = vector.broadcast %max3A_1784 : f32 to vector<16x1024xf32>
      %max3A_1786 = arith.maximumf %add3A_1783, %max3A_1785 : vector<16x1024xf32>
      %slice3A_1787 = vector.extract_strided_slice %max3A_1786 {offsets = [0, 0], sizes = [8, 1024], strides = [1, 1]} : vector<16x1024xf32> to vector<8x1024xf32>
      %slice3A_1788 = vector.extract_strided_slice %max3A_172 {offsets = [0, 0], sizes = [8, 1024], strides = [1, 1]} : vector<16x1024xf32> to vector<8x1024xf32>
      %mul3A_1789 = arith.mulf %slice3A_1787, %slice3A_1788 : vector<8x1024xf32>
      %slice3A_1790 = vector.extract_strided_slice %max3A_1786 {offsets = [8, 0], sizes = [8, 1024], strides = [1, 1]} : vector<16x1024xf32> to vector<8x1024xf32>
      %slice3A_1791 = vector.extract_strided_slice %max3A_172 {offsets = [8, 0], sizes = [8, 1024], strides = [1, 1]} : vector<16x1024xf32> to vector<8x1024xf32>
      %mul3A_1792 = arith.mulf %slice3A_1790, %slice3A_1791 : vector<8x1024xf32>
      %add3A_1793 = arith.addf %mul3A_1789, %mul3A_1792 : vector<8x1024xf32>
      %convert_element_type3A_1794 = arith.truncf %add3A_1793 : vector<8x1024xf32> to vector<8x1024xbf16>
      %swap3A_1795 = arith.index_cast %scan3A_413 : i32 to index
      %swap3A_1796 = arith.constant 480 : index
      %swap3A_1797 = arith.constant 0 : index
      %swap3A_1798 = vector.load %arg8[%swap3A_1795, %swap3A_1796, %swap3A_1797] : memref<12x624x1024xbf16, #tpu.memory_space<vmem>>, vector<1x8x1024xbf16>
      %swap3A_1799 = vector.shape_cast %swap3A_1798 : vector<1x8x1024xbf16> to vector<8x1024xbf16>
      %swap3A_1800 = vector.shape_cast %convert_element_type3A_1794 : vector<8x1024xbf16> to vector<1x8x1024xbf16>
      tpu.vector_store %arg8[%swap3A_1795, %swap3A_1796, %swap3A_1797], %swap3A_1800 {strides = array<i32>} : memref<12x624x1024xbf16, #tpu.memory_space<vmem>>, vector<1x8x1024xbf16>,
      %slice3A_1801 = vector.extract_strided_slice %max3A_1786 {offsets = [0, 0], sizes = [8, 1024], strides = [1, 1]} : vector<16x1024xf32> to vector<8x1024xf32>
      %slice3A_1802 = vector.extract_strided_slice %max3A_173 {offsets = [0, 0], sizes = [8, 1024], strides = [1, 1]} : vector<16x1024xf32> to vector<8x1024xf32>
      %mul3A_1803 = arith.mulf %slice3A_1801, %slice3A_1802 : vector<8x1024xf32>
      %slice3A_1804 = vector.extract_strided_slice %max3A_1786 {offsets = [8, 0], sizes = [8, 1024], strides = [1, 1]} : vector<16x1024xf32> to vector<8x1024xf32>
      %slice3A_1805 = vector.extract_strided_slice %max3A_173 {offsets = [8, 0], sizes = [8, 1024], strides = [1, 1]} : vector<16x1024xf32> to vector<8x1024xf32>
      %mul3A_1806 = arith.mulf %slice3A_1804, %slice3A_1805 : vector<8x1024xf32>
      %add3A_1807 = arith.addf %mul3A_1803, %mul3A_1806 : vector<8x1024xf32>
      %convert_element_type3A_1808 = arith.truncf %add3A_1807 : vector<8x1024xf32> to vector<8x1024xbf16>
      %swap3A_1809 = arith.index_cast %scan3A_413 : i32 to index
      %swap3A_1810 = arith.constant 488 : index
      %swap3A_1811 = arith.constant 0 : index
      %swap3A_1812 = vector.load %arg8[%swap3A_1809, %swap3A_1810, %swap3A_1811] : memref<12x624x1024xbf16, #tpu.memory_space<vmem>>, vector<1x8x1024xbf16>
      %swap3A_1813 = vector.shape_cast %swap3A_1812 : vector<1x8x1024xbf16> to vector<8x1024xbf16>
      %swap3A_1814 = vector.shape_cast %convert_element_type3A_1808 : vector<8x1024xbf16> to vector<1x8x1024xbf16>
      tpu.vector_store %arg8[%swap3A_1809, %swap3A_1810, %swap3A_1811], %swap3A_1814 {strides = array<i32>} : memref<12x624x1024xbf16, #tpu.memory_space<vmem>>, vector<1x8x1024xbf16>,
      %slice3A_1815 = vector.extract_strided_slice %max3A_1786 {offsets = [0, 0], sizes = [8, 1024], strides = [1, 1]} : vector<16x1024xf32> to vector<8x1024xf32>
      %slice3A_1816 = vector.extract_strided_slice %max3A_174 {offsets = [0, 0], sizes = [8, 1024], strides = [1, 1]} : vector<16x1024xf32> to vector<8x1024xf32>
      %mul3A_1817 = arith.mulf %slice3A_1815, %slice3A_1816 : vector<8x1024xf32>
      %slice3A_1818 = vector.extract_strided_slice %max3A_1786 {offsets = [8, 0], sizes = [8, 1024], strides = [1, 1]} : vector<16x1024xf32> to vector<8x1024xf32>
      %slice3A_1819 = vector.extract_strided_slice %max3A_174 {offsets = [8, 0], sizes = [8, 1024], strides = [1, 1]} : vector<16x1024xf32> to vector<8x1024xf32>
      %mul3A_1820 = arith.mulf %slice3A_1818, %slice3A_1819 : vector<8x1024xf32>
      %add3A_1821 = arith.addf %mul3A_1817, %mul3A_1820 : vector<8x1024xf32>
      %convert_element_type3A_1822 = arith.truncf %add3A_1821 : vector<8x1024xf32> to vector<8x1024xbf16>
      %swap3A_1823 = arith.index_cast %scan3A_413 : i32 to index
      %swap3A_1824 = arith.constant 496 : index
      %swap3A_1825 = arith.constant 0 : index
      %swap3A_1826 = vector.load %arg8[%swap3A_1823, %swap3A_1824, %swap3A_1825] : memref<12x624x1024xbf16, #tpu.memory_space<vmem>>, vector<1x8x1024xbf16>
      %swap3A_1827 = vector.shape_cast %swap3A_1826 : vector<1x8x1024xbf16> to vector<8x1024xbf16>
      %swap3A_1828 = vector.shape_cast %convert_element_type3A_1822 : vector<8x1024xbf16> to vector<1x8x1024xbf16>
      tpu.vector_store %arg8[%swap3A_1823, %swap3A_1824, %swap3A_1825], %swap3A_1828 {strides = array<i32>} : memref<12x624x1024xbf16, #tpu.memory_space<vmem>>, vector<1x8x1024xbf16>,
      %slice3A_1829 = vector.extract_strided_slice %max3A_1786 {offsets = [0, 0], sizes = [8, 1024], strides = [1, 1]} : vector<16x1024xf32> to vector<8x1024xf32>
      %slice3A_1830 = vector.extract_strided_slice %max3A_175 {offsets = [0, 0], sizes = [8, 1024], strides = [1, 1]} : vector<16x1024xf32> to vector<8x1024xf32>
      %mul3A_1831 = arith.mulf %slice3A_1829, %slice3A_1830 : vector<8x1024xf32>
      %slice3A_1832 = vector.extract_strided_slice %max3A_1786 {offsets = [8, 0], sizes = [8, 1024], strides = [1, 1]} : vector<16x1024xf32> to vector<8x1024xf32>
      %slice3A_1833 = vector.extract_strided_slice %max3A_175 {offsets = [8, 0], sizes = [8, 1024], strides = [1, 1]} : vector<16x1024xf32> to vector<8x1024xf32>
      %mul3A_1834 = arith.mulf %slice3A_1832, %slice3A_1833 : vector<8x1024xf32>
      %add3A_1835 = arith.addf %mul3A_1831, %mul3A_1834 : vector<8x1024xf32>
      %convert_element_type3A_1836 = arith.truncf %add3A_1835 : vector<8x1024xf32> to vector<8x1024xbf16>
      %swap3A_1837 = arith.index_cast %scan3A_413 : i32 to index
      %swap3A_1838 = arith.constant 504 : index
      %swap3A_1839 = arith.constant 0 : index
      %swap3A_1840 = vector.load %arg8[%swap3A_1837, %swap3A_1838, %swap3A_1839] : memref<12x624x1024xbf16, #tpu.memory_space<vmem>>, vector<1x8x1024xbf16>
      %swap3A_1841 = vector.shape_cast %swap3A_1840 : vector<1x8x1024xbf16> to vector<8x1024xbf16>
      %swap3A_1842 = vector.shape_cast %convert_element_type3A_1836 : vector<8x1024xbf16> to vector<1x8x1024xbf16>
      tpu.vector_store %arg8[%swap3A_1837, %swap3A_1838, %swap3A_1839], %swap3A_1842 {strides = array<i32>} : memref<12x624x1024xbf16, #tpu.memory_space<vmem>>, vector<1x8x1024xbf16>,
      %slice3A_1843 = vector.extract_strided_slice %max3A_1786 {offsets = [0, 0], sizes = [8, 1024], strides = [1, 1]} : vector<16x1024xf32> to vector<8x1024xf32>
      %slice3A_1844 = vector.extract_strided_slice %max3A_176 {offsets = [0, 0], sizes = [8, 1024], strides = [1, 1]} : vector<16x1024xf32> to vector<8x1024xf32>
      %mul3A_1845 = arith.mulf %slice3A_1843, %slice3A_1844 : vector<8x1024xf32>
      %slice3A_1846 = vector.extract_strided_slice %max3A_1786 {offsets = [8, 0], sizes = [8, 1024], strides = [1, 1]} : vector<16x1024xf32> to vector<8x1024xf32>
      %slice3A_1847 = vector.extract_strided_slice %max3A_176 {offsets = [8, 0], sizes = [8, 1024], strides = [1, 1]} : vector<16x1024xf32> to vector<8x1024xf32>
      %mul3A_1848 = arith.mulf %slice3A_1846, %slice3A_1847 : vector<8x1024xf32>
      %add3A_1849 = arith.addf %mul3A_1845, %mul3A_1848 : vector<8x1024xf32>
      %convert_element_type3A_1850 = arith.truncf %add3A_1849 : vector<8x1024xf32> to vector<8x1024xbf16>
      %swap3A_1851 = arith.index_cast %scan3A_413 : i32 to index
      %swap3A_1852 = arith.constant 512 : index
      %swap3A_1853 = arith.constant 0 : index
      %swap3A_1854 = vector.load %arg8[%swap3A_1851, %swap3A_1852, %swap3A_1853] : memref<12x624x1024xbf16, #tpu.memory_space<vmem>>, vector<1x8x1024xbf16>
      %swap3A_1855 = vector.shape_cast %swap3A_1854 : vector<1x8x1024xbf16> to vector<8x1024xbf16>
      %swap3A_1856 = vector.shape_cast %convert_element_type3A_1850 : vector<8x1024xbf16> to vector<1x8x1024xbf16>
      tpu.vector_store %arg8[%swap3A_1851, %swap3A_1852, %swap3A_1853], %swap3A_1856 {strides = array<i32>} : memref<12x624x1024xbf16, #tpu.memory_space<vmem>>, vector<1x8x1024xbf16>,
      %slice3A_1857 = vector.extract_strided_slice %max3A_1786 {offsets = [0, 0], sizes = [8, 1024], strides = [1, 1]} : vector<16x1024xf32> to vector<8x1024xf32>
      %slice3A_1858 = vector.extract_strided_slice %max3A_177 {offsets = [0, 0], sizes = [8, 1024], strides = [1, 1]} : vector<16x1024xf32> to vector<8x1024xf32>
      %mul3A_1859 = arith.mulf %slice3A_1857, %slice3A_1858 : vector<8x1024xf32>
      %slice3A_1860 = vector.extract_strided_slice %max3A_1786 {offsets = [8, 0], sizes = [8, 1024], strides = [1, 1]} : vector<16x1024xf32> to vector<8x1024xf32>
      %slice3A_1861 = vector.extract_strided_slice %max3A_177 {offsets = [8, 0], sizes = [8, 1024], strides = [1, 1]} : vector<16x1024xf32> to vector<8x1024xf32>
      %mul3A_1862 = arith.mulf %slice3A_1860, %slice3A_1861 : vector<8x1024xf32>
      %add3A_1863 = arith.addf %mul3A_1859, %mul3A_1862 : vector<8x1024xf32>
      %convert_element_type3A_1864 = arith.truncf %add3A_1863 : vector<8x1024xf32> to vector<8x1024xbf16>
      %swap3A_1865 = arith.index_cast %scan3A_413 : i32 to index
      %swap3A_1866 = arith.constant 520 : index
      %swap3A_1867 = arith.constant 0 : index
      %swap3A_1868 = vector.load %arg8[%swap3A_1865, %swap3A_1866, %swap3A_1867] : memref<12x624x1024xbf16, #tpu.memory_space<vmem>>, vector<1x8x1024xbf16>
      %swap3A_1869 = vector.shape_cast %swap3A_1868 : vector<1x8x1024xbf16> to vector<8x1024xbf16>
      %swap3A_1870 = vector.shape_cast %convert_element_type3A_1864 : vector<8x1024xbf16> to vector<1x8x1024xbf16>
      tpu.vector_store %arg8[%swap3A_1865, %swap3A_1866, %swap3A_1867], %swap3A_1870 {strides = array<i32>} : memref<12x624x1024xbf16, #tpu.memory_space<vmem>>, vector<1x8x1024xbf16>,
      %get3A_1871 = arith.index_cast %scan3A_413 : i32 to index
      %get3A_1872 = arith.constant 11 : index
      %get3A_1873 = arith.constant 0 : index
      %get3A_1874 = memref.load %arg3[%get3A_1871, %get3A_1872, %get3A_1873] : memref<12x13x6xf32, #tpu.memory_space<smem>>
      %mul3A_1875 = vector.broadcast %get3A_1874 : f32 to vector<16x1024xf32>
      %mul3A_1876 = arith.mulf %mul3A_1875, %max3A_172 : vector<16x1024xf32>
      %get3A_1877 = arith.index_cast %scan3A_413 : i32 to index
      %get3A_1878 = arith.constant 11 : index
      %get3A_1879 = arith.constant 1 : index
      %get3A_1880 = memref.load %arg3[%get3A_1877, %get3A_1878, %get3A_1879] : memref<12x13x6xf32, #tpu.memory_space<smem>>
      %mul3A_1881 = vector.broadcast %get3A_1880 : f32 to vector<16x1024xf32>
      %mul3A_1882 = arith.mulf %mul3A_1881, %max3A_173 : vector<16x1024xf32>
      %add3A_1883 = arith.addf %mul3A_1876, %mul3A_1882 : vector<16x1024xf32>
      %get3A_1884 = arith.index_cast %scan3A_413 : i32 to index
      %get3A_1885 = arith.constant 11 : index
      %get3A_1886 = arith.constant 2 : index
      %get3A_1887 = memref.load %arg3[%get3A_1884, %get3A_1885, %get3A_1886] : memref<12x13x6xf32, #tpu.memory_space<smem>>
      %mul3A_1888 = vector.broadcast %get3A_1887 : f32 to vector<16x1024xf32>
      %mul3A_1889 = arith.mulf %mul3A_1888, %max3A_174 : vector<16x1024xf32>
      %add3A_1890 = arith.addf %add3A_1883, %mul3A_1889 : vector<16x1024xf32>
      %get3A_1891 = arith.index_cast %scan3A_413 : i32 to index
      %get3A_1892 = arith.constant 11 : index
      %get3A_1893 = arith.constant 3 : index
      %get3A_1894 = memref.load %arg3[%get3A_1891, %get3A_1892, %get3A_1893] : memref<12x13x6xf32, #tpu.memory_space<smem>>
      %mul3A_1895 = vector.broadcast %get3A_1894 : f32 to vector<16x1024xf32>
      %mul3A_1896 = arith.mulf %mul3A_1895, %max3A_175 : vector<16x1024xf32>
      %add3A_1897 = arith.addf %add3A_1890, %mul3A_1896 : vector<16x1024xf32>
      %get3A_1898 = arith.index_cast %scan3A_413 : i32 to index
      %get3A_1899 = arith.constant 11 : index
      %get3A_1900 = arith.constant 4 : index
      %get3A_1901 = memref.load %arg3[%get3A_1898, %get3A_1899, %get3A_1900] : memref<12x13x6xf32, #tpu.memory_space<smem>>
      %mul3A_1902 = vector.broadcast %get3A_1901 : f32 to vector<16x1024xf32>
      %mul3A_1903 = arith.mulf %mul3A_1902, %max3A_176 : vector<16x1024xf32>
      %add3A_1904 = arith.addf %add3A_1897, %mul3A_1903 : vector<16x1024xf32>
      %get3A_1905 = arith.index_cast %scan3A_413 : i32 to index
      %get3A_1906 = arith.constant 11 : index
      %get3A_1907 = arith.constant 5 : index
      %get3A_1908 = memref.load %arg3[%get3A_1905, %get3A_1906, %get3A_1907] : memref<12x13x6xf32, #tpu.memory_space<smem>>
      %mul3A_1909 = vector.broadcast %get3A_1908 : f32 to vector<16x1024xf32>
      %mul3A_1910 = arith.mulf %mul3A_1909, %max3A_177 : vector<16x1024xf32>
      %add3A_1911 = arith.addf %add3A_1904, %mul3A_1910 : vector<16x1024xf32>
      %max3A_1912 = arith.constant 0.000000e+00 : f32
      %max3A_1913 = vector.broadcast %max3A_1912 : f32 to vector<16x1024xf32>
      %max3A_1914 = arith.maximumf %add3A_1911, %max3A_1913 : vector<16x1024xf32>
      %slice3A_1915 = vector.extract_strided_slice %max3A_1914 {offsets = [0, 0], sizes = [8, 1024], strides = [1, 1]} : vector<16x1024xf32> to vector<8x1024xf32>
      %slice3A_1916 = vector.extract_strided_slice %max3A_172 {offsets = [0, 0], sizes = [8, 1024], strides = [1, 1]} : vector<16x1024xf32> to vector<8x1024xf32>
      %mul3A_1917 = arith.mulf %slice3A_1915, %slice3A_1916 : vector<8x1024xf32>
      %slice3A_1918 = vector.extract_strided_slice %max3A_1914 {offsets = [8, 0], sizes = [8, 1024], strides = [1, 1]} : vector<16x1024xf32> to vector<8x1024xf32>
      %slice3A_1919 = vector.extract_strided_slice %max3A_172 {offsets = [8, 0], sizes = [8, 1024], strides = [1, 1]} : vector<16x1024xf32> to vector<8x1024xf32>
      %mul3A_1920 = arith.mulf %slice3A_1918, %slice3A_1919 : vector<8x1024xf32>
      %add3A_1921 = arith.addf %mul3A_1917, %mul3A_1920 : vector<8x1024xf32>
      %convert_element_type3A_1922 = arith.truncf %add3A_1921 : vector<8x1024xf32> to vector<8x1024xbf16>
      %swap3A_1923 = arith.index_cast %scan3A_413 : i32 to index
      %swap3A_1924 = arith.constant 528 : index
      %swap3A_1925 = arith.constant 0 : index
      %swap3A_1926 = vector.load %arg8[%swap3A_1923, %swap3A_1924, %swap3A_1925] : memref<12x624x1024xbf16, #tpu.memory_space<vmem>>, vector<1x8x1024xbf16>
      %swap3A_1927 = vector.shape_cast %swap3A_1926 : vector<1x8x1024xbf16> to vector<8x1024xbf16>
      %swap3A_1928 = vector.shape_cast %convert_element_type3A_1922 : vector<8x1024xbf16> to vector<1x8x1024xbf16>
      tpu.vector_store %arg8[%swap3A_1923, %swap3A_1924, %swap3A_1925], %swap3A_1928 {strides = array<i32>} : memref<12x624x1024xbf16, #tpu.memory_space<vmem>>, vector<1x8x1024xbf16>,
      %slice3A_1929 = vector.extract_strided_slice %max3A_1914 {offsets = [0, 0], sizes = [8, 1024], strides = [1, 1]} : vector<16x1024xf32> to vector<8x1024xf32>
      %slice3A_1930 = vector.extract_strided_slice %max3A_173 {offsets = [0, 0], sizes = [8, 1024], strides = [1, 1]} : vector<16x1024xf32> to vector<8x1024xf32>
      %mul3A_1931 = arith.mulf %slice3A_1929, %slice3A_1930 : vector<8x1024xf32>
      %slice3A_1932 = vector.extract_strided_slice %max3A_1914 {offsets = [8, 0], sizes = [8, 1024], strides = [1, 1]} : vector<16x1024xf32> to vector<8x1024xf32>
      %slice3A_1933 = vector.extract_strided_slice %max3A_173 {offsets = [8, 0], sizes = [8, 1024], strides = [1, 1]} : vector<16x1024xf32> to vector<8x1024xf32>
      %mul3A_1934 = arith.mulf %slice3A_1932, %slice3A_1933 : vector<8x1024xf32>
      %add3A_1935 = arith.addf %mul3A_1931, %mul3A_1934 : vector<8x1024xf32>
      %convert_element_type3A_1936 = arith.truncf %add3A_1935 : vector<8x1024xf32> to vector<8x1024xbf16>
      %swap3A_1937 = arith.index_cast %scan3A_413 : i32 to index
      %swap3A_1938 = arith.constant 536 : index
      %swap3A_1939 = arith.constant 0 : index
      %swap3A_1940 = vector.load %arg8[%swap3A_1937, %swap3A_1938, %swap3A_1939] : memref<12x624x1024xbf16, #tpu.memory_space<vmem>>, vector<1x8x1024xbf16>
      %swap3A_1941 = vector.shape_cast %swap3A_1940 : vector<1x8x1024xbf16> to vector<8x1024xbf16>
      %swap3A_1942 = vector.shape_cast %convert_element_type3A_1936 : vector<8x1024xbf16> to vector<1x8x1024xbf16>
      tpu.vector_store %arg8[%swap3A_1937, %swap3A_1938, %swap3A_1939], %swap3A_1942 {strides = array<i32>} : memref<12x624x1024xbf16, #tpu.memory_space<vmem>>, vector<1x8x1024xbf16>,
      %slice3A_1943 = vector.extract_strided_slice %max3A_1914 {offsets = [0, 0], sizes = [8, 1024], strides = [1, 1]} : vector<16x1024xf32> to vector<8x1024xf32>
      %slice3A_1944 = vector.extract_strided_slice %max3A_174 {offsets = [0, 0], sizes = [8, 1024], strides = [1, 1]} : vector<16x1024xf32> to vector<8x1024xf32>
      %mul3A_1945 = arith.mulf %slice3A_1943, %slice3A_1944 : vector<8x1024xf32>
      %slice3A_1946 = vector.extract_strided_slice %max3A_1914 {offsets = [8, 0], sizes = [8, 1024], strides = [1, 1]} : vector<16x1024xf32> to vector<8x1024xf32>
      %slice3A_1947 = vector.extract_strided_slice %max3A_174 {offsets = [8, 0], sizes = [8, 1024], strides = [1, 1]} : vector<16x1024xf32> to vector<8x1024xf32>
      %mul3A_1948 = arith.mulf %slice3A_1946, %slice3A_1947 : vector<8x1024xf32>
      %add3A_1949 = arith.addf %mul3A_1945, %mul3A_1948 : vector<8x1024xf32>
      %convert_element_type3A_1950 = arith.truncf %add3A_1949 : vector<8x1024xf32> to vector<8x1024xbf16>
      %swap3A_1951 = arith.index_cast %scan3A_413 : i32 to index
      %swap3A_1952 = arith.constant 544 : index
      %swap3A_1953 = arith.constant 0 : index
      %swap3A_1954 = vector.load %arg8[%swap3A_1951, %swap3A_1952, %swap3A_1953] : memref<12x624x1024xbf16, #tpu.memory_space<vmem>>, vector<1x8x1024xbf16>
      %swap3A_1955 = vector.shape_cast %swap3A_1954 : vector<1x8x1024xbf16> to vector<8x1024xbf16>
      %swap3A_1956 = vector.shape_cast %convert_element_type3A_1950 : vector<8x1024xbf16> to vector<1x8x1024xbf16>
      tpu.vector_store %arg8[%swap3A_1951, %swap3A_1952, %swap3A_1953], %swap3A_1956 {strides = array<i32>} : memref<12x624x1024xbf16, #tpu.memory_space<vmem>>, vector<1x8x1024xbf16>,
      %slice3A_1957 = vector.extract_strided_slice %max3A_1914 {offsets = [0, 0], sizes = [8, 1024], strides = [1, 1]} : vector<16x1024xf32> to vector<8x1024xf32>
      %slice3A_1958 = vector.extract_strided_slice %max3A_175 {offsets = [0, 0], sizes = [8, 1024], strides = [1, 1]} : vector<16x1024xf32> to vector<8x1024xf32>
      %mul3A_1959 = arith.mulf %slice3A_1957, %slice3A_1958 : vector<8x1024xf32>
      %slice3A_1960 = vector.extract_strided_slice %max3A_1914 {offsets = [8, 0], sizes = [8, 1024], strides = [1, 1]} : vector<16x1024xf32> to vector<8x1024xf32>
      %slice3A_1961 = vector.extract_strided_slice %max3A_175 {offsets = [8, 0], sizes = [8, 1024], strides = [1, 1]} : vector<16x1024xf32> to vector<8x1024xf32>
      %mul3A_1962 = arith.mulf %slice3A_1960, %slice3A_1961 : vector<8x1024xf32>
      %add3A_1963 = arith.addf %mul3A_1959, %mul3A_1962 : vector<8x1024xf32>
      %convert_element_type3A_1964 = arith.truncf %add3A_1963 : vector<8x1024xf32> to vector<8x1024xbf16>
      %swap3A_1965 = arith.index_cast %scan3A_413 : i32 to index
      %swap3A_1966 = arith.constant 552 : index
      %swap3A_1967 = arith.constant 0 : index
      %swap3A_1968 = vector.load %arg8[%swap3A_1965, %swap3A_1966, %swap3A_1967] : memref<12x624x1024xbf16, #tpu.memory_space<vmem>>, vector<1x8x1024xbf16>
      %swap3A_1969 = vector.shape_cast %swap3A_1968 : vector<1x8x1024xbf16> to vector<8x1024xbf16>
      %swap3A_1970 = vector.shape_cast %convert_element_type3A_1964 : vector<8x1024xbf16> to vector<1x8x1024xbf16>
      tpu.vector_store %arg8[%swap3A_1965, %swap3A_1966, %swap3A_1967], %swap3A_1970 {strides = array<i32>} : memref<12x624x1024xbf16, #tpu.memory_space<vmem>>, vector<1x8x1024xbf16>,
      %slice3A_1971 = vector.extract_strided_slice %max3A_1914 {offsets = [0, 0], sizes = [8, 1024], strides = [1, 1]} : vector<16x1024xf32> to vector<8x1024xf32>
      %slice3A_1972 = vector.extract_strided_slice %max3A_176 {offsets = [0, 0], sizes = [8, 1024], strides = [1, 1]} : vector<16x1024xf32> to vector<8x1024xf32>
      %mul3A_1973 = arith.mulf %slice3A_1971, %slice3A_1972 : vector<8x1024xf32>
      %slice3A_1974 = vector.extract_strided_slice %max3A_1914 {offsets = [8, 0], sizes = [8, 1024], strides = [1, 1]} : vector<16x1024xf32> to vector<8x1024xf32>
      %slice3A_1975 = vector.extract_strided_slice %max3A_176 {offsets = [8, 0], sizes = [8, 1024], strides = [1, 1]} : vector<16x1024xf32> to vector<8x1024xf32>
      %mul3A_1976 = arith.mulf %slice3A_1974, %slice3A_1975 : vector<8x1024xf32>
      %add3A_1977 = arith.addf %mul3A_1973, %mul3A_1976 : vector<8x1024xf32>
      %convert_element_type3A_1978 = arith.truncf %add3A_1977 : vector<8x1024xf32> to vector<8x1024xbf16>
      %swap3A_1979 = arith.index_cast %scan3A_413 : i32 to index
      %swap3A_1980 = arith.constant 560 : index
      %swap3A_1981 = arith.constant 0 : index
      %swap3A_1982 = vector.load %arg8[%swap3A_1979, %swap3A_1980, %swap3A_1981] : memref<12x624x1024xbf16, #tpu.memory_space<vmem>>, vector<1x8x1024xbf16>
      %swap3A_1983 = vector.shape_cast %swap3A_1982 : vector<1x8x1024xbf16> to vector<8x1024xbf16>
      %swap3A_1984 = vector.shape_cast %convert_element_type3A_1978 : vector<8x1024xbf16> to vector<1x8x1024xbf16>
      tpu.vector_store %arg8[%swap3A_1979, %swap3A_1980, %swap3A_1981], %swap3A_1984 {strides = array<i32>} : memref<12x624x1024xbf16, #tpu.memory_space<vmem>>, vector<1x8x1024xbf16>,
      %slice3A_1985 = vector.extract_strided_slice %max3A_1914 {offsets = [0, 0], sizes = [8, 1024], strides = [1, 1]} : vector<16x1024xf32> to vector<8x1024xf32>
      %slice3A_1986 = vector.extract_strided_slice %max3A_177 {offsets = [0, 0], sizes = [8, 1024], strides = [1, 1]} : vector<16x1024xf32> to vector<8x1024xf32>
      %mul3A_1987 = arith.mulf %slice3A_1985, %slice3A_1986 : vector<8x1024xf32>
      %slice3A_1988 = vector.extract_strided_slice %max3A_1914 {offsets = [8, 0], sizes = [8, 1024], strides = [1, 1]} : vector<16x1024xf32> to vector<8x1024xf32>
      %slice3A_1989 = vector.extract_strided_slice %max3A_177 {offsets = [8, 0], sizes = [8, 1024], strides = [1, 1]} : vector<16x1024xf32> to vector<8x1024xf32>
      %mul3A_1990 = arith.mulf %slice3A_1988, %slice3A_1989 : vector<8x1024xf32>
      %add3A_1991 = arith.addf %mul3A_1987, %mul3A_1990 : vector<8x1024xf32>
      %convert_element_type3A_1992 = arith.truncf %add3A_1991 : vector<8x1024xf32> to vector<8x1024xbf16>
      %swap3A_1993 = arith.index_cast %scan3A_413 : i32 to index
      %swap3A_1994 = arith.constant 568 : index
      %swap3A_1995 = arith.constant 0 : index
      %swap3A_1996 = vector.load %arg8[%swap3A_1993, %swap3A_1994, %swap3A_1995] : memref<12x624x1024xbf16, #tpu.memory_space<vmem>>, vector<1x8x1024xbf16>
      %swap3A_1997 = vector.shape_cast %swap3A_1996 : vector<1x8x1024xbf16> to vector<8x1024xbf16>
      %swap3A_1998 = vector.shape_cast %convert_element_type3A_1992 : vector<8x1024xbf16> to vector<1x8x1024xbf16>
      tpu.vector_store %arg8[%swap3A_1993, %swap3A_1994, %swap3A_1995], %swap3A_1998 {strides = array<i32>} : memref<12x624x1024xbf16, #tpu.memory_space<vmem>>, vector<1x8x1024xbf16>,
    }
    %scan3A_227 = arith.constant 12 : i32
    %get3A_228 = arith.constant 0 : index
    %get3A_229 = arith.constant 0 : index
    %get3A_230 = arith.constant 0 : index
    %get3A_231 = vector.load %arg6[%get3A_228, %get3A_229, %get3A_230] : memref<12x624x128xbf16, #tpu.memory_space<vmem>>, vector<1x624x128xbf16>
    %get3A_232 = vector.shape_cast %get3A_231 : vector<1x624x128xbf16> to vector<624x128xbf16>
    %get3A_233 = arith.constant 0 : index
    %get3A_234 = arith.constant 0 : index
    %get3A_235 = arith.constant 0 : index
    %get3A_236 = vector.load %arg8[%get3A_233, %get3A_234, %get3A_235] : memref<12x624x1024xbf16, #tpu.memory_space<vmem>>, vector<1x624x1024xbf16>
    %get3A_237 = vector.shape_cast %get3A_236 : vector<1x624x1024xbf16> to vector<624x1024xbf16>
    %dot_general3A = arith.constant dense<0.000000e+00> : vector<128x1024xf32>
    %dot_general3A_238 = tpu.matmul %get3A_232, %get3A_237, %dot_general3A {dimension_numbers = #tpu.dot_dimension_numbers<[0], [0], [1], [1], [0, 1, 1, 1], [], []>, transpose_lhs_hint = false} : vector<624x128xbf16>, vector<624x1024xbf16>, vector<128x1024xf32> -> vector<128x1024xf32>
    %get3A_239 = arith.constant 1 : index
    %get3A_240 = arith.constant 0 : index
    %get3A_241 = arith.constant 0 : index
    %get3A_242 = vector.load %arg6[%get3A_239, %get3A_240, %get3A_241] : memref<12x624x128xbf16, #tpu.memory_space<vmem>>, vector<1x624x128xbf16>
    %get3A_243 = vector.shape_cast %get3A_242 : vector<1x624x128xbf16> to vector<624x128xbf16>
    %get3A_244 = arith.constant 1 : index
    %get3A_245 = arith.constant 0 : index
    %get3A_246 = arith.constant 0 : index
    %get3A_247 = vector.load %arg8[%get3A_244, %get3A_245, %get3A_246] : memref<12x624x1024xbf16, #tpu.memory_space<vmem>>, vector<1x624x1024xbf16>
    %get3A_248 = vector.shape_cast %get3A_247 : vector<1x624x1024xbf16> to vector<624x1024xbf16>
    %dot_general3A_249 = arith.constant dense<0.000000e+00> : vector<128x1024xf32>
    %dot_general3A_250 = tpu.matmul %get3A_243, %get3A_248, %dot_general3A_249 {dimension_numbers = #tpu.dot_dimension_numbers<[0], [0], [1], [1], [0, 1, 1, 1], [], []>, transpose_lhs_hint = false} : vector<624x128xbf16>, vector<624x1024xbf16>, vector<128x1024xf32> -> vector<128x1024xf32>
    %max3A_251 = arith.maximumf %dot_general3A_238, %dot_general3A_250 : vector<128x1024xf32>
    %swap3A_252 = arith.constant 0 : index
    %swap3A_253 = arith.constant 0 : index
    %swap3A_254 = arith.constant 0 : index
    %swap3A_255 = vector.load %arg7[%swap3A_252, %swap3A_253, %swap3A_254] : memref<6x128x1024xf32, #tpu.memory_space<vmem>>, vector<1x128x1024xf32>
    %swap3A_256 = vector.shape_cast %swap3A_255 : vector<1x128x1024xf32> to vector<128x1024xf32>
    %swap3A_257 = vector.shape_cast %max3A_251 : vector<128x1024xf32> to vector<1x128x1024xf32>
    tpu.vector_store %arg7[%swap3A_252, %swap3A_253, %swap3A_254], %swap3A_257 {strides = array<i32>} : memref<6x128x1024xf32, #tpu.memory_space<vmem>>, vector<1x128x1024xf32>,
    %get3A_258 = arith.constant 6 : index
    %get3A_259 = arith.constant 0 : index
    %get3A_260 = arith.constant 0 : index
    %get3A_261 = vector.load %arg6[%get3A_258, %get3A_259, %get3A_260] : memref<12x624x128xbf16, #tpu.memory_space<vmem>>, vector<1x624x128xbf16>
    %get3A_262 = vector.shape_cast %get3A_261 : vector<1x624x128xbf16> to vector<624x128xbf16>
    %get3A_263 = arith.constant 6 : index
    %get3A_264 = arith.constant 0 : index
    %get3A_265 = arith.constant 0 : index
    %get3A_266 = vector.load %arg8[%get3A_263, %get3A_264, %get3A_265] : memref<12x624x1024xbf16, #tpu.memory_space<vmem>>, vector<1x624x1024xbf16>
    %get3A_267 = vector.shape_cast %get3A_266 : vector<1x624x1024xbf16> to vector<624x1024xbf16>
    %dot_general3A_268 = arith.constant dense<0.000000e+00> : vector<128x1024xf32>
    %dot_general3A_269 = tpu.matmul %get3A_262, %get3A_267, %dot_general3A_268 {dimension_numbers = #tpu.dot_dimension_numbers<[0], [0], [1], [1], [0, 1, 1, 1], [], []>, transpose_lhs_hint = false} : vector<624x128xbf16>, vector<624x1024xbf16>, vector<128x1024xf32> -> vector<128x1024xf32>
    %get3A_270 = arith.constant 7 : index
    %get3A_271 = arith.constant 0 : index
    %get3A_272 = arith.constant 0 : index
    %get3A_273 = vector.load %arg6[%get3A_270, %get3A_271, %get3A_272] : memref<12x624x128xbf16, #tpu.memory_space<vmem>>, vector<1x624x128xbf16>
    %get3A_274 = vector.shape_cast %get3A_273 : vector<1x624x128xbf16> to vector<624x128xbf16>
    %get3A_275 = arith.constant 7 : index
    %get3A_276 = arith.constant 0 : index
    %get3A_277 = arith.constant 0 : index
    %get3A_278 = vector.load %arg8[%get3A_275, %get3A_276, %get3A_277] : memref<12x624x1024xbf16, #tpu.memory_space<vmem>>, vector<1x624x1024xbf16>
    %get3A_279 = vector.shape_cast %get3A_278 : vector<1x624x1024xbf16> to vector<624x1024xbf16>
    %dot_general3A_280 = arith.constant dense<0.000000e+00> : vector<128x1024xf32>
    %dot_general3A_281 = tpu.matmul %get3A_274, %get3A_279, %dot_general3A_280 {dimension_numbers = #tpu.dot_dimension_numbers<[0], [0], [1], [1], [0, 1, 1, 1], [], []>, transpose_lhs_hint = false} : vector<624x128xbf16>, vector<624x1024xbf16>, vector<128x1024xf32> -> vector<128x1024xf32>
    %max3A_282 = arith.maximumf %dot_general3A_269, %dot_general3A_281 : vector<128x1024xf32>
    %swap3A_283 = arith.constant 1 : index
    %swap3A_284 = arith.constant 0 : index
    %swap3A_285 = arith.constant 0 : index
    %swap3A_286 = vector.load %arg7[%swap3A_283, %swap3A_284, %swap3A_285] : memref<6x128x1024xf32, #tpu.memory_space<vmem>>, vector<1x128x1024xf32>
    %swap3A_287 = vector.shape_cast %swap3A_286 : vector<1x128x1024xf32> to vector<128x1024xf32>
    %swap3A_288 = vector.shape_cast %max3A_282 : vector<128x1024xf32> to vector<1x128x1024xf32>
    tpu.vector_store %arg7[%swap3A_283, %swap3A_284, %swap3A_285], %swap3A_288 {strides = array<i32>} : memref<6x128x1024xf32, #tpu.memory_space<vmem>>, vector<1x128x1024xf32>,
    %get3A_289 = arith.constant 2 : index
    %get3A_290 = arith.constant 0 : index
    %get3A_291 = arith.constant 0 : index
    %get3A_292 = vector.load %arg6[%get3A_289, %get3A_290, %get3A_291] : memref<12x624x128xbf16, #tpu.memory_space<vmem>>, vector<1x624x128xbf16>
    %get3A_293 = vector.shape_cast %get3A_292 : vector<1x624x128xbf16> to vector<624x128xbf16>
    %get3A_294 = arith.constant 2 : index
    %get3A_295 = arith.constant 0 : index
    %get3A_296 = arith.constant 0 : index
    %get3A_297 = vector.load %arg8[%get3A_294, %get3A_295, %get3A_296] : memref<12x624x1024xbf16, #tpu.memory_space<vmem>>, vector<1x624x1024xbf16>
    %get3A_298 = vector.shape_cast %get3A_297 : vector<1x624x1024xbf16> to vector<624x1024xbf16>
    %dot_general3A_299 = arith.constant dense<0.000000e+00> : vector<128x1024xf32>
    %dot_general3A_300 = tpu.matmul %get3A_293, %get3A_298, %dot_general3A_299 {dimension_numbers = #tpu.dot_dimension_numbers<[0], [0], [1], [1], [0, 1, 1, 1], [], []>, transpose_lhs_hint = false} : vector<624x128xbf16>, vector<624x1024xbf16>, vector<128x1024xf32> -> vector<128x1024xf32>
    %get3A_301 = arith.constant 11 : index
    %get3A_302 = arith.constant 0 : index
    %get3A_303 = arith.constant 0 : index
    %get3A_304 = vector.load %arg6[%get3A_301, %get3A_302, %get3A_303] : memref<12x624x128xbf16, #tpu.memory_space<vmem>>, vector<1x624x128xbf16>
    %get3A_305 = vector.shape_cast %get3A_304 : vector<1x624x128xbf16> to vector<624x128xbf16>
    %get3A_306 = arith.constant 11 : index
    %get3A_307 = arith.constant 0 : index
    %get3A_308 = arith.constant 0 : index
    %get3A_309 = vector.load %arg8[%get3A_306, %get3A_307, %get3A_308] : memref<12x624x1024xbf16, #tpu.memory_space<vmem>>, vector<1x624x1024xbf16>
    %get3A_310 = vector.shape_cast %get3A_309 : vector<1x624x1024xbf16> to vector<624x1024xbf16>
    %dot_general3A_311 = arith.constant dense<0.000000e+00> : vector<128x1024xf32>
    %dot_general3A_312 = tpu.matmul %get3A_305, %get3A_310, %dot_general3A_311 {dimension_numbers = #tpu.dot_dimension_numbers<[0], [0], [1], [1], [0, 1, 1, 1], [], []>, transpose_lhs_hint = false} : vector<624x128xbf16>, vector<624x1024xbf16>, vector<128x1024xf32> -> vector<128x1024xf32>
    %max3A_313 = arith.maximumf %dot_general3A_300, %dot_general3A_312 : vector<128x1024xf32>
    %swap3A_314 = arith.constant 2 : index
    %swap3A_315 = arith.constant 0 : index
    %swap3A_316 = arith.constant 0 : index
    %swap3A_317 = vector.load %arg7[%swap3A_314, %swap3A_315, %swap3A_316] : memref<6x128x1024xf32, #tpu.memory_space<vmem>>, vector<1x128x1024xf32>
    %swap3A_318 = vector.shape_cast %swap3A_317 : vector<1x128x1024xf32> to vector<128x1024xf32>
    %swap3A_319 = vector.shape_cast %max3A_313 : vector<128x1024xf32> to vector<1x128x1024xf32>
    tpu.vector_store %arg7[%swap3A_314, %swap3A_315, %swap3A_316], %swap3A_319 {strides = array<i32>} : memref<6x128x1024xf32, #tpu.memory_space<vmem>>, vector<1x128x1024xf32>,
    %get3A_320 = arith.constant 4 : index
    %get3A_321 = arith.constant 0 : index
    %get3A_322 = arith.constant 0 : index
    %get3A_323 = vector.load %arg6[%get3A_320, %get3A_321, %get3A_322] : memref<12x624x128xbf16, #tpu.memory_space<vmem>>, vector<1x624x128xbf16>
    %get3A_324 = vector.shape_cast %get3A_323 : vector<1x624x128xbf16> to vector<624x128xbf16>
    %get3A_325 = arith.constant 4 : index
    %get3A_326 = arith.constant 0 : index
    %get3A_327 = arith.constant 0 : index
    %get3A_328 = vector.load %arg8[%get3A_325, %get3A_326, %get3A_327] : memref<12x624x1024xbf16, #tpu.memory_space<vmem>>, vector<1x624x1024xbf16>
    %get3A_329 = vector.shape_cast %get3A_328 : vector<1x624x1024xbf16> to vector<624x1024xbf16>
    %dot_general3A_330 = arith.constant dense<0.000000e+00> : vector<128x1024xf32>
    %dot_general3A_331 = tpu.matmul %get3A_324, %get3A_329, %dot_general3A_330 {dimension_numbers = #tpu.dot_dimension_numbers<[0], [0], [1], [1], [0, 1, 1, 1], [], []>, transpose_lhs_hint = false} : vector<624x128xbf16>, vector<624x1024xbf16>, vector<128x1024xf32> -> vector<128x1024xf32>
    %get3A_332 = arith.constant 9 : index
    %get3A_333 = arith.constant 0 : index
    %get3A_334 = arith.constant 0 : index
    %get3A_335 = vector.load %arg6[%get3A_332, %get3A_333, %get3A_334] : memref<12x624x128xbf16, #tpu.memory_space<vmem>>, vector<1x624x128xbf16>
    %get3A_336 = vector.shape_cast %get3A_335 : vector<1x624x128xbf16> to vector<624x128xbf16>
    %get3A_337 = arith.constant 9 : index
    %get3A_338 = arith.constant 0 : index
    %get3A_339 = arith.constant 0 : index
    %get3A_340 = vector.load %arg8[%get3A_337, %get3A_338, %get3A_339] : memref<12x624x1024xbf16, #tpu.memory_space<vmem>>, vector<1x624x1024xbf16>
    %get3A_341 = vector.shape_cast %get3A_340 : vector<1x624x1024xbf16> to vector<624x1024xbf16>
    %dot_general3A_342 = arith.constant dense<0.000000e+00> : vector<128x1024xf32>
    %dot_general3A_343 = tpu.matmul %get3A_336, %get3A_341, %dot_general3A_342 {dimension_numbers = #tpu.dot_dimension_numbers<[0], [0], [1], [1], [0, 1, 1, 1], [], []>, transpose_lhs_hint = false} : vector<624x128xbf16>, vector<624x1024xbf16>, vector<128x1024xf32> -> vector<128x1024xf32>
    %max3A_344 = arith.maximumf %dot_general3A_331, %dot_general3A_343 : vector<128x1024xf32>
    %swap3A_345 = arith.constant 3 : index
    %swap3A_346 = arith.constant 0 : index
    %swap3A_347 = arith.constant 0 : index
    %swap3A_348 = vector.load %arg7[%swap3A_345, %swap3A_346, %swap3A_347] : memref<6x128x1024xf32, #tpu.memory_space<vmem>>, vector<1x128x1024xf32>
    %swap3A_349 = vector.shape_cast %swap3A_348 : vector<1x128x1024xf32> to vector<128x1024xf32>
    %swap3A_350 = vector.shape_cast %max3A_344 : vector<128x1024xf32> to vector<1x128x1024xf32>
    tpu.vector_store %arg7[%swap3A_345, %swap3A_346, %swap3A_347], %swap3A_350 {strides = array<i32>} : memref<6x128x1024xf32, #tpu.memory_space<vmem>>, vector<1x128x1024xf32>,
    %get3A_351 = arith.constant 5 : index
    %get3A_352 = arith.constant 0 : index
    %get3A_353 = arith.constant 0 : index
    %get3A_354 = vector.load %arg6[%get3A_351, %get3A_352, %get3A_353] : memref<12x624x128xbf16, #tpu.memory_space<vmem>>, vector<1x624x128xbf16>
    %get3A_355 = vector.shape_cast %get3A_354 : vector<1x624x128xbf16> to vector<624x128xbf16>
    %get3A_356 = arith.constant 5 : index
    %get3A_357 = arith.constant 0 : index
    %get3A_358 = arith.constant 0 : index
    %get3A_359 = vector.load %arg8[%get3A_356, %get3A_357, %get3A_358] : memref<12x624x1024xbf16, #tpu.memory_space<vmem>>, vector<1x624x1024xbf16>
    %get3A_360 = vector.shape_cast %get3A_359 : vector<1x624x1024xbf16> to vector<624x1024xbf16>
    %dot_general3A_361 = arith.constant dense<0.000000e+00> : vector<128x1024xf32>
    %dot_general3A_362 = tpu.matmul %get3A_355, %get3A_360, %dot_general3A_361 {dimension_numbers = #tpu.dot_dimension_numbers<[0], [0], [1], [1], [0, 1, 1, 1], [], []>, transpose_lhs_hint = false} : vector<624x128xbf16>, vector<624x1024xbf16>, vector<128x1024xf32> -> vector<128x1024xf32>
    %get3A_363 = arith.constant 8 : index
    %get3A_364 = arith.constant 0 : index
    %get3A_365 = arith.constant 0 : index
    %get3A_366 = vector.load %arg6[%get3A_363, %get3A_364, %get3A_365] : memref<12x624x128xbf16, #tpu.memory_space<vmem>>, vector<1x624x128xbf16>
    %get3A_367 = vector.shape_cast %get3A_366 : vector<1x624x128xbf16> to vector<624x128xbf16>
    %get3A_368 = arith.constant 8 : index
    %get3A_369 = arith.constant 0 : index
    %get3A_370 = arith.constant 0 : index
    %get3A_371 = vector.load %arg8[%get3A_368, %get3A_369, %get3A_370] : memref<12x624x1024xbf16, #tpu.memory_space<vmem>>, vector<1x624x1024xbf16>
    %get3A_372 = vector.shape_cast %get3A_371 : vector<1x624x1024xbf16> to vector<624x1024xbf16>
    %dot_general3A_373 = arith.constant dense<0.000000e+00> : vector<128x1024xf32>
    %dot_general3A_374 = tpu.matmul %get3A_367, %get3A_372, %dot_general3A_373 {dimension_numbers = #tpu.dot_dimension_numbers<[0], [0], [1], [1], [0, 1, 1, 1], [], []>, transpose_lhs_hint = false} : vector<624x128xbf16>, vector<624x1024xbf16>, vector<128x1024xf32> -> vector<128x1024xf32>
    %max3A_375 = arith.maximumf %dot_general3A_362, %dot_general3A_374 : vector<128x1024xf32>
    %swap3A_376 = arith.constant 4 : index
    %swap3A_377 = arith.constant 0 : index
    %swap3A_378 = arith.constant 0 : index
    %swap3A_379 = vector.load %arg7[%swap3A_376, %swap3A_377, %swap3A_378] : memref<6x128x1024xf32, #tpu.memory_space<vmem>>, vector<1x128x1024xf32>
    %swap3A_380 = vector.shape_cast %swap3A_379 : vector<1x128x1024xf32> to vector<128x1024xf32>
    %swap3A_381 = vector.shape_cast %max3A_375 : vector<128x1024xf32> to vector<1x128x1024xf32>
    tpu.vector_store %arg7[%swap3A_376, %swap3A_377, %swap3A_378], %swap3A_381 {strides = array<i32>} : memref<6x128x1024xf32, #tpu.memory_space<vmem>>, vector<1x128x1024xf32>,
    %get3A_382 = arith.constant 3 : index
    %get3A_383 = arith.constant 0 : index
    %get3A_384 = arith.constant 0 : index
    %get3A_385 = vector.load %arg6[%get3A_382, %get3A_383, %get3A_384] : memref<12x624x128xbf16, #tpu.memory_space<vmem>>, vector<1x624x128xbf16>
    %get3A_386 = vector.shape_cast %get3A_385 : vector<1x624x128xbf16> to vector<624x128xbf16>
    %get3A_387 = arith.constant 3 : index
    %get3A_388 = arith.constant 0 : index
    %get3A_389 = arith.constant 0 : index
    %get3A_390 = vector.load %arg8[%get3A_387, %get3A_388, %get3A_389] : memref<12x624x1024xbf16, #tpu.memory_space<vmem>>, vector<1x624x1024xbf16>
    %get3A_391 = vector.shape_cast %get3A_390 : vector<1x624x1024xbf16> to vector<624x1024xbf16>
    %dot_general3A_392 = arith.constant dense<0.000000e+00> : vector<128x1024xf32>
    %dot_general3A_393 = tpu.matmul %get3A_386, %get3A_391, %dot_general3A_392 {dimension_numbers = #tpu.dot_dimension_numbers<[0], [0], [1], [1], [0, 1, 1, 1], [], []>, transpose_lhs_hint = false} : vector<624x128xbf16>, vector<624x1024xbf16>, vector<128x1024xf32> -> vector<128x1024xf32>
    %get3A_394 = arith.constant 10 : index
    %get3A_395 = arith.constant 0 : index
    %get3A_396 = arith.constant 0 : index
    %get3A_397 = vector.load %arg6[%get3A_394, %get3A_395, %get3A_396] : memref<12x624x128xbf16, #tpu.memory_space<vmem>>, vector<1x624x128xbf16>
    %get3A_398 = vector.shape_cast %get3A_397 : vector<1x624x128xbf16> to vector<624x128xbf16>
    %get3A_399 = arith.constant 10 : index
    %get3A_400 = arith.constant 0 : index
    %get3A_401 = arith.constant 0 : index
    %get3A_402 = vector.load %arg8[%get3A_399, %get3A_400, %get3A_401] : memref<12x624x1024xbf16, #tpu.memory_space<vmem>>, vector<1x624x1024xbf16>
    %get3A_403 = vector.shape_cast %get3A_402 : vector<1x624x1024xbf16> to vector<624x1024xbf16>
    %dot_general3A_404 = arith.constant dense<0.000000e+00> : vector<128x1024xf32>
    %dot_general3A_405 = tpu.matmul %get3A_398, %get3A_403, %dot_general3A_404 {dimension_numbers = #tpu.dot_dimension_numbers<[0], [0], [1], [1], [0, 1, 1, 1], [], []>, transpose_lhs_hint = false} : vector<624x128xbf16>, vector<624x1024xbf16>, vector<128x1024xf32> -> vector<128x1024xf32>
    %max3A_406 = arith.maximumf %dot_general3A_393, %dot_general3A_405 : vector<128x1024xf32>
    %swap3A_407 = arith.constant 5 : index
    %swap3A_408 = arith.constant 0 : index
    %swap3A_409 = arith.constant 0 : index
    %swap3A_410 = vector.load %arg7[%swap3A_407, %swap3A_408, %swap3A_409] : memref<6x128x1024xf32, #tpu.memory_space<vmem>>, vector<1x128x1024xf32>
    %swap3A_411 = vector.shape_cast %swap3A_410 : vector<1x128x1024xf32> to vector<128x1024xf32>
    %swap3A_412 = vector.shape_cast %max3A_406 : vector<128x1024xf32> to vector<1x128x1024xf32>
    tpu.vector_store %arg7[%swap3A_407, %swap3A_408, %swap3A_409], %swap3A_412 {strides = array<i32>} : memref<6x128x1024xf32, #tpu.memory_space<vmem>>, vector<1x128x1024xf32>,
    return
  }
  func.func @transform_0(%arg0: i32) -> (i32, i32, i32) {
    %c0_i32 = arith.constant 0 : i32
    %c0_i32_0 = arith.constant 0 : i32
    %c0_i32_1 = arith.constant 0 : i32
    return %c0_i32, %c0_i32_0, %arg0 : i32, i32, i32
  }
  func.func @transform_1(%arg0: i32) -> (i32, i32) {
    %c0_i32 = arith.constant 0 : i32
    %c0_i32_0 = arith.constant 0 : i32
    return %c0_i32, %arg0 : i32, i32
  }
  func.func @transform_2(%arg0: i32) -> (i32, i32, i32) {
    %c0_i32 = arith.constant 0 : i32
    %c0_i32_0 = arith.constant 0 : i32
    %c0_i32_1 = arith.constant 0 : i32
    %c0_i32_2 = arith.constant 0 : i32
    return %c0_i32, %c0_i32_0, %c0_i32_1 : i32, i32, i32
  }
  func.func @transform_3(%arg0: i32) -> (i32, i32) {
    %c0_i32 = arith.constant 0 : i32
    %c0_i32_0 = arith.constant 0 : i32
    %c0_i32_1 = arith.constant 0 : i32
    return %c0_i32, %c0_i32_0 : i32, i32
  }
  func.func @transform_4(%arg0: i32) -> i32 {
    %c0_i32 = arith.constant 0 : i32
    %c0_i32_0 = arith.constant 0 : i32
    return %c0_i32 : i32
  }
  func.func @transform_5(%arg0: i32) -> (i32, i32, i32) {
    %c0_i32 = arith.constant 0 : i32
    %c0_i32_0 = arith.constant 0 : i32
    %c0_i32_1 = arith.constant 0 : i32
    %c0_i32_2 = arith.constant 0 : i32
    return %c0_i32, %c0_i32_0, %c0_i32_1 : i32, i32, i32
  }
  func.func @transform_6(%arg0: i32) -> (i32, i32, i32) {
    %c0_i32 = arith.constant 0 : i32
    %c0_i32_0 = arith.constant 0 : i32
    %c0_i32_1 = arith.constant 0 : i32
    return %c0_i32, %c0_i32_0, %arg0 : i32, i32, i32
  }
}

</mosaic_0001>

<sc_bundles>
// kernel: _run.4.cloned.1.call-start
scs
__scs_entry_jumppad:
0x0: {  	(pc) =	sbr.rel $0x88, $3  }
0x1: {  	(tag) =	ssettag $0x0;
	lr =	simm.s32 $0x1  }
0x2: {  	[smem:$0x3F9D] =	sst lr;
	_ =	strace $0xD0000000  }
0x3: {  	_ = 	snop  }
0x4: {  	_ = 	snop  }
0x5: {  	_ = 	snop  }
0x6: {  	_ = 	snop  }
0x7: {  	_ = 	snop  }
__scs_overlays_trampoline_lowered:
0x8: {  	[smem:$0x3FAC] =	sst s0  }
0x9: {  	[smem:$0x3FAD] =	sst s1  }
0xa: {  	[smem:$0x3FAE] =	sst s2  }
0xb: {  	[smem:$0x3FAF] =	sst s3  }
0xc: {  	[smem:$0x3FB0] =	sst s4  }
0xd: {  	[smem:$0x3FB1] =	sst s5  }
0xe: {  	[smem:$0x3FB2] =	sst s6  }
0xf: {  	[smem:$0x3FB3] =	sst s7  }
0x10: {  	[smem:$0x3FB4] =	sst s8  }
0x11: {  	[smem:$0x3FB5] =	sst s9;
	s0 =	simm.s32 @!p0 $0x0  }
0x12: {  	s1 =	sld [smem:$0x3F9B];
	s0 =	simm.s32 @p0 $0x1  }
0x13: {  	[smem:$0x3FB6] =	sst s0;
	s0 =	simm.s32 @!p1 $0x0  }
0x14: {  	s2 =	sld [smem:$0x3F9A];
	s0 =	simm.s32 @p1 $0x1  }
0x15: {  	[smem:$0x3FB7] =	sst s0;
	s0 =	simm.s32 @!p2 $0x0  }
0x16: {  	s3 =	sld [smem:$0x3FDB];
	s0 =	simm.s32 @p2 $0x1  }
0x17: {  	s4 =	simm.s32 $0x1BF5;
	[smem:$0x3FB9] =	sst s0  }
0x18: {  	s0 =	sld [smem:$0x3F9C];
	_ =	swait.ge [sflag:s4], $0x0  }
0x19: {  	s7 =	sld [smem:$0x3F9D]  }
0x1a: {  	s8 =	sadd.s32 $0xFFFFE003, lr  }
0x1b: {  	s9 =	sadd.s32 $0xFFFFFEF7, lr;
	s5 =	simm.s32 $0xFFFFFFFF;
	p2 =	slt.u32 s8, $0xFFFFF086  }
0x1c: {  	p1 =	slt.u32 s9, $0xF7A;
	s5 =	simm.s32 @!p2 $0x0  }
0x1d: {  	s5 =	simm.s32 @p1 $0x1;
	p0 =	seq.s32 s7, s2  }
0x1e: {  	s7 =	smul.u32 @!p0 $0xF7A, s2;
	p2 =	seq.s32 @!p0 s5, $0x0  }
0x1f: {  	s9 =	smul.u32 $0xF7A, s1;
	s8 =	simm.s32 @!p0 $0x1BF5;
	p2 =	por !p2, p0  }
0x20: {  	[sflag:s8] =	ssyncset.s32 @!p0 $0xFFFFF086;
	s6 =	sadd.s32 @!p0 s3, s7;
	s7 =	simm.s32 @!p0 $0x108  }
0x21: {  	s3 =	sadd.s32 s3, s9;
	s6 =	sadd.s32 @!p0 $0x88, s6;
	s7 =	simm.s32 @p2 $0x1082  }
0x22: {  	[simem:s7], [sflag:s8] =	dma.local @!p0 [hbm:s6], $0xF7A  }
0x23: {  	s9 =	sor.u32 $0xD0000000, s2;
	s6 =	simm.s32 $0x108;
	_ =	swait.ge @!p0 [sflag:s8], $0x0  }
0x24: {  	s3 =	sadd.s32 $0x88, s3;
	s6 =	simm.s32 @!p1 $0x1082;
	[sflag:s4] =	ssyncset.s32 $0xFFFFF086  }
0x25: {  	[simem:s6], [sflag:s4] =	dma.local [hbm:s3], $0xF7A  }
0x26: {  	[smem:$0x3F9D] =	sst s1;
	(tag) =	ssettag s2;
	_ =	strace s9  }
0x27: {  	s1 =	sld [smem:$0x3FAD]  }
0x28: {  	s2 =	sld [smem:$0x3FAE]  }
0x29: {  	s4 =	sld [smem:$0x3FB0]  }
0x2a: {  	p0 =	seq.s32 s5, $0x0;
	s5 =	sld [smem:$0x3FB1]  }
0x2b: {  	s6 =	sld [smem:$0x3FB2]  }
0x2c: {  	s7 =	sld [smem:$0x3FB3]  }
0x2d: {  	s3 =	simm.s32 $0x108;
	s8 =	sld [smem:$0x3FB4]  }
0x2e: {  	s3 =	simm.s32 @!p0 $0x1082;
	s9 =	sld [smem:$0x3FB5]  }
0x2f: {  	lr =	sadd.s32 s0, s3;
	s0 =	sld [smem:$0x3FAC]  }
0x30: {  	s3 =	sld [smem:$0x3FAF]  }
0x31: {  	[smem:$0x3FB8] =	sst s10  }
0x32: {  	s10 =	sld [smem:$0x3FB6];
	_ =	sdelay $0x3  }
0x33: {  	p0 =	seq.s32 s10, $0x1;
	s10 =	sld [smem:$0x3FB8];
	_ =	sdelay $0x3  }
0x34: {  	[smem:$0x3FB8] =	sst s10  }
0x35: {  	s10 =	sld [smem:$0x3FB7];
	_ =	sdelay $0x3  }
0x36: {  	p1 =	seq.s32 s10, $0x1;
	s10 =	sld [smem:$0x3FB8];
	_ =	sdelay $0x3  }
0x37: {  	[smem:$0x3FB8] =	sst s10  }
0x38: {  	s10 =	sld [smem:$0x3FB9]  }
0x39: {  	_ = 	snop;
	(pc) =	sbr.ind lr, $3  }
0x3a: {  	_ = 	snop  }
0x3b: {  	_ = 	snop  }
0x3c: {  	p2 =	seq.s32 s10, $0x1;
	s10 =	sld [smem:$0x3FB8]  }
0x3d: {  	_ =	shalt  }
0x3e: {  	_ =	shalt  }
0x3f: {  	_ =	shalt  }
0x40: {  	_ =	shalt  }
0x41: {  	_ =	shalt  }
0x42: {  	_ =	shalt  }
0x43: {  	_ =	shalt  }
0x44: {  	_ =	shalt  }
0x45: {  	_ =	shalt  }
0x46: {  	_ =	shalt  }
0x47: {  	_ =	shalt  }
0x48: {  	_ =	shalt  }
0x49: {  	_ =	shalt  }
0x4a: {  	_ =	shalt  }
0x4b: {  	_ =	shalt  }
0x4c: {  	_ =	shalt  }
0x4d: {  	_ =	shalt  }
0x4e: {  	_ =	shalt  }
0x4f: {  	_ =	shalt  }
0x50: {  	_ =	shalt  }
0x51: {  	_ =	shalt  }
0x52: {  	_ =	shalt  }
0x53: {  	_ =	shalt  }
0x54: {  	_ =	shalt  }
0x55: {  	_ =	shalt  }
0x56: {  	_ =	shalt  }
0x57: {  	_ =	shalt  }
0x58: {  	_ =	shalt  }
0x59: {  	_ =	shalt  }
0x5a: {  	_ =	shalt  }
0x5b: {  	_ =	shalt  }
0x5c: {  	_ =	shalt  }
0x5d: {  	_ =	shalt  }
0x5e: {  	_ =	shalt  }
0x5f: {  	_ =	shalt  }
0x60: {  	_ =	shalt  }
0x61: {  	_ =	shalt  }
0x62: {  	_ =	shalt  }
0x63: {  	_ =	shalt  }
0x64: {  	_ =	shalt  }
0x65: {  	_ =	shalt  }
0x66: {  	_ =	shalt  }
0x67: {  	_ =	shalt  }
0x68: {  	_ =	shalt  }
0x69: {  	_ =	shalt  }
0x6a: {  	_ =	shalt  }
0x6b: {  	_ =	shalt  }
0x6c: {  	_ =	shalt  }
0x6d: {  	_ =	shalt  }
0x6e: {  	_ =	shalt  }
0x6f: {  	_ =	shalt  }
0x70: {  	_ =	shalt  }
0x71: {  	_ =	shalt  }
0x72: {  	_ =	shalt  }
0x73: {  	_ =	shalt  }
0x74: {  	_ =	shalt  }
0x75: {  	_ =	shalt  }
0x76: {  	_ =	shalt  }
0x77: {  	_ =	shalt  }
0x78: {  	_ =	shalt  }
0x79: {  	_ =	shalt  }
0x7a: {  	_ =	shalt  }
0x7b: {  	_ =	shalt  }
0x7c: {  	_ =	shalt  }
0x7d: {  	_ =	shalt  }
0x7e: {  	_ =	shalt  }
0x7f: {  	_ =	shalt  }
0x80: {  	_ =	shalt  }
0x81: {  	_ =	shalt  }
0x82: {  	_ =	shalt  }
0x83: {  	_ =	shalt  }
0x84: {  	_ =	shalt  }
0x85: {  	_ =	shalt  }
0x86: {  	_ =	shalt  }
0x87: {  	_ =	shalt  }
.Lfunc_end0:
.L_simem_size_0:
called_computation_lowered:
.L_overlay_start_0:
0x88: {  	s2 =	sld [smem:$0x3FD9]  }
0x89: {  	s3 =	sld [smem:$0x3FFE];
	_ =	sdelay $0x1  }
0x8a: {  	s1 =	srdreg.scid  }
0x8b: {  	s0 =	sand.u32 $0x1, s1  }
0x8c: {  	s17 =	sshll.u32 s0, $0xA;
	s2 =	sadd.s32 s3, s2  }
0x8d: {  	s2 =	sadd.s32 s2, s17  }
0x8e: {  	[smem:$0x3FC4] =	sst s2  }
0x8f: {  	_ = 	snop  }
0x90: {  	s2 =	sld [smem:$0x3FD0];
	(tm) =	ssettm $0x1  }
0x91: {  	s18 =	sld [smem:$0x3FFB];
	_ =	sdelay $0x3  }
0x92: {  	_ =	strace s18  }
0x93: {  	s3 =	sld [smem:$0x3FFC];
	_ =	sdelay $0x3  }
0x94: {  	_ =	strace s3  }
0x95: {  	s3 =	sld [smem:$0x3FFD];
	_ =	sdelay $0x3  }
0x96: {  	_ =	strace s3  }
0x97: {  	_ =	strace $0x8FFFFFFF  }
0x98: {  	s19 =	sld [smem:$0x3FDB];
	_ =	sdelay $0x1  }
0x99: {  	s4 =	simm.s32 $_scs_section_size  }
0x9a: {  	s5 =	simm.s32 $_size__tile_overlayer_lowered;
	s6 =	simm.s32 $_tile_overlayer_lowered  }
0x9b: {  	s22 =	simm.s32 $0x1BFF;
	s21 =	sshll.u32 s6, $0x1;
	s3 =	sadd.s32 s4, s19  }
0x9c: {  	s7 =	simm.s32 $0x0;
	s20 =	sshll.u32 s5, $0x1;
	s5 =	sadd.s32 s21, s3  }
0x9d: {  	[timem:s7], [sflag:s22] =	dma.local [hbm:s5], s20  }
0x9e: {  	_ =	swait.ge [sflag:s22], s20  }
0x9f: {  	s4 =	ssub.s32 $0x0, s20;
	[sflag:s22] =	ssyncset.done $0x0  }
0xa0: {  	[sflag:s22] =	ssyncadd.s32 s4;
	_ =	sdelay $0x1  }
0xa1: {  	s23 =	simm.s32 $0x1B8B  }
0xa2: {  	_ =	swait.ge [sflag:s23], $0x1  }
0xa3: {  	[sflag:s23] =	ssyncset.done $0x0  }
0xa4: {  	s25 =	simm.s32 $0x1B8E;
	s24 =	sld [smem:$0x3FFE];
	[sflag:s23] =	ssyncadd.s32 $0xFFFFFFFF  }
0xa5: {  	s26 =	simm.s32 $execute0_lowered;
	[smem:$0x3FD2] =	sst s25  }
0xa6: {  	s5 =	sshll.u32 s26, $0x1;
	_ =	strace $0x80000046;
	[dreg:$0x1] =	wrdreg $0xFFFFFFFF  }
0xa7: {  	s28 =	simm.s32 $_size_execute0_lowered;
	s3 =	sadd.s32 s3, s5;
	[dreg:$0x0] =	wrdreg $0x0  }
0xa8: {  	s5 =	sshll.u32 s28, $0x1;
	[dreg:$0x2] =	wrdreg s3  }
0xa9: {  	[dreg:$0x3] =	wrdreg s5  }
0xaa: {  	[dreg:$0x4] =	wrdreg $0xC0  }
0xab: {  	_ =	task [dreg:s7], $0x5FFFF  }
0xac: {  	[dreg:$0x1] =	wrdreg $0xFFFFFFFF  }
0xad: {  	[dreg:$0x0] =	wrdreg $0x60  }
0xae: {  	[dreg:$0x2] =	wrdreg s24  }
0xaf: {  	[dreg:$0x3] =	wrdreg s2  }
0xb0: {  	[dreg:$0x4] =	wrdreg $0x9  }
0xb1: {  	_ =	task.clear_ibuf [dreg:s7], $0x5FFFF;
	_ =	strace $0x90000046  }
0xb2: {  	s29 =	simm.s32 $0x9;
	_ =	strace $0x80000048  }
0xb3: {  	_ =	swait.ge [sflag:s29], $0x1  }
0xb4: {  	[sflag:s29] =	ssyncadd.s32 $0xFFFFFFFF  }
0xb5: {  	_ =	strace $0x90000048  }
0xb6: {  	_ =	sfence  }
0xb7: {  	s30 =	sld [smem:$0x0];
	_ =	sdelay $0x2  }
0xb8: {  	s31 =	sshll.u32 s1, $0xD;
	s1 =	sshrl.u32 s1, $0x2  }
0xb9: {  	s3 =	sand.u32 $0x4000, s31;
	s1 =	sadd.s32 s1, s30  }
0xba: {  	s0 =	sor.u32 s3, s0;
	s1 =	sshll.u32 s1, $0x11  }
0xbb: {  	s0 =	sor.u32 s1, s0  }
0xbc: {  	s0 =	sadd.s32 $0x8F2B, s0  }
0xbd: {  	[sflag:s0] =	ssyncadd.remote.s32 $0x1  }
0xbe: {  	_ =	sfence.sel $0xFFFF  }
0xbf: {  	[dreg:$0x0] =	wrdreg $0xFFFFFFFF;
	(pc) =	sbr.abs _section_cstart, $3  }
0xc0: {  	[dreg:$0x1] =	wrdreg $0xFFFFFFFF  }
0xc1: {  	_ =	task.clear_ibuf [dreg:s7], $0x2FFFF;
	_ =	strace $0x9FFFFFFF  }
0xc2: {  	(tm) =	ssettm $0x7FFFFFFF  }
0xc3: {  	_ =	shalt  }
tec
execute0_lowered:
.L_overlay_start_1:
0x0: {  	(tag) =	ssettag $0x1  }
0x1: {  	s4 =	rddreg [dreg:$0x0];
	s1 =	srdreg.scid  }
0x2: {  	s0 =	stileid.u32;
	s5 =	rddreg [dreg:$0x1]  }
0x3: {  	s2 =	simm.s32 $0x0;
	s3 =	sand.u32 $0x1, s1;
	s6 =	sshll.u32 s0, $0x1  }
0x4: {  	s10 =	simm.s32 $0x8C00;
	s11 =	simm.s32 $0xA000;
	s6 =	sor.u32 s3, s6  }
0x5: {  	s12 =	simm.s32 $0xB400;
	s1 =	rddreg [dreg:$0x2];
	s6 =	smul.u32 $0x1400, s6  }
0x6: {  	s13 =	simm.s32 $0x0;
	[smem:$0x7FF] =	sst s2;
	s7 =	ssub.s32 $0x2, s3  }
0x7: {  	_ =	strace $0x80000047;
	s8 =	sshrl.u32 s7, $0x1;
	s6 =	sshrl.u32 s6, $0x3  }
0x8: {  	s3 =	sadd.s32 $0x1400, s4;
	s8 =	ssub.s32 s7, s8;
	s9 =	sadd.s32 s6, s4  }
0x9: {  	s8 =	smax.u32 s8, $0x1;
	s4 =	sadd.s32 s5, s6;
	s5 =	sadd.s32 $0x2400, s9  }
0xa: {  	s6 =	sadd.s32 $0x5000, s4;
	s7 =	sadd.s32 $0xA000, s4;
	s9 =	simm.s32 $0x1  }
.LBB2_1:
0xb: {  	[tilespmem:s2], [sflag:$0x1] =	stream.linear.gather [hbm4b:s3+s2], $0x7800, $0x38;
	[tilespmem:$0xC800] =	vst v63  }
0xc: {  	_ =	swait.ge [sflag:s9], $0x7800  }
0xd: {  	[sflag:s9] =	ssyncset.done $0x0  }
0xe: {  	s14 =	simm.s32 $0x7800;
	[sflag:s9] =	ssyncadd.s32 $0xFFFF8800  }
0xf: {  	[tilespmem:s14], [sflag:$0x1] =	stream.linear.gather [hbm4b:s5+s2], $0x1400, $0x38;
	[tilespmem:$0xC800] =	vst v63  }
0x10: {  	_ =	swait.ge [sflag:s9], $0x1400  }
0x11: {  	[sflag:s9] =	ssyncset.done $0x0  }
0x12: {  	[sflag:s9] =	ssyncadd.s32 $0xFFFFEC00  }
0x13: {  	v0 =	vld [tilespmem:s14+$0x0];
	_ =	sdelay $0x7  }
0x14: {  	v1 =	vld.idx.msk [tilespmem:v0+s2+$0x0], $0xffff  }
0x15: {  	v2 =	vadd.s32 $0x2800, v0;
	_ =	sdelay $0x3  }
0x16: {  	[tilespmem:s10+$0x0] =	vst v1  }
0x17: {  	v1 =	vld.idx.msk [tilespmem:v2+s2+$0x0], $0xffff  }
0x18: {  	v0 =	vadd.s32 $0x5000, v0;
	_ =	sdelay $0x2  }
0x19: {  	s17 =	sand.u32 $0x1FF0, s2  }
0x1a: {  	[tilespmem:s17+$0xA000] =	vst v1  }
0x1b: {  	s15 =	simm.s32 $0x10;
	s16 =	simm.s32 $0x8C00;
	v0 =	vld.idx.msk [tilespmem:v0+s2+$0x0], $0xffff  }
.LBB2_2:
0x1c: {  	_ =	sdelay $0x3  }
0x1d: {  	p0 =	sne.s32 s15, $0x13F0;
	s14 =	sadd.s32 $0x10, s14;
	s16 =	sadd.s32 $0x10, s16;
	[tilespmem:s17+$0xB400] =	vst v0  }
0x1e: {  	s17 =	smov.u32 s15;
	s15 =	sadd.s32 $0x10, s15;
	v0 =	vld [tilespmem:s14+$0x0];
	_ =	sdelay $0x7  }
0x1f: {  	v1 =	vld.idx.msk [tilespmem:v0+s2+$0x0], $0xffff;
	_ =	sdelay $0x1  }
0x20: {  	v2 =	vadd.s32 $0x2800, v0;
	_ =	sdelay $0x3  }
0x21: {  	[tilespmem:s16+$0x0] =	vst v1  }
0x22: {  	v1 =	vld.idx.msk [tilespmem:v2+s2+$0x0], $0xffff;
	_ =	sdelay $0x1  }
0x23: {  	v0 =	vadd.s32 $0x5000, v0  }
.Ltmp0:
0x24: {  	(pc) =	sbr.rel @p0 .LBB2_2-.Ltmp0, $4  }
0x25: {  	_ = 	snop  }
0x26: {  	s17 =	sand.u32 $0x1FF0, s17  }
0x27: {  	[tilespmem:s17+$0xA000] =	vst v1  }
0x28: {  	v0 =	vld.idx.msk [tilespmem:v0+s2+$0x0], $0xffff  }
0x29: {  	_ =	sdelay $0x3  }
0x2a: {  	[tilespmem:s17+$0xB400] =	vst v0  }
0x2b: {  	[hbm4b:s4+s2] =	stream.linear.scatter [tilespmem:s10], [sflag:$0x1], $0x1400, $0x38;
	[tilespmem:$0xC800] =	vst v63  }
0x2c: {  	_ =	swait.ge [sflag:s9], $0x1400  }
0x2d: {  	[sflag:s9] =	ssyncset.done $0x0  }
0x2e: {  	[sflag:s9] =	ssyncadd.s32 $0xFFFFEC00  }
0x2f: {  	[hbm4b:s6+s2] =	stream.linear.scatter [tilespmem:s11], [sflag:$0x1], $0x1400, $0x38;
	[tilespmem:$0xC800] =	vst v63  }
0x30: {  	s13 =	sadd.s32 $0x1, s13;
	_ =	swait.ge [sflag:s9], $0x1400  }
0x31: {  	p0 =	sne.s32 s13, s8;
	[sflag:s9] =	ssyncset.done $0x0  }
.Ltmp1:
0x32: {  	[sflag:s9] =	ssyncadd.s32 $0xFFFFEC00;
	(pc) =	sbr.rel @p0 .LBB2_1-.Ltmp1, $4  }
0x33: {  	[hbm4b:s7+s2] =	stream.linear.scatter [tilespmem:s12], [sflag:$0x1], $0x1400, $0x38;
	[tilespmem:$0xC800] =	vst v63  }
0x34: {  	_ =	swait.ge [sflag:s9], $0x1400  }
0x35: {  	[sflag:s9] =	ssyncset.done $0x0  }
0x36: {  	[sflag:s9] =	ssyncadd.s32 $0xFFFFEC00  }
0x37: {  	_ =	sfence.sel $0x180000  }
0x38: {  	[bflag:$0x0] =	sbarrier.arrive $0xFFFF  }
0x39: {  	p0 =	sne.s32 s0, $0x0;
	_ =	strace $0x90000047  }
0x3a: {  	s0 =	sadd.s32 @!p0 $0x100000, s1;
	[bflag:$0x2] =	sbarrier.arrive $0xFFFF  }
0x3b: {  	[sflag:s0] =	ssyncadd.tile.s32 @!p0 $0x1;
	_ =	shalt  }
.Lfunc_end2:
_tile_overlayer_lowered:
.L_overlay_start_2:
0x3c: {  	(tag) =	ssettag $0x2  }
0x3d: {  	s0 =	rddreg [dreg:$0x0];
	s2 =	stileid.u32  }
0x3e: {  	s1 =	rddreg [dreg:$0x1];
	p0 =	sne.s32 s2, $0x0  }
0x3f: {  	s3 =	rddreg [dreg:$0x2];
	[bflag:$0x3] =	sbarrier.arrive $0xFFFF;
	s2 =	simm.s32 @!p0 $0x1C01  }
0x40: {  	[timem:s3], [sflag:s2] =	dma.local @!p0 [hbm:s0], s1  }
0x41: {  	s0 =	simm.s32 @!p0 $0x1  }
0x42: {  	_ =	swait.ge @!p0 [sflag:s0], s1  }
0x43: {  	s1 =	ssub.s32 @!p0 $0x0, s1;
	[sflag:s0] =	ssyncset.done @!p0 $0x0  }
0x44: {  	[sflag:s0] =	ssyncadd.s32 @!p0 s1  }
0x45: {  	[bflag:$0x3] =	sbarrier.arrive $0xFFFF  }
0x46: {  	_ =	shalt  }

</sc_bundles>
